<compile_context>
chip_gen: v7x
topology: tpu7x:2x2x1
jax: 0.10.2.dev20260603
libtpu: 0.0.44.dev20260713+nightly
codegen_flags: <defaults>
</compile_context>

<pallas_src>
import functools

import jax
import jax.numpy as jnp
from jax import lax
from jax.experimental import pallas as pl
from jax.experimental.pallas import tpu as pltpu
from jax.experimental.pallas import tpu_sc as plsc


@functools.lru_cache(maxsize=None)
def _make_gather(V, D, B):
    info = plsc.get_sparse_core_info()
    NC, NS, L = info.num_cores, info.num_subcores, info.num_lanes
    NW = NC * NS
    assert B % (8 * NW) == 0 and D == 64
    b_per_w = B // NW
    chunk = 16
    n_chunks = b_per_w // chunk
    groups_per_chunk = chunk // L
    mesh = plsc.VectorSubcoreMesh(core_axis_name="c", subcore_axis_name="s")

    @functools.partial(
        pl.kernel,
        mesh=mesh,
        out_type=jax.ShapeDtypeStruct((B, 2 * D), jnp.float32),
        scratch_types=[
            pltpu.VMEM((b_per_w,), jnp.int32),
            pltpu.VMEM((2, chunk, 8, D), jnp.float32),
            pltpu.VMEM((b_per_w, 2 * D), jnp.float32),
            pltpu.SemaphoreType.DMA((2,)),
        ],
    )
    def k(tbl_hbm, idx_hbm, out_hbm, lab_v, slots_v, outb_v, sem):
        wid = lax.axis_index("s") * NC + lax.axis_index("c")
        base = wid * b_per_w
        pltpu.sync_copy(idx_hbm.at[pl.ds(base, b_per_w)], lab_v)

        def fire(c):
            buf = c % 2
            for g in range(groups_per_chunk):
                lab16 = lab_v[pl.ds(c * chunk + g * L, L)]
                for kk in range(L):
                    lb = pl.multiple_of((lab16[kk] >> 3) * 8, 8)
                    pltpu.async_copy(
                        tbl_hbm.at[pl.ds(lb, 8), :],
                        slots_v.at[buf, g * L + kk],
                        sem.at[buf],
                    )

        fire(0)

        def per_chunk(c, carry):
            buf = c % 2

            @pl.when(c + 1 < n_chunks)
            def _():
                fire(c + 1)

            for _ in range(chunk):
                pltpu.make_async_copy(
                    tbl_hbm.at[pl.ds(0, 8), :], slots_v.at[0, 0], sem.at[buf]
                ).wait()
            for g in range(groups_per_chunk):
                lab16 = lab_v[pl.ds(c * chunk + g * L, L)]
                for kk in range(L):
                    i = g * L + kk
                    h = lab16[kk] & 7
                    for dd in range(D // L):
                        outb_v[c * chunk + i, pl.ds(dd * L, L)] = (
                            slots_v[buf, i, h, pl.ds(dd * L, L)]
                        )
            return carry

        lax.fori_loop(0, n_chunks, per_chunk, 0)
        pltpu.sync_copy(outb_v, out_hbm.at[pl.ds(base, b_per_w)])

    return k


def kernel(labels, table):
    B, = labels.shape
    V, D = table.shape
    out128 = _make_gather(V, D, B)(table, labels.astype(jnp.int32))
    return out128[:, :D]

# --- scband reference (transcript-rebuilt; emitter-appended) ---
"""Pipeline reference for scband-label-embedder-11871289606884 (READ-ONLY COPY).

The authoritative reference and input builder live on the scoring server;
editing this copy changes nothing except your own understanding.
"""

import jax, jax.numpy as jnp
import numpy as np

NUM_CLASSES = 1000000
N_EMBD = 64
BATCH = 16384

def setup_inputs(seed: int = 0) -> dict:
    key = jax.random.key(seed)
    k_idx, k_tab = jax.random.split(key)
    labels = jax.random.randint(k_idx, (BATCH,), 0, NUM_CLASSES, dtype=jnp.int64 if jax.config.jax_enable_x64 else jnp.int32)
    table = jax.random.normal(k_tab, (NUM_CLASSES, N_EMBD), dtype=jnp.float32)
    return {"labels": labels, "table": table}

def reference(labels, table):
    # nn.Embedding forward: row gather from the embedding table
    return jnp.take(table, labels, axis=0)

if __name__ == "__main__":
    import jax
    _d = setup_inputs()
    print(jax.jit(kernel)(*tuple(_d.values())))

</pallas_src>

<mosaic_0001>
#map = affine_map<(d0, d1) -> (0, 0)>
#map1 = affine_map<(d0, d1) -> (0)>
module attributes {stable_mosaic.version = 14 : i64} {
  func.func @k(%arg0: i32, %arg1: i32, %arg2: memref<1000000x64xf32, #tpu.memory_space<hbm>>, %arg3: memref<16384xi32, #tpu.memory_space<hbm>>, %arg4: memref<16384x128xf32, #tpu.memory_space<hbm>>, %arg5: memref<512xi32, #tpu.memory_space<vmem>>, %arg6: memref<2x16x8x64xf32, #tpu.memory_space<vmem>>, %arg7: memref<512x128xf32, #tpu.memory_space<vmem>>, %arg8: memref<2x!tpu.dma_semaphore, #tpu.memory_space<semaphore_mem>>) attributes {dimension_semantics = [#tpu.dimension_semantics<core_parallel>, #tpu.dimension_semantics<subcore_parallel>], iteration_bounds = array<i64: 2, 16>, scalar_prefetch = 0 : i64, scratch_operands = 4 : i64, tpu.core_type = #tpu.core_type<sc_vector_subcore>, window_params = [{transform_indices = #map}, {transform_indices = #map1}, {transform_indices = #map}]} {
    %mul3A = arith.constant 2 : i32
    %mul3A_0 = arith.muli %arg1, %mul3A : i32
    %add3A = arith.addi %mul3A_0, %arg0 : i32
    %mul3A_1 = arith.constant 512 : i32
    %mul3A_2 = arith.muli %add3A, %mul3A_1 : i32
    "tpu.region"() ({
      %run_scoped3A = tpu.sem_alloc : memref<!tpu.dma_semaphore, #tpu.memory_space<semaphore_mem>>
      %dma_start3A_389 = tpu.memref_slice %arg3[%mul3A_2] : memref<16384xi32, #tpu.memory_space<hbm>> -> memref<512xi32, #tpu.memory_space<hbm>>
      %dma_start3A_390 = tpu.memref_slice %arg3[%mul3A_2] : memref<16384xi32, #tpu.memory_space<hbm>> -> memref<512xi32, #tpu.memory_space<hbm>>
      tpu.enqueue_dma source(%dma_start3A_390 : memref<512xi32, #tpu.memory_space<hbm>>) target(%arg5 : memref<512xi32, #tpu.memory_space<vmem>>) target_semaphore(%run_scoped3A : memref<!tpu.dma_semaphore, #tpu.memory_space<semaphore_mem>>)
      %dma_wait3A = tpu.memref_slice %arg3[%mul3A_2] : memref<16384xi32, #tpu.memory_space<hbm>> -> memref<512xi32, #tpu.memory_space<hbm>>
      %dma_wait3A_391 = tpu.memref_slice %arg3[%mul3A_2] : memref<16384xi32, #tpu.memory_space<hbm>> -> memref<512xi32, #tpu.memory_space<hbm>>
      tpu.wait_dma2 semaphore(%run_scoped3A : memref<!tpu.dma_semaphore, #tpu.memory_space<semaphore_mem>>) src(%dma_wait3A_391 : memref<512xi32, #tpu.memory_space<hbm>>) dst(%arg5 : memref<512xi32, #tpu.memory_space<vmem>>)
      tpu.yield
    }) : () -> ()
    %get3A = arith.constant 0 : index
    %get3A_3 = tpu.vector_load %arg5[%get3A] {strides = array<i32>} : memref<512xi32, #tpu.memory_space<vmem>>, vector<16xi32>,
    %get3A_4 = vector.shape_cast %get3A_3 : vector<16xi32> to vector<16xi32>
    %slice3A = vector.extract_strided_slice %get3A_4 {offsets = [0], sizes = [1], strides = [1]} : vector<16xi32> to vector<1xi32>
    %squeeze3A = vector.extract %slice3A[0] : i32 from vector<1xi32>
    %shift_right_arithmetic3A = arith.constant 3 : i32
    %shift_right_arithmetic3A_5 = arith.shrsi %squeeze3A, %shift_right_arithmetic3A : i32
    %mul3A_6 = arith.constant 8 : i32
    %mul3A_7 = arith.muli %shift_right_arithmetic3A_5, %mul3A_6 : i32
    %multiple_of3A = tpu.assume_multiple %mul3A_7, 8 : i32
    %dma_start3A = arith.constant 0 : i32
    %dma_start3A_8 = arith.constant 0 : i32
    %dma_start3A_9 = arith.constant 0 : i32
    %dma_start3A_10 = arith.constant 0 : i32
    %dma_start3A_11 = arith.constant 0 : i32
    %dma_start3A_12 = tpu.memref_slice %arg6[%dma_start3A, %dma_start3A_8, %dma_start3A_10, %dma_start3A_11] : memref<2x16x8x64xf32, #tpu.memory_space<vmem>> -> memref<1x1x8x64xf32, #tpu.memory_space<vmem>>
    %dma_start3A_13 = tpu.memref_squeeze %dma_start3A_12 : memref<1x1x8x64xf32, #tpu.memory_space<vmem>> -> memref<8x64xf32, #tpu.memory_space<vmem>>
    %dma_start3A_14 = arith.constant 0 : i32
    %dma_start3A_15 = tpu.memref_slice %arg2[%multiple_of3A, %dma_start3A_14] : memref<1000000x64xf32, #tpu.memory_space<hbm>> -> memref<8x64xf32, #tpu.memory_space<hbm>>
    %dma_start3A_16 = tpu.memref_slice %arg8[%dma_start3A_9] : memref<2x!tpu.dma_semaphore, #tpu.memory_space<semaphore_mem>> -> memref<1x!tpu.dma_semaphore, #tpu.memory_space<semaphore_mem>>
    %dma_start3A_17 = tpu.memref_squeeze %dma_start3A_16 : memref<1x!tpu.dma_semaphore, #tpu.memory_space<semaphore_mem>> -> memref<!tpu.dma_semaphore, #tpu.memory_space<semaphore_mem>>
    %dma_start3A_18 = arith.constant 0 : i32
    %dma_start3A_19 = arith.constant 0 : i32
    %dma_start3A_20 = tpu.memref_slice %arg6[%dma_start3A, %dma_start3A_8, %dma_start3A_18, %dma_start3A_19] : memref<2x16x8x64xf32, #tpu.memory_space<vmem>> -> memref<1x1x8x64xf32, #tpu.memory_space<vmem>>
    %dma_start3A_21 = tpu.memref_squeeze %dma_start3A_20 : memref<1x1x8x64xf32, #tpu.memory_space<vmem>> -> memref<8x64xf32, #tpu.memory_space<vmem>>
    %dma_start3A_22 = arith.constant 0 : i32
    %dma_start3A_23 = tpu.memref_slice %arg2[%multiple_of3A, %dma_start3A_22] : memref<1000000x64xf32, #tpu.memory_space<hbm>> -> memref<8x64xf32, #tpu.memory_space<hbm>>
    tpu.enqueue_dma source(%dma_start3A_23 : memref<8x64xf32, #tpu.memory_space<hbm>>) target(%dma_start3A_21 : memref<8x64xf32, #tpu.memory_space<vmem>>) target_semaphore(%dma_start3A_17 : memref<!tpu.dma_semaphore, #tpu.memory_space<semaphore_mem>>)
    %slice3A_24 = vector.extract_strided_slice %get3A_4 {offsets = [1], sizes = [1], strides = [1]} : vector<16xi32> to vector<1xi32>
    %squeeze3A_25 = vector.extract %slice3A_24[0] : i32 from vector<1xi32>
    %shift_right_arithmetic3A_26 = arith.constant 3 : i32
    %shift_right_arithmetic3A_27 = arith.shrsi %squeeze3A_25, %shift_right_arithmetic3A_26 : i32
    %mul3A_28 = arith.constant 8 : i32
    %mul3A_29 = arith.muli %shift_right_arithmetic3A_27, %mul3A_28 : i32
    %multiple_of3A_30 = tpu.assume_multiple %mul3A_29, 8 : i32
    %dma_start3A_31 = arith.constant 0 : i32
    %dma_start3A_32 = arith.constant 1 : i32
    %dma_start3A_33 = arith.constant 0 : i32
    %dma_start3A_34 = arith.constant 0 : i32
    %dma_start3A_35 = arith.constant 0 : i32
    %dma_start3A_36 = tpu.memref_slice %arg6[%dma_start3A_31, %dma_start3A_32, %dma_start3A_34, %dma_start3A_35] : memref<2x16x8x64xf32, #tpu.memory_space<vmem>> -> memref<1x1x8x64xf32, #tpu.memory_space<vmem>>
    %dma_start3A_37 = tpu.memref_squeeze %dma_start3A_36 : memref<1x1x8x64xf32, #tpu.memory_space<vmem>> -> memref<8x64xf32, #tpu.memory_space<vmem>>
    %dma_start3A_38 = arith.constant 0 : i32
    %dma_start3A_39 = tpu.memref_slice %arg2[%multiple_of3A_30, %dma_start3A_38] : memref<1000000x64xf32, #tpu.memory_space<hbm>> -> memref<8x64xf32, #tpu.memory_space<hbm>>
    %dma_start3A_40 = tpu.memref_slice %arg8[%dma_start3A_33] : memref<2x!tpu.dma_semaphore, #tpu.memory_space<semaphore_mem>> -> memref<1x!tpu.dma_semaphore, #tpu.memory_space<semaphore_mem>>
    %dma_start3A_41 = tpu.memref_squeeze %dma_start3A_40 : memref<1x!tpu.dma_semaphore, #tpu.memory_space<semaphore_mem>> -> memref<!tpu.dma_semaphore, #tpu.memory_space<semaphore_mem>>
    %dma_start3A_42 = arith.constant 0 : i32
    %dma_start3A_43 = arith.constant 0 : i32
    %dma_start3A_44 = tpu.memref_slice %arg6[%dma_start3A_31, %dma_start3A_32, %dma_start3A_42, %dma_start3A_43] : memref<2x16x8x64xf32, #tpu.memory_space<vmem>> -> memref<1x1x8x64xf32, #tpu.memory_space<vmem>>
    %dma_start3A_45 = tpu.memref_squeeze %dma_start3A_44 : memref<1x1x8x64xf32, #tpu.memory_space<vmem>> -> memref<8x64xf32, #tpu.memory_space<vmem>>
    %dma_start3A_46 = arith.constant 0 : i32
    %dma_start3A_47 = tpu.memref_slice %arg2[%multiple_of3A_30, %dma_start3A_46] : memref<1000000x64xf32, #tpu.memory_space<hbm>> -> memref<8x64xf32, #tpu.memory_space<hbm>>
    tpu.enqueue_dma source(%dma_start3A_47 : memref<8x64xf32, #tpu.memory_space<hbm>>) target(%dma_start3A_45 : memref<8x64xf32, #tpu.memory_space<vmem>>) target_semaphore(%dma_start3A_41 : memref<!tpu.dma_semaphore, #tpu.memory_space<semaphore_mem>>)
    %slice3A_48 = vector.extract_strided_slice %get3A_4 {offsets = [2], sizes = [1], strides = [1]} : vector<16xi32> to vector<1xi32>
    %squeeze3A_49 = vector.extract %slice3A_48[0] : i32 from vector<1xi32>
    %shift_right_arithmetic3A_50 = arith.constant 3 : i32
    %shift_right_arithmetic3A_51 = arith.shrsi %squeeze3A_49, %shift_right_arithmetic3A_50 : i32
    %mul3A_52 = arith.constant 8 : i32
    %mul3A_53 = arith.muli %shift_right_arithmetic3A_51, %mul3A_52 : i32
    %multiple_of3A_54 = tpu.assume_multiple %mul3A_53, 8 : i32
    %dma_start3A_55 = arith.constant 0 : i32
    %dma_start3A_56 = arith.constant 2 : i32
    %dma_start3A_57 = arith.constant 0 : i32
    %dma_start3A_58 = arith.constant 0 : i32
    %dma_start3A_59 = arith.constant 0 : i32
    %dma_start3A_60 = tpu.memref_slice %arg6[%dma_start3A_55, %dma_start3A_56, %dma_start3A_58, %dma_start3A_59] : memref<2x16x8x64xf32, #tpu.memory_space<vmem>> -> memref<1x1x8x64xf32, #tpu.memory_space<vmem>>
    %dma_start3A_61 = tpu.memref_squeeze %dma_start3A_60 : memref<1x1x8x64xf32, #tpu.memory_space<vmem>> -> memref<8x64xf32, #tpu.memory_space<vmem>>
    %dma_start3A_62 = arith.constant 0 : i32
    %dma_start3A_63 = tpu.memref_slice %arg2[%multiple_of3A_54, %dma_start3A_62] : memref<1000000x64xf32, #tpu.memory_space<hbm>> -> memref<8x64xf32, #tpu.memory_space<hbm>>
    %dma_start3A_64 = tpu.memref_slice %arg8[%dma_start3A_57] : memref<2x!tpu.dma_semaphore, #tpu.memory_space<semaphore_mem>> -> memref<1x!tpu.dma_semaphore, #tpu.memory_space<semaphore_mem>>
    %dma_start3A_65 = tpu.memref_squeeze %dma_start3A_64 : memref<1x!tpu.dma_semaphore, #tpu.memory_space<semaphore_mem>> -> memref<!tpu.dma_semaphore, #tpu.memory_space<semaphore_mem>>
    %dma_start3A_66 = arith.constant 0 : i32
    %dma_start3A_67 = arith.constant 0 : i32
    %dma_start3A_68 = tpu.memref_slice %arg6[%dma_start3A_55, %dma_start3A_56, %dma_start3A_66, %dma_start3A_67] : memref<2x16x8x64xf32, #tpu.memory_space<vmem>> -> memref<1x1x8x64xf32, #tpu.memory_space<vmem>>
    %dma_start3A_69 = tpu.memref_squeeze %dma_start3A_68 : memref<1x1x8x64xf32, #tpu.memory_space<vmem>> -> memref<8x64xf32, #tpu.memory_space<vmem>>
    %dma_start3A_70 = arith.constant 0 : i32
    %dma_start3A_71 = tpu.memref_slice %arg2[%multiple_of3A_54, %dma_start3A_70] : memref<1000000x64xf32, #tpu.memory_space<hbm>> -> memref<8x64xf32, #tpu.memory_space<hbm>>
    tpu.enqueue_dma source(%dma_start3A_71 : memref<8x64xf32, #tpu.memory_space<hbm>>) target(%dma_start3A_69 : memref<8x64xf32, #tpu.memory_space<vmem>>) target_semaphore(%dma_start3A_65 : memref<!tpu.dma_semaphore, #tpu.memory_space<semaphore_mem>>)
    %slice3A_72 = vector.extract_strided_slice %get3A_4 {offsets = [3], sizes = [1], strides = [1]} : vector<16xi32> to vector<1xi32>
    %squeeze3A_73 = vector.extract %slice3A_72[0] : i32 from vector<1xi32>
    %shift_right_arithmetic3A_74 = arith.constant 3 : i32
    %shift_right_arithmetic3A_75 = arith.shrsi %squeeze3A_73, %shift_right_arithmetic3A_74 : i32
    %mul3A_76 = arith.constant 8 : i32
    %mul3A_77 = arith.muli %shift_right_arithmetic3A_75, %mul3A_76 : i32
    %multiple_of3A_78 = tpu.assume_multiple %mul3A_77, 8 : i32
    %dma_start3A_79 = arith.constant 0 : i32
    %dma_start3A_80 = arith.constant 3 : i32
    %dma_start3A_81 = arith.constant 0 : i32
    %dma_start3A_82 = arith.constant 0 : i32
    %dma_start3A_83 = arith.constant 0 : i32
    %dma_start3A_84 = tpu.memref_slice %arg6[%dma_start3A_79, %dma_start3A_80, %dma_start3A_82, %dma_start3A_83] : memref<2x16x8x64xf32, #tpu.memory_space<vmem>> -> memref<1x1x8x64xf32, #tpu.memory_space<vmem>>
    %dma_start3A_85 = tpu.memref_squeeze %dma_start3A_84 : memref<1x1x8x64xf32, #tpu.memory_space<vmem>> -> memref<8x64xf32, #tpu.memory_space<vmem>>
    %dma_start3A_86 = arith.constant 0 : i32
    %dma_start3A_87 = tpu.memref_slice %arg2[%multiple_of3A_78, %dma_start3A_86] : memref<1000000x64xf32, #tpu.memory_space<hbm>> -> memref<8x64xf32, #tpu.memory_space<hbm>>
    %dma_start3A_88 = tpu.memref_slice %arg8[%dma_start3A_81] : memref<2x!tpu.dma_semaphore, #tpu.memory_space<semaphore_mem>> -> memref<1x!tpu.dma_semaphore, #tpu.memory_space<semaphore_mem>>
    %dma_start3A_89 = tpu.memref_squeeze %dma_start3A_88 : memref<1x!tpu.dma_semaphore, #tpu.memory_space<semaphore_mem>> -> memref<!tpu.dma_semaphore, #tpu.memory_space<semaphore_mem>>
    %dma_start3A_90 = arith.constant 0 : i32
    %dma_start3A_91 = arith.constant 0 : i32
    %dma_start3A_92 = tpu.memref_slice %arg6[%dma_start3A_79, %dma_start3A_80, %dma_start3A_90, %dma_start3A_91] : memref<2x16x8x64xf32, #tpu.memory_space<vmem>> -> memref<1x1x8x64xf32, #tpu.memory_space<vmem>>
    %dma_start3A_93 = tpu.memref_squeeze %dma_start3A_92 : memref<1x1x8x64xf32, #tpu.memory_space<vmem>> -> memref<8x64xf32, #tpu.memory_space<vmem>>
    %dma_start3A_94 = arith.constant 0 : i32
    %dma_start3A_95 = tpu.memref_slice %arg2[%multiple_of3A_78, %dma_start3A_94] : memref<1000000x64xf32, #tpu.memory_space<hbm>> -> memref<8x64xf32, #tpu.memory_space<hbm>>
    tpu.enqueue_dma source(%dma_start3A_95 : memref<8x64xf32, #tpu.memory_space<hbm>>) target(%dma_start3A_93 : memref<8x64xf32, #tpu.memory_space<vmem>>) target_semaphore(%dma_start3A_89 : memref<!tpu.dma_semaphore, #tpu.memory_space<semaphore_mem>>)
    %slice3A_96 = vector.extract_strided_slice %get3A_4 {offsets = [4], sizes = [1], strides = [1]} : vector<16xi32> to vector<1xi32>
    %squeeze3A_97 = vector.extract %slice3A_96[0] : i32 from vector<1xi32>
    %shift_right_arithmetic3A_98 = arith.constant 3 : i32
    %shift_right_arithmetic3A_99 = arith.shrsi %squeeze3A_97, %shift_right_arithmetic3A_98 : i32
    %mul3A_100 = arith.constant 8 : i32
    %mul3A_101 = arith.muli %shift_right_arithmetic3A_99, %mul3A_100 : i32
    %multiple_of3A_102 = tpu.assume_multiple %mul3A_101, 8 : i32
    %dma_start3A_103 = arith.constant 0 : i32
    %dma_start3A_104 = arith.constant 4 : i32
    %dma_start3A_105 = arith.constant 0 : i32
    %dma_start3A_106 = arith.constant 0 : i32
    %dma_start3A_107 = arith.constant 0 : i32
    %dma_start3A_108 = tpu.memref_slice %arg6[%dma_start3A_103, %dma_start3A_104, %dma_start3A_106, %dma_start3A_107] : memref<2x16x8x64xf32, #tpu.memory_space<vmem>> -> memref<1x1x8x64xf32, #tpu.memory_space<vmem>>
    %dma_start3A_109 = tpu.memref_squeeze %dma_start3A_108 : memref<1x1x8x64xf32, #tpu.memory_space<vmem>> -> memref<8x64xf32, #tpu.memory_space<vmem>>
    %dma_start3A_110 = arith.constant 0 : i32
    %dma_start3A_111 = tpu.memref_slice %arg2[%multiple_of3A_102, %dma_start3A_110] : memref<1000000x64xf32, #tpu.memory_space<hbm>> -> memref<8x64xf32, #tpu.memory_space<hbm>>
    %dma_start3A_112 = tpu.memref_slice %arg8[%dma_start3A_105] : memref<2x!tpu.dma_semaphore, #tpu.memory_space<semaphore_mem>> -> memref<1x!tpu.dma_semaphore, #tpu.memory_space<semaphore_mem>>
    %dma_start3A_113 = tpu.memref_squeeze %dma_start3A_112 : memref<1x!tpu.dma_semaphore, #tpu.memory_space<semaphore_mem>> -> memref<!tpu.dma_semaphore, #tpu.memory_space<semaphore_mem>>
    %dma_start3A_114 = arith.constant 0 : i32
    %dma_start3A_115 = arith.constant 0 : i32
    %dma_start3A_116 = tpu.memref_slice %arg6[%dma_start3A_103, %dma_start3A_104, %dma_start3A_114, %dma_start3A_115] : memref<2x16x8x64xf32, #tpu.memory_space<vmem>> -> memref<1x1x8x64xf32, #tpu.memory_space<vmem>>
    %dma_start3A_117 = tpu.memref_squeeze %dma_start3A_116 : memref<1x1x8x64xf32, #tpu.memory_space<vmem>> -> memref<8x64xf32, #tpu.memory_space<vmem>>
    %dma_start3A_118 = arith.constant 0 : i32
    %dma_start3A_119 = tpu.memref_slice %arg2[%multiple_of3A_102, %dma_start3A_118] : memref<1000000x64xf32, #tpu.memory_space<hbm>> -> memref<8x64xf32, #tpu.memory_space<hbm>>
    tpu.enqueue_dma source(%dma_start3A_119 : memref<8x64xf32, #tpu.memory_space<hbm>>) target(%dma_start3A_117 : memref<8x64xf32, #tpu.memory_space<vmem>>) target_semaphore(%dma_start3A_113 : memref<!tpu.dma_semaphore, #tpu.memory_space<semaphore_mem>>)
    %slice3A_120 = vector.extract_strided_slice %get3A_4 {offsets = [5], sizes = [1], strides = [1]} : vector<16xi32> to vector<1xi32>
    %squeeze3A_121 = vector.extract %slice3A_120[0] : i32 from vector<1xi32>
    %shift_right_arithmetic3A_122 = arith.constant 3 : i32
    %shift_right_arithmetic3A_123 = arith.shrsi %squeeze3A_121, %shift_right_arithmetic3A_122 : i32
    %mul3A_124 = arith.constant 8 : i32
    %mul3A_125 = arith.muli %shift_right_arithmetic3A_123, %mul3A_124 : i32
    %multiple_of3A_126 = tpu.assume_multiple %mul3A_125, 8 : i32
    %dma_start3A_127 = arith.constant 0 : i32
    %dma_start3A_128 = arith.constant 5 : i32
    %dma_start3A_129 = arith.constant 0 : i32
    %dma_start3A_130 = arith.constant 0 : i32
    %dma_start3A_131 = arith.constant 0 : i32
    %dma_start3A_132 = tpu.memref_slice %arg6[%dma_start3A_127, %dma_start3A_128, %dma_start3A_130, %dma_start3A_131] : memref<2x16x8x64xf32, #tpu.memory_space<vmem>> -> memref<1x1x8x64xf32, #tpu.memory_space<vmem>>
    %dma_start3A_133 = tpu.memref_squeeze %dma_start3A_132 : memref<1x1x8x64xf32, #tpu.memory_space<vmem>> -> memref<8x64xf32, #tpu.memory_space<vmem>>
    %dma_start3A_134 = arith.constant 0 : i32
    %dma_start3A_135 = tpu.memref_slice %arg2[%multiple_of3A_126, %dma_start3A_134] : memref<1000000x64xf32, #tpu.memory_space<hbm>> -> memref<8x64xf32, #tpu.memory_space<hbm>>
    %dma_start3A_136 = tpu.memref_slice %arg8[%dma_start3A_129] : memref<2x!tpu.dma_semaphore, #tpu.memory_space<semaphore_mem>> -> memref<1x!tpu.dma_semaphore, #tpu.memory_space<semaphore_mem>>
    %dma_start3A_137 = tpu.memref_squeeze %dma_start3A_136 : memref<1x!tpu.dma_semaphore, #tpu.memory_space<semaphore_mem>> -> memref<!tpu.dma_semaphore, #tpu.memory_space<semaphore_mem>>
    %dma_start3A_138 = arith.constant 0 : i32
    %dma_start3A_139 = arith.constant 0 : i32
    %dma_start3A_140 = tpu.memref_slice %arg6[%dma_start3A_127, %dma_start3A_128, %dma_start3A_138, %dma_start3A_139] : memref<2x16x8x64xf32, #tpu.memory_space<vmem>> -> memref<1x1x8x64xf32, #tpu.memory_space<vmem>>
    %dma_start3A_141 = tpu.memref_squeeze %dma_start3A_140 : memref<1x1x8x64xf32, #tpu.memory_space<vmem>> -> memref<8x64xf32, #tpu.memory_space<vmem>>
    %dma_start3A_142 = arith.constant 0 : i32
    %dma_start3A_143 = tpu.memref_slice %arg2[%multiple_of3A_126, %dma_start3A_142] : memref<1000000x64xf32, #tpu.memory_space<hbm>> -> memref<8x64xf32, #tpu.memory_space<hbm>>
    tpu.enqueue_dma source(%dma_start3A_143 : memref<8x64xf32, #tpu.memory_space<hbm>>) target(%dma_start3A_141 : memref<8x64xf32, #tpu.memory_space<vmem>>) target_semaphore(%dma_start3A_137 : memref<!tpu.dma_semaphore, #tpu.memory_space<semaphore_mem>>)
    %slice3A_144 = vector.extract_strided_slice %get3A_4 {offsets = [6], sizes = [1], strides = [1]} : vector<16xi32> to vector<1xi32>
    %squeeze3A_145 = vector.extract %slice3A_144[0] : i32 from vector<1xi32>
    %shift_right_arithmetic3A_146 = arith.constant 3 : i32
    %shift_right_arithmetic3A_147 = arith.shrsi %squeeze3A_145, %shift_right_arithmetic3A_146 : i32
    %mul3A_148 = arith.constant 8 : i32
    %mul3A_149 = arith.muli %shift_right_arithmetic3A_147, %mul3A_148 : i32
    %multiple_of3A_150 = tpu.assume_multiple %mul3A_149, 8 : i32
    %dma_start3A_151 = arith.constant 0 : i32
    %dma_start3A_152 = arith.constant 6 : i32
    %dma_start3A_153 = arith.constant 0 : i32
    %dma_start3A_154 = arith.constant 0 : i32
    %dma_start3A_155 = arith.constant 0 : i32
    %dma_start3A_156 = tpu.memref_slice %arg6[%dma_start3A_151, %dma_start3A_152, %dma_start3A_154, %dma_start3A_155] : memref<2x16x8x64xf32, #tpu.memory_space<vmem>> -> memref<1x1x8x64xf32, #tpu.memory_space<vmem>>
    %dma_start3A_157 = tpu.memref_squeeze %dma_start3A_156 : memref<1x1x8x64xf32, #tpu.memory_space<vmem>> -> memref<8x64xf32, #tpu.memory_space<vmem>>
    %dma_start3A_158 = arith.constant 0 : i32
    %dma_start3A_159 = tpu.memref_slice %arg2[%multiple_of3A_150, %dma_start3A_158] : memref<1000000x64xf32, #tpu.memory_space<hbm>> -> memref<8x64xf32, #tpu.memory_space<hbm>>
    %dma_start3A_160 = tpu.memref_slice %arg8[%dma_start3A_153] : memref<2x!tpu.dma_semaphore, #tpu.memory_space<semaphore_mem>> -> memref<1x!tpu.dma_semaphore, #tpu.memory_space<semaphore_mem>>
    %dma_start3A_161 = tpu.memref_squeeze %dma_start3A_160 : memref<1x!tpu.dma_semaphore, #tpu.memory_space<semaphore_mem>> -> memref<!tpu.dma_semaphore, #tpu.memory_space<semaphore_mem>>
    %dma_start3A_162 = arith.constant 0 : i32
    %dma_start3A_163 = arith.constant 0 : i32
    %dma_start3A_164 = tpu.memref_slice %arg6[%dma_start3A_151, %dma_start3A_152, %dma_start3A_162, %dma_start3A_163] : memref<2x16x8x64xf32, #tpu.memory_space<vmem>> -> memref<1x1x8x64xf32, #tpu.memory_space<vmem>>
    %dma_start3A_165 = tpu.memref_squeeze %dma_start3A_164 : memref<1x1x8x64xf32, #tpu.memory_space<vmem>> -> memref<8x64xf32, #tpu.memory_space<vmem>>
    %dma_start3A_166 = arith.constant 0 : i32
    %dma_start3A_167 = tpu.memref_slice %arg2[%multiple_of3A_150, %dma_start3A_166] : memref<1000000x64xf32, #tpu.memory_space<hbm>> -> memref<8x64xf32, #tpu.memory_space<hbm>>
    tpu.enqueue_dma source(%dma_start3A_167 : memref<8x64xf32, #tpu.memory_space<hbm>>) target(%dma_start3A_165 : memref<8x64xf32, #tpu.memory_space<vmem>>) target_semaphore(%dma_start3A_161 : memref<!tpu.dma_semaphore, #tpu.memory_space<semaphore_mem>>)
    %slice3A_168 = vector.extract_strided_slice %get3A_4 {offsets = [7], sizes = [1], strides = [1]} : vector<16xi32> to vector<1xi32>
    %squeeze3A_169 = vector.extract %slice3A_168[0] : i32 from vector<1xi32>
    %shift_right_arithmetic3A_170 = arith.constant 3 : i32
    %shift_right_arithmetic3A_171 = arith.shrsi %squeeze3A_169, %shift_right_arithmetic3A_170 : i32
    %mul3A_172 = arith.constant 8 : i32
    %mul3A_173 = arith.muli %shift_right_arithmetic3A_171, %mul3A_172 : i32
    %multiple_of3A_174 = tpu.assume_multiple %mul3A_173, 8 : i32
    %dma_start3A_175 = arith.constant 0 : i32
    %dma_start3A_176 = arith.constant 7 : i32
    %dma_start3A_177 = arith.constant 0 : i32
    %dma_start3A_178 = arith.constant 0 : i32
    %dma_start3A_179 = arith.constant 0 : i32
    %dma_start3A_180 = tpu.memref_slice %arg6[%dma_start3A_175, %dma_start3A_176, %dma_start3A_178, %dma_start3A_179] : memref<2x16x8x64xf32, #tpu.memory_space<vmem>> -> memref<1x1x8x64xf32, #tpu.memory_space<vmem>>
    %dma_start3A_181 = tpu.memref_squeeze %dma_start3A_180 : memref<1x1x8x64xf32, #tpu.memory_space<vmem>> -> memref<8x64xf32, #tpu.memory_space<vmem>>
    %dma_start3A_182 = arith.constant 0 : i32
    %dma_start3A_183 = tpu.memref_slice %arg2[%multiple_of3A_174, %dma_start3A_182] : memref<1000000x64xf32, #tpu.memory_space<hbm>> -> memref<8x64xf32, #tpu.memory_space<hbm>>
    %dma_start3A_184 = tpu.memref_slice %arg8[%dma_start3A_177] : memref<2x!tpu.dma_semaphore, #tpu.memory_space<semaphore_mem>> -> memref<1x!tpu.dma_semaphore, #tpu.memory_space<semaphore_mem>>
    %dma_start3A_185 = tpu.memref_squeeze %dma_start3A_184 : memref<1x!tpu.dma_semaphore, #tpu.memory_space<semaphore_mem>> -> memref<!tpu.dma_semaphore, #tpu.memory_space<semaphore_mem>>
    %dma_start3A_186 = arith.constant 0 : i32
    %dma_start3A_187 = arith.constant 0 : i32
    %dma_start3A_188 = tpu.memref_slice %arg6[%dma_start3A_175, %dma_start3A_176, %dma_start3A_186, %dma_start3A_187] : memref<2x16x8x64xf32, #tpu.memory_space<vmem>> -> memref<1x1x8x64xf32, #tpu.memory_space<vmem>>
    %dma_start3A_189 = tpu.memref_squeeze %dma_start3A_188 : memref<1x1x8x64xf32, #tpu.memory_space<vmem>> -> memref<8x64xf32, #tpu.memory_space<vmem>>
    %dma_start3A_190 = arith.constant 0 : i32
    %dma_start3A_191 = tpu.memref_slice %arg2[%multiple_of3A_174, %dma_start3A_190] : memref<1000000x64xf32, #tpu.memory_space<hbm>> -> memref<8x64xf32, #tpu.memory_space<hbm>>
    tpu.enqueue_dma source(%dma_start3A_191 : memref<8x64xf32, #tpu.memory_space<hbm>>) target(%dma_start3A_189 : memref<8x64xf32, #tpu.memory_space<vmem>>) target_semaphore(%dma_start3A_185 : memref<!tpu.dma_semaphore, #tpu.memory_space<semaphore_mem>>)
    %slice3A_192 = vector.extract_strided_slice %get3A_4 {offsets = [8], sizes = [1], strides = [1]} : vector<16xi32> to vector<1xi32>
    %squeeze3A_193 = vector.extract %slice3A_192[0] : i32 from vector<1xi32>
    %shift_right_arithmetic3A_194 = arith.constant 3 : i32
    %shift_right_arithmetic3A_195 = arith.shrsi %squeeze3A_193, %shift_right_arithmetic3A_194 : i32
    %mul3A_196 = arith.constant 8 : i32
    %mul3A_197 = arith.muli %shift_right_arithmetic3A_195, %mul3A_196 : i32
    %multiple_of3A_198 = tpu.assume_multiple %mul3A_197, 8 : i32
    %dma_start3A_199 = arith.constant 0 : i32
    %dma_start3A_200 = arith.constant 8 : i32
    %dma_start3A_201 = arith.constant 0 : i32
    %dma_start3A_202 = arith.constant 0 : i32
    %dma_start3A_203 = arith.constant 0 : i32
    %dma_start3A_204 = tpu.memref_slice %arg6[%dma_start3A_199, %dma_start3A_200, %dma_start3A_202, %dma_start3A_203] : memref<2x16x8x64xf32, #tpu.memory_space<vmem>> -> memref<1x1x8x64xf32, #tpu.memory_space<vmem>>
    %dma_start3A_205 = tpu.memref_squeeze %dma_start3A_204 : memref<1x1x8x64xf32, #tpu.memory_space<vmem>> -> memref<8x64xf32, #tpu.memory_space<vmem>>
    %dma_start3A_206 = arith.constant 0 : i32
    %dma_start3A_207 = tpu.memref_slice %arg2[%multiple_of3A_198, %dma_start3A_206] : memref<1000000x64xf32, #tpu.memory_space<hbm>> -> memref<8x64xf32, #tpu.memory_space<hbm>>
    %dma_start3A_208 = tpu.memref_slice %arg8[%dma_start3A_201] : memref<2x!tpu.dma_semaphore, #tpu.memory_space<semaphore_mem>> -> memref<1x!tpu.dma_semaphore, #tpu.memory_space<semaphore_mem>>
    %dma_start3A_209 = tpu.memref_squeeze %dma_start3A_208 : memref<1x!tpu.dma_semaphore, #tpu.memory_space<semaphore_mem>> -> memref<!tpu.dma_semaphore, #tpu.memory_space<semaphore_mem>>
    %dma_start3A_210 = arith.constant 0 : i32
    %dma_start3A_211 = arith.constant 0 : i32
    %dma_start3A_212 = tpu.memref_slice %arg6[%dma_start3A_199, %dma_start3A_200, %dma_start3A_210, %dma_start3A_211] : memref<2x16x8x64xf32, #tpu.memory_space<vmem>> -> memref<1x1x8x64xf32, #tpu.memory_space<vmem>>
    %dma_start3A_213 = tpu.memref_squeeze %dma_start3A_212 : memref<1x1x8x64xf32, #tpu.memory_space<vmem>> -> memref<8x64xf32, #tpu.memory_space<vmem>>
    %dma_start3A_214 = arith.constant 0 : i32
    %dma_start3A_215 = tpu.memref_slice %arg2[%multiple_of3A_198, %dma_start3A_214] : memref<1000000x64xf32, #tpu.memory_space<hbm>> -> memref<8x64xf32, #tpu.memory_space<hbm>>
    tpu.enqueue_dma source(%dma_start3A_215 : memref<8x64xf32, #tpu.memory_space<hbm>>) target(%dma_start3A_213 : memref<8x64xf32, #tpu.memory_space<vmem>>) target_semaphore(%dma_start3A_209 : memref<!tpu.dma_semaphore, #tpu.memory_space<semaphore_mem>>)
    %slice3A_216 = vector.extract_strided_slice %get3A_4 {offsets = [9], sizes = [1], strides = [1]} : vector<16xi32> to vector<1xi32>
    %squeeze3A_217 = vector.extract %slice3A_216[0] : i32 from vector<1xi32>
    %shift_right_arithmetic3A_218 = arith.constant 3 : i32
    %shift_right_arithmetic3A_219 = arith.shrsi %squeeze3A_217, %shift_right_arithmetic3A_218 : i32
    %mul3A_220 = arith.constant 8 : i32
    %mul3A_221 = arith.muli %shift_right_arithmetic3A_219, %mul3A_220 : i32
    %multiple_of3A_222 = tpu.assume_multiple %mul3A_221, 8 : i32
    %dma_start3A_223 = arith.constant 0 : i32
    %dma_start3A_224 = arith.constant 9 : i32
    %dma_start3A_225 = arith.constant 0 : i32
    %dma_start3A_226 = arith.constant 0 : i32
    %dma_start3A_227 = arith.constant 0 : i32
    %dma_start3A_228 = tpu.memref_slice %arg6[%dma_start3A_223, %dma_start3A_224, %dma_start3A_226, %dma_start3A_227] : memref<2x16x8x64xf32, #tpu.memory_space<vmem>> -> memref<1x1x8x64xf32, #tpu.memory_space<vmem>>
    %dma_start3A_229 = tpu.memref_squeeze %dma_start3A_228 : memref<1x1x8x64xf32, #tpu.memory_space<vmem>> -> memref<8x64xf32, #tpu.memory_space<vmem>>
    %dma_start3A_230 = arith.constant 0 : i32
    %dma_start3A_231 = tpu.memref_slice %arg2[%multiple_of3A_222, %dma_start3A_230] : memref<1000000x64xf32, #tpu.memory_space<hbm>> -> memref<8x64xf32, #tpu.memory_space<hbm>>
    %dma_start3A_232 = tpu.memref_slice %arg8[%dma_start3A_225] : memref<2x!tpu.dma_semaphore, #tpu.memory_space<semaphore_mem>> -> memref<1x!tpu.dma_semaphore, #tpu.memory_space<semaphore_mem>>
    %dma_start3A_233 = tpu.memref_squeeze %dma_start3A_232 : memref<1x!tpu.dma_semaphore, #tpu.memory_space<semaphore_mem>> -> memref<!tpu.dma_semaphore, #tpu.memory_space<semaphore_mem>>
    %dma_start3A_234 = arith.constant 0 : i32
    %dma_start3A_235 = arith.constant 0 : i32
    %dma_start3A_236 = tpu.memref_slice %arg6[%dma_start3A_223, %dma_start3A_224, %dma_start3A_234, %dma_start3A_235] : memref<2x16x8x64xf32, #tpu.memory_space<vmem>> -> memref<1x1x8x64xf32, #tpu.memory_space<vmem>>
    %dma_start3A_237 = tpu.memref_squeeze %dma_start3A_236 : memref<1x1x8x64xf32, #tpu.memory_space<vmem>> -> memref<8x64xf32, #tpu.memory_space<vmem>>
    %dma_start3A_238 = arith.constant 0 : i32
    %dma_start3A_239 = tpu.memref_slice %arg2[%multiple_of3A_222, %dma_start3A_238] : memref<1000000x64xf32, #tpu.memory_space<hbm>> -> memref<8x64xf32, #tpu.memory_space<hbm>>
    tpu.enqueue_dma source(%dma_start3A_239 : memref<8x64xf32, #tpu.memory_space<hbm>>) target(%dma_start3A_237 : memref<8x64xf32, #tpu.memory_space<vmem>>) target_semaphore(%dma_start3A_233 : memref<!tpu.dma_semaphore, #tpu.memory_space<semaphore_mem>>)
    %slice3A_240 = vector.extract_strided_slice %get3A_4 {offsets = [10], sizes = [1], strides = [1]} : vector<16xi32> to vector<1xi32>
    %squeeze3A_241 = vector.extract %slice3A_240[0] : i32 from vector<1xi32>
    %shift_right_arithmetic3A_242 = arith.constant 3 : i32
    %shift_right_arithmetic3A_243 = arith.shrsi %squeeze3A_241, %shift_right_arithmetic3A_242 : i32
    %mul3A_244 = arith.constant 8 : i32
    %mul3A_245 = arith.muli %shift_right_arithmetic3A_243, %mul3A_244 : i32
    %multiple_of3A_246 = tpu.assume_multiple %mul3A_245, 8 : i32
    %dma_start3A_247 = arith.constant 0 : i32
    %dma_start3A_248 = arith.constant 10 : i32
    %dma_start3A_249 = arith.constant 0 : i32
    %dma_start3A_250 = arith.constant 0 : i32
    %dma_start3A_251 = arith.constant 0 : i32
    %dma_start3A_252 = tpu.memref_slice %arg6[%dma_start3A_247, %dma_start3A_248, %dma_start3A_250, %dma_start3A_251] : memref<2x16x8x64xf32, #tpu.memory_space<vmem>> -> memref<1x1x8x64xf32, #tpu.memory_space<vmem>>
    %dma_start3A_253 = tpu.memref_squeeze %dma_start3A_252 : memref<1x1x8x64xf32, #tpu.memory_space<vmem>> -> memref<8x64xf32, #tpu.memory_space<vmem>>
    %dma_start3A_254 = arith.constant 0 : i32
    %dma_start3A_255 = tpu.memref_slice %arg2[%multiple_of3A_246, %dma_start3A_254] : memref<1000000x64xf32, #tpu.memory_space<hbm>> -> memref<8x64xf32, #tpu.memory_space<hbm>>
    %dma_start3A_256 = tpu.memref_slice %arg8[%dma_start3A_249] : memref<2x!tpu.dma_semaphore, #tpu.memory_space<semaphore_mem>> -> memref<1x!tpu.dma_semaphore, #tpu.memory_space<semaphore_mem>>
    %dma_start3A_257 = tpu.memref_squeeze %dma_start3A_256 : memref<1x!tpu.dma_semaphore, #tpu.memory_space<semaphore_mem>> -> memref<!tpu.dma_semaphore, #tpu.memory_space<semaphore_mem>>
    %dma_start3A_258 = arith.constant 0 : i32
    %dma_start3A_259 = arith.constant 0 : i32
    %dma_start3A_260 = tpu.memref_slice %arg6[%dma_start3A_247, %dma_start3A_248, %dma_start3A_258, %dma_start3A_259] : memref<2x16x8x64xf32, #tpu.memory_space<vmem>> -> memref<1x1x8x64xf32, #tpu.memory_space<vmem>>
    %dma_start3A_261 = tpu.memref_squeeze %dma_start3A_260 : memref<1x1x8x64xf32, #tpu.memory_space<vmem>> -> memref<8x64xf32, #tpu.memory_space<vmem>>
    %dma_start3A_262 = arith.constant 0 : i32
    %dma_start3A_263 = tpu.memref_slice %arg2[%multiple_of3A_246, %dma_start3A_262] : memref<1000000x64xf32, #tpu.memory_space<hbm>> -> memref<8x64xf32, #tpu.memory_space<hbm>>
    tpu.enqueue_dma source(%dma_start3A_263 : memref<8x64xf32, #tpu.memory_space<hbm>>) target(%dma_start3A_261 : memref<8x64xf32, #tpu.memory_space<vmem>>) target_semaphore(%dma_start3A_257 : memref<!tpu.dma_semaphore, #tpu.memory_space<semaphore_mem>>)
    %slice3A_264 = vector.extract_strided_slice %get3A_4 {offsets = [11], sizes = [1], strides = [1]} : vector<16xi32> to vector<1xi32>
    %squeeze3A_265 = vector.extract %slice3A_264[0] : i32 from vector<1xi32>
    %shift_right_arithmetic3A_266 = arith.constant 3 : i32
    %shift_right_arithmetic3A_267 = arith.shrsi %squeeze3A_265, %shift_right_arithmetic3A_266 : i32
    %mul3A_268 = arith.constant 8 : i32
    %mul3A_269 = arith.muli %shift_right_arithmetic3A_267, %mul3A_268 : i32
    %multiple_of3A_270 = tpu.assume_multiple %mul3A_269, 8 : i32
    %dma_start3A_271 = arith.constant 0 : i32
    %dma_start3A_272 = arith.constant 11 : i32
    %dma_start3A_273 = arith.constant 0 : i32
    %dma_start3A_274 = arith.constant 0 : i32
    %dma_start3A_275 = arith.constant 0 : i32
    %dma_start3A_276 = tpu.memref_slice %arg6[%dma_start3A_271, %dma_start3A_272, %dma_start3A_274, %dma_start3A_275] : memref<2x16x8x64xf32, #tpu.memory_space<vmem>> -> memref<1x1x8x64xf32, #tpu.memory_space<vmem>>
    %dma_start3A_277 = tpu.memref_squeeze %dma_start3A_276 : memref<1x1x8x64xf32, #tpu.memory_space<vmem>> -> memref<8x64xf32, #tpu.memory_space<vmem>>
    %dma_start3A_278 = arith.constant 0 : i32
    %dma_start3A_279 = tpu.memref_slice %arg2[%multiple_of3A_270, %dma_start3A_278] : memref<1000000x64xf32, #tpu.memory_space<hbm>> -> memref<8x64xf32, #tpu.memory_space<hbm>>
    %dma_start3A_280 = tpu.memref_slice %arg8[%dma_start3A_273] : memref<2x!tpu.dma_semaphore, #tpu.memory_space<semaphore_mem>> -> memref<1x!tpu.dma_semaphore, #tpu.memory_space<semaphore_mem>>
    %dma_start3A_281 = tpu.memref_squeeze %dma_start3A_280 : memref<1x!tpu.dma_semaphore, #tpu.memory_space<semaphore_mem>> -> memref<!tpu.dma_semaphore, #tpu.memory_space<semaphore_mem>>
    %dma_start3A_282 = arith.constant 0 : i32
    %dma_start3A_283 = arith.constant 0 : i32
    %dma_start3A_284 = tpu.memref_slice %arg6[%dma_start3A_271, %dma_start3A_272, %dma_start3A_282, %dma_start3A_283] : memref<2x16x8x64xf32, #tpu.memory_space<vmem>> -> memref<1x1x8x64xf32, #tpu.memory_space<vmem>>
    %dma_start3A_285 = tpu.memref_squeeze %dma_start3A_284 : memref<1x1x8x64xf32, #tpu.memory_space<vmem>> -> memref<8x64xf32, #tpu.memory_space<vmem>>
    %dma_start3A_286 = arith.constant 0 : i32
    %dma_start3A_287 = tpu.memref_slice %arg2[%multiple_of3A_270, %dma_start3A_286] : memref<1000000x64xf32, #tpu.memory_space<hbm>> -> memref<8x64xf32, #tpu.memory_space<hbm>>
    tpu.enqueue_dma source(%dma_start3A_287 : memref<8x64xf32, #tpu.memory_space<hbm>>) target(%dma_start3A_285 : memref<8x64xf32, #tpu.memory_space<vmem>>) target_semaphore(%dma_start3A_281 : memref<!tpu.dma_semaphore, #tpu.memory_space<semaphore_mem>>)
    %slice3A_288 = vector.extract_strided_slice %get3A_4 {offsets = [12], sizes = [1], strides = [1]} : vector<16xi32> to vector<1xi32>
    %squeeze3A_289 = vector.extract %slice3A_288[0] : i32 from vector<1xi32>
    %shift_right_arithmetic3A_290 = arith.constant 3 : i32
    %shift_right_arithmetic3A_291 = arith.shrsi %squeeze3A_289, %shift_right_arithmetic3A_290 : i32
    %mul3A_292 = arith.constant 8 : i32
    %mul3A_293 = arith.muli %shift_right_arithmetic3A_291, %mul3A_292 : i32
    %multiple_of3A_294 = tpu.assume_multiple %mul3A_293, 8 : i32
    %dma_start3A_295 = arith.constant 0 : i32
    %dma_start3A_296 = arith.constant 12 : i32
    %dma_start3A_297 = arith.constant 0 : i32
    %dma_start3A_298 = arith.constant 0 : i32
    %dma_start3A_299 = arith.constant 0 : i32
    %dma_start3A_300 = tpu.memref_slice %arg6[%dma_start3A_295, %dma_start3A_296, %dma_start3A_298, %dma_start3A_299] : memref<2x16x8x64xf32, #tpu.memory_space<vmem>> -> memref<1x1x8x64xf32, #tpu.memory_space<vmem>>
    %dma_start3A_301 = tpu.memref_squeeze %dma_start3A_300 : memref<1x1x8x64xf32, #tpu.memory_space<vmem>> -> memref<8x64xf32, #tpu.memory_space<vmem>>
    %dma_start3A_302 = arith.constant 0 : i32
    %dma_start3A_303 = tpu.memref_slice %arg2[%multiple_of3A_294, %dma_start3A_302] : memref<1000000x64xf32, #tpu.memory_space<hbm>> -> memref<8x64xf32, #tpu.memory_space<hbm>>
    %dma_start3A_304 = tpu.memref_slice %arg8[%dma_start3A_297] : memref<2x!tpu.dma_semaphore, #tpu.memory_space<semaphore_mem>> -> memref<1x!tpu.dma_semaphore, #tpu.memory_space<semaphore_mem>>
    %dma_start3A_305 = tpu.memref_squeeze %dma_start3A_304 : memref<1x!tpu.dma_semaphore, #tpu.memory_space<semaphore_mem>> -> memref<!tpu.dma_semaphore, #tpu.memory_space<semaphore_mem>>
    %dma_start3A_306 = arith.constant 0 : i32
    %dma_start3A_307 = arith.constant 0 : i32
    %dma_start3A_308 = tpu.memref_slice %arg6[%dma_start3A_295, %dma_start3A_296, %dma_start3A_306, %dma_start3A_307] : memref<2x16x8x64xf32, #tpu.memory_space<vmem>> -> memref<1x1x8x64xf32, #tpu.memory_space<vmem>>
    %dma_start3A_309 = tpu.memref_squeeze %dma_start3A_308 : memref<1x1x8x64xf32, #tpu.memory_space<vmem>> -> memref<8x64xf32, #tpu.memory_space<vmem>>
    %dma_start3A_310 = arith.constant 0 : i32
    %dma_start3A_311 = tpu.memref_slice %arg2[%multiple_of3A_294, %dma_start3A_310] : memref<1000000x64xf32, #tpu.memory_space<hbm>> -> memref<8x64xf32, #tpu.memory_space<hbm>>
    tpu.enqueue_dma source(%dma_start3A_311 : memref<8x64xf32, #tpu.memory_space<hbm>>) target(%dma_start3A_309 : memref<8x64xf32, #tpu.memory_space<vmem>>) target_semaphore(%dma_start3A_305 : memref<!tpu.dma_semaphore, #tpu.memory_space<semaphore_mem>>)
    %slice3A_312 = vector.extract_strided_slice %get3A_4 {offsets = [13], sizes = [1], strides = [1]} : vector<16xi32> to vector<1xi32>
    %squeeze3A_313 = vector.extract %slice3A_312[0] : i32 from vector<1xi32>
    %shift_right_arithmetic3A_314 = arith.constant 3 : i32
    %shift_right_arithmetic3A_315 = arith.shrsi %squeeze3A_313, %shift_right_arithmetic3A_314 : i32
    %mul3A_316 = arith.constant 8 : i32
    %mul3A_317 = arith.muli %shift_right_arithmetic3A_315, %mul3A_316 : i32
    %multiple_of3A_318 = tpu.assume_multiple %mul3A_317, 8 : i32
    %dma_start3A_319 = arith.constant 0 : i32
    %dma_start3A_320 = arith.constant 13 : i32
    %dma_start3A_321 = arith.constant 0 : i32
    %dma_start3A_322 = arith.constant 0 : i32
    %dma_start3A_323 = arith.constant 0 : i32
    %dma_start3A_324 = tpu.memref_slice %arg6[%dma_start3A_319, %dma_start3A_320, %dma_start3A_322, %dma_start3A_323] : memref<2x16x8x64xf32, #tpu.memory_space<vmem>> -> memref<1x1x8x64xf32, #tpu.memory_space<vmem>>
    %dma_start3A_325 = tpu.memref_squeeze %dma_start3A_324 : memref<1x1x8x64xf32, #tpu.memory_space<vmem>> -> memref<8x64xf32, #tpu.memory_space<vmem>>
    %dma_start3A_326 = arith.constant 0 : i32
    %dma_start3A_327 = tpu.memref_slice %arg2[%multiple_of3A_318, %dma_start3A_326] : memref<1000000x64xf32, #tpu.memory_space<hbm>> -> memref<8x64xf32, #tpu.memory_space<hbm>>
    %dma_start3A_328 = tpu.memref_slice %arg8[%dma_start3A_321] : memref<2x!tpu.dma_semaphore, #tpu.memory_space<semaphore_mem>> -> memref<1x!tpu.dma_semaphore, #tpu.memory_space<semaphore_mem>>
    %dma_start3A_329 = tpu.memref_squeeze %dma_start3A_328 : memref<1x!tpu.dma_semaphore, #tpu.memory_space<semaphore_mem>> -> memref<!tpu.dma_semaphore, #tpu.memory_space<semaphore_mem>>
    %dma_start3A_330 = arith.constant 0 : i32
    %dma_start3A_331 = arith.constant 0 : i32
    %dma_start3A_332 = tpu.memref_slice %arg6[%dma_start3A_319, %dma_start3A_320, %dma_start3A_330, %dma_start3A_331] : memref<2x16x8x64xf32, #tpu.memory_space<vmem>> -> memref<1x1x8x64xf32, #tpu.memory_space<vmem>>
    %dma_start3A_333 = tpu.memref_squeeze %dma_start3A_332 : memref<1x1x8x64xf32, #tpu.memory_space<vmem>> -> memref<8x64xf32, #tpu.memory_space<vmem>>
    %dma_start3A_334 = arith.constant 0 : i32
    %dma_start3A_335 = tpu.memref_slice %arg2[%multiple_of3A_318, %dma_start3A_334] : memref<1000000x64xf32, #tpu.memory_space<hbm>> -> memref<8x64xf32, #tpu.memory_space<hbm>>
    tpu.enqueue_dma source(%dma_start3A_335 : memref<8x64xf32, #tpu.memory_space<hbm>>) target(%dma_start3A_333 : memref<8x64xf32, #tpu.memory_space<vmem>>) target_semaphore(%dma_start3A_329 : memref<!tpu.dma_semaphore, #tpu.memory_space<semaphore_mem>>)
    %slice3A_336 = vector.extract_strided_slice %get3A_4 {offsets = [14], sizes = [1], strides = [1]} : vector<16xi32> to vector<1xi32>
    %squeeze3A_337 = vector.extract %slice3A_336[0] : i32 from vector<1xi32>
    %shift_right_arithmetic3A_338 = arith.constant 3 : i32
    %shift_right_arithmetic3A_339 = arith.shrsi %squeeze3A_337, %shift_right_arithmetic3A_338 : i32
    %mul3A_340 = arith.constant 8 : i32
    %mul3A_341 = arith.muli %shift_right_arithmetic3A_339, %mul3A_340 : i32
    %multiple_of3A_342 = tpu.assume_multiple %mul3A_341, 8 : i32
    %dma_start3A_343 = arith.constant 0 : i32
    %dma_start3A_344 = arith.constant 14 : i32
    %dma_start3A_345 = arith.constant 0 : i32
    %dma_start3A_346 = arith.constant 0 : i32
    %dma_start3A_347 = arith.constant 0 : i32
    %dma_start3A_348 = tpu.memref_slice %arg6[%dma_start3A_343, %dma_start3A_344, %dma_start3A_346, %dma_start3A_347] : memref<2x16x8x64xf32, #tpu.memory_space<vmem>> -> memref<1x1x8x64xf32, #tpu.memory_space<vmem>>
    %dma_start3A_349 = tpu.memref_squeeze %dma_start3A_348 : memref<1x1x8x64xf32, #tpu.memory_space<vmem>> -> memref<8x64xf32, #tpu.memory_space<vmem>>
    %dma_start3A_350 = arith.constant 0 : i32
    %dma_start3A_351 = tpu.memref_slice %arg2[%multiple_of3A_342, %dma_start3A_350] : memref<1000000x64xf32, #tpu.memory_space<hbm>> -> memref<8x64xf32, #tpu.memory_space<hbm>>
    %dma_start3A_352 = tpu.memref_slice %arg8[%dma_start3A_345] : memref<2x!tpu.dma_semaphore, #tpu.memory_space<semaphore_mem>> -> memref<1x!tpu.dma_semaphore, #tpu.memory_space<semaphore_mem>>
    %dma_start3A_353 = tpu.memref_squeeze %dma_start3A_352 : memref<1x!tpu.dma_semaphore, #tpu.memory_space<semaphore_mem>> -> memref<!tpu.dma_semaphore, #tpu.memory_space<semaphore_mem>>
    %dma_start3A_354 = arith.constant 0 : i32
    %dma_start3A_355 = arith.constant 0 : i32
    %dma_start3A_356 = tpu.memref_slice %arg6[%dma_start3A_343, %dma_start3A_344, %dma_start3A_354, %dma_start3A_355] : memref<2x16x8x64xf32, #tpu.memory_space<vmem>> -> memref<1x1x8x64xf32, #tpu.memory_space<vmem>>
    %dma_start3A_357 = tpu.memref_squeeze %dma_start3A_356 : memref<1x1x8x64xf32, #tpu.memory_space<vmem>> -> memref<8x64xf32, #tpu.memory_space<vmem>>
    %dma_start3A_358 = arith.constant 0 : i32
    %dma_start3A_359 = tpu.memref_slice %arg2[%multiple_of3A_342, %dma_start3A_358] : memref<1000000x64xf32, #tpu.memory_space<hbm>> -> memref<8x64xf32, #tpu.memory_space<hbm>>
    tpu.enqueue_dma source(%dma_start3A_359 : memref<8x64xf32, #tpu.memory_space<hbm>>) target(%dma_start3A_357 : memref<8x64xf32, #tpu.memory_space<vmem>>) target_semaphore(%dma_start3A_353 : memref<!tpu.dma_semaphore, #tpu.memory_space<semaphore_mem>>)
    %slice3A_360 = vector.extract_strided_slice %get3A_4 {offsets = [15], sizes = [1], strides = [1]} : vector<16xi32> to vector<1xi32>
    %squeeze3A_361 = vector.extract %slice3A_360[0] : i32 from vector<1xi32>
    %shift_right_arithmetic3A_362 = arith.constant 3 : i32
    %shift_right_arithmetic3A_363 = arith.shrsi %squeeze3A_361, %shift_right_arithmetic3A_362 : i32
    %mul3A_364 = arith.constant 8 : i32
    %mul3A_365 = arith.muli %shift_right_arithmetic3A_363, %mul3A_364 : i32
    %multiple_of3A_366 = tpu.assume_multiple %mul3A_365, 8 : i32
    %dma_start3A_367 = arith.constant 0 : i32
    %dma_start3A_368 = arith.constant 15 : i32
    %dma_start3A_369 = arith.constant 0 : i32
    %dma_start3A_370 = arith.constant 0 : i32
    %dma_start3A_371 = arith.constant 0 : i32
    %dma_start3A_372 = tpu.memref_slice %arg6[%dma_start3A_367, %dma_start3A_368, %dma_start3A_370, %dma_start3A_371] : memref<2x16x8x64xf32, #tpu.memory_space<vmem>> -> memref<1x1x8x64xf32, #tpu.memory_space<vmem>>
    %dma_start3A_373 = tpu.memref_squeeze %dma_start3A_372 : memref<1x1x8x64xf32, #tpu.memory_space<vmem>> -> memref<8x64xf32, #tpu.memory_space<vmem>>
    %dma_start3A_374 = arith.constant 0 : i32
    %dma_start3A_375 = tpu.memref_slice %arg2[%multiple_of3A_366, %dma_start3A_374] : memref<1000000x64xf32, #tpu.memory_space<hbm>> -> memref<8x64xf32, #tpu.memory_space<hbm>>
    %dma_start3A_376 = tpu.memref_slice %arg8[%dma_start3A_369] : memref<2x!tpu.dma_semaphore, #tpu.memory_space<semaphore_mem>> -> memref<1x!tpu.dma_semaphore, #tpu.memory_space<semaphore_mem>>
    %dma_start3A_377 = tpu.memref_squeeze %dma_start3A_376 : memref<1x!tpu.dma_semaphore, #tpu.memory_space<semaphore_mem>> -> memref<!tpu.dma_semaphore, #tpu.memory_space<semaphore_mem>>
    %dma_start3A_378 = arith.constant 0 : i32
    %dma_start3A_379 = arith.constant 0 : i32
    %dma_start3A_380 = tpu.memref_slice %arg6[%dma_start3A_367, %dma_start3A_368, %dma_start3A_378, %dma_start3A_379] : memref<2x16x8x64xf32, #tpu.memory_space<vmem>> -> memref<1x1x8x64xf32, #tpu.memory_space<vmem>>
    %dma_start3A_381 = tpu.memref_squeeze %dma_start3A_380 : memref<1x1x8x64xf32, #tpu.memory_space<vmem>> -> memref<8x64xf32, #tpu.memory_space<vmem>>
    %dma_start3A_382 = arith.constant 0 : i32
    %dma_start3A_383 = tpu.memref_slice %arg2[%multiple_of3A_366, %dma_start3A_382] : memref<1000000x64xf32, #tpu.memory_space<hbm>> -> memref<8x64xf32, #tpu.memory_space<hbm>>
    tpu.enqueue_dma source(%dma_start3A_383 : memref<8x64xf32, #tpu.memory_space<hbm>>) target(%dma_start3A_381 : memref<8x64xf32, #tpu.memory_space<vmem>>) target_semaphore(%dma_start3A_377 : memref<!tpu.dma_semaphore, #tpu.memory_space<semaphore_mem>>)
    %scan3A = arith.constant 0 : i32
    %scan3A_384 = arith.constant 0 : i32
    %scan3A_385 = arith.constant 32 : i32
    %scan3A_386 = arith.addi %scan3A_384, %scan3A_385 : i32
    %scan3A_387 = arith.constant 1 : i32
    scf.for %scan3A_389 = %scan3A_384 to %scan3A_386 step %scan3A_387  : i32 {
      %jit3A = arith.constant 2 : i32
      %eq3A = arith.constant 0 : i32
      %eq3A_390 = arith.cmpi eq, %jit3A, %eq3A : i32
      %jit3A_391 = arith.constant 1 : i32
      %select_n3A = arith.select %eq3A_390, %jit3A_391, %jit3A : i32
      %rem3A = arith.remsi %scan3A_389, %select_n3A : i32
      %ne3A = arith.constant 0 : i32
      %ne3A_392 = arith.cmpi ne, %rem3A, %ne3A : i32
      %lt3A = arith.constant 0 : i32
      %lt3A_393 = arith.cmpi slt, %rem3A, %lt3A : i32
      %lt3A_394 = arith.constant 0 : i32
      %lt3A_395 = arith.cmpi slt, %select_n3A, %lt3A_394 : i32
      %ne3A_396 = arith.xori %lt3A_393, %lt3A_395 : i1
      %and3A = arith.andi %ne3A_396, %ne3A_392 : i1
      %add3A_397 = arith.addi %rem3A, %select_n3A : i32
      %select_n3A_398 = arith.select %and3A, %add3A_397, %rem3A : i32
      %add3A_399 = arith.constant 1 : i32
      %add3A_400 = arith.addi %scan3A_389, %add3A_399 : i32
      %lt3A_401 = arith.constant 32 : i32
      %lt3A_402 = arith.cmpi slt, %add3A_400, %lt3A_401 : i32
      %convert_element_type3A = arith.extui %lt3A_402 : i1 to i32
      %cond3A = arith.constant 0 : i32
      %cond3A_403 = arith.cmpi ne, %convert_element_type3A, %cond3A : i32
      scf.if %cond3A_403 {
        %add3A_1785 = arith.constant 1 : i32
        %add3A_1786 = arith.addi %scan3A_389, %add3A_1785 : i32
        %jit3A_1787 = arith.constant 2 : i32
        %eq3A_1788 = arith.constant 0 : i32
        %eq3A_1789 = arith.cmpi eq, %jit3A_1787, %eq3A_1788 : i32
        %jit3A_1790 = arith.constant 1 : i32
        %select_n3A_1791 = arith.select %eq3A_1789, %jit3A_1790, %jit3A_1787 : i32
        %rem3A_1792 = arith.remsi %add3A_1786, %select_n3A_1791 : i32
        %ne3A_1793 = arith.constant 0 : i32
        %ne3A_1794 = arith.cmpi ne, %rem3A_1792, %ne3A_1793 : i32
        %lt3A_1795 = arith.constant 0 : i32
        %lt3A_1796 = arith.cmpi slt, %rem3A_1792, %lt3A_1795 : i32
        %lt3A_1797 = arith.constant 0 : i32
        %lt3A_1798 = arith.cmpi slt, %select_n3A_1791, %lt3A_1797 : i32
        %ne3A_1799 = arith.xori %lt3A_1796, %lt3A_1798 : i1
        %and3A_1800 = arith.andi %ne3A_1799, %ne3A_1794 : i1
        %add3A_1801 = arith.addi %rem3A_1792, %select_n3A_1791 : i32
        %select_n3A_1802 = arith.select %and3A_1800, %add3A_1801, %rem3A_1792 : i32
        %mul3A_1803 = arith.constant 16 : i32
        %mul3A_1804 = arith.muli %add3A_1786, %mul3A_1803 : i32
        %add3A_1805 = arith.constant 0 : i32
        %add3A_1806 = arith.addi %mul3A_1804, %add3A_1805 : i32
        %get3A_1807 = arith.index_cast %add3A_1806 : i32 to index
        %get3A_1808 = tpu.vector_load %arg5[%get3A_1807] {strides = array<i32>} : memref<512xi32, #tpu.memory_space<vmem>>, vector<16xi32>,
        %get3A_1809 = vector.shape_cast %get3A_1808 : vector<16xi32> to vector<16xi32>
        %slice3A_1810 = vector.extract_strided_slice %get3A_1809 {offsets = [0], sizes = [1], strides = [1]} : vector<16xi32> to vector<1xi32>
        %squeeze3A_1811 = vector.extract %slice3A_1810[0] : i32 from vector<1xi32>
        %shift_right_arithmetic3A_1812 = arith.constant 3 : i32
        %shift_right_arithmetic3A_1813 = arith.shrsi %squeeze3A_1811, %shift_right_arithmetic3A_1812 : i32
        %mul3A_1814 = arith.constant 8 : i32
        %mul3A_1815 = arith.muli %shift_right_arithmetic3A_1813, %mul3A_1814 : i32
        %multiple_of3A_1816 = tpu.assume_multiple %mul3A_1815, 8 : i32
        %dma_start3A_1817 = arith.constant 0 : i32
        %dma_start3A_1818 = arith.constant 0 : i32
        %dma_start3A_1819 = arith.constant 0 : i32
        %dma_start3A_1820 = tpu.memref_slice %arg6[%select_n3A_1802, %dma_start3A_1817, %dma_start3A_1818, %dma_start3A_1819] : memref<2x16x8x64xf32, #tpu.memory_space<vmem>> -> memref<1x1x8x64xf32, #tpu.memory_space<vmem>>
        %dma_start3A_1821 = tpu.memref_squeeze %dma_start3A_1820 : memref<1x1x8x64xf32, #tpu.memory_space<vmem>> -> memref<8x64xf32, #tpu.memory_space<vmem>>
        %dma_start3A_1822 = arith.constant 0 : i32
        %dma_start3A_1823 = tpu.memref_slice %arg2[%multiple_of3A_1816, %dma_start3A_1822] : memref<1000000x64xf32, #tpu.memory_space<hbm>> -> memref<8x64xf32, #tpu.memory_space<hbm>>
        %dma_start3A_1824 = tpu.memref_slice %arg8[%select_n3A_1802] : memref<2x!tpu.dma_semaphore, #tpu.memory_space<semaphore_mem>> -> memref<1x!tpu.dma_semaphore, #tpu.memory_space<semaphore_mem>>
        %dma_start3A_1825 = tpu.memref_squeeze %dma_start3A_1824 : memref<1x!tpu.dma_semaphore, #tpu.memory_space<semaphore_mem>> -> memref<!tpu.dma_semaphore, #tpu.memory_space<semaphore_mem>>
        %dma_start3A_1826 = arith.constant 0 : i32
        %dma_start3A_1827 = arith.constant 0 : i32
        %dma_start3A_1828 = tpu.memref_slice %arg6[%select_n3A_1802, %dma_start3A_1817, %dma_start3A_1826, %dma_start3A_1827] : memref<2x16x8x64xf32, #tpu.memory_space<vmem>> -> memref<1x1x8x64xf32, #tpu.memory_space<vmem>>
        %dma_start3A_1829 = tpu.memref_squeeze %dma_start3A_1828 : memref<1x1x8x64xf32, #tpu.memory_space<vmem>> -> memref<8x64xf32, #tpu.memory_space<vmem>>
        %dma_start3A_1830 = arith.constant 0 : i32
        %dma_start3A_1831 = tpu.memref_slice %arg2[%multiple_of3A_1816, %dma_start3A_1830] : memref<1000000x64xf32, #tpu.memory_space<hbm>> -> memref<8x64xf32, #tpu.memory_space<hbm>>
        tpu.enqueue_dma source(%dma_start3A_1831 : memref<8x64xf32, #tpu.memory_space<hbm>>) target(%dma_start3A_1829 : memref<8x64xf32, #tpu.memory_space<vmem>>) target_semaphore(%dma_start3A_1825 : memref<!tpu.dma_semaphore, #tpu.memory_space<semaphore_mem>>)
        %slice3A_1832 = vector.extract_strided_slice %get3A_1809 {offsets = [1], sizes = [1], strides = [1]} : vector<16xi32> to vector<1xi32>
        %squeeze3A_1833 = vector.extract %slice3A_1832[0] : i32 from vector<1xi32>
        %shift_right_arithmetic3A_1834 = arith.constant 3 : i32
        %shift_right_arithmetic3A_1835 = arith.shrsi %squeeze3A_1833, %shift_right_arithmetic3A_1834 : i32
        %mul3A_1836 = arith.constant 8 : i32
        %mul3A_1837 = arith.muli %shift_right_arithmetic3A_1835, %mul3A_1836 : i32
        %multiple_of3A_1838 = tpu.assume_multiple %mul3A_1837, 8 : i32
        %dma_start3A_1839 = arith.constant 1 : i32
        %dma_start3A_1840 = arith.constant 0 : i32
        %dma_start3A_1841 = arith.constant 0 : i32
        %dma_start3A_1842 = tpu.memref_slice %arg6[%select_n3A_1802, %dma_start3A_1839, %dma_start3A_1840, %dma_start3A_1841] : memref<2x16x8x64xf32, #tpu.memory_space<vmem>> -> memref<1x1x8x64xf32, #tpu.memory_space<vmem>>
        %dma_start3A_1843 = tpu.memref_squeeze %dma_start3A_1842 : memref<1x1x8x64xf32, #tpu.memory_space<vmem>> -> memref<8x64xf32, #tpu.memory_space<vmem>>
        %dma_start3A_1844 = arith.constant 0 : i32
        %dma_start3A_1845 = tpu.memref_slice %arg2[%multiple_of3A_1838, %dma_start3A_1844] : memref<1000000x64xf32, #tpu.memory_space<hbm>> -> memref<8x64xf32, #tpu.memory_space<hbm>>
        %dma_start3A_1846 = tpu.memref_slice %arg8[%select_n3A_1802] : memref<2x!tpu.dma_semaphore, #tpu.memory_space<semaphore_mem>> -> memref<1x!tpu.dma_semaphore, #tpu.memory_space<semaphore_mem>>
        %dma_start3A_1847 = tpu.memref_squeeze %dma_start3A_1846 : memref<1x!tpu.dma_semaphore, #tpu.memory_space<semaphore_mem>> -> memref<!tpu.dma_semaphore, #tpu.memory_space<semaphore_mem>>
        %dma_start3A_1848 = arith.constant 0 : i32
        %dma_start3A_1849 = arith.constant 0 : i32
        %dma_start3A_1850 = tpu.memref_slice %arg6[%select_n3A_1802, %dma_start3A_1839, %dma_start3A_1848, %dma_start3A_1849] : memref<2x16x8x64xf32, #tpu.memory_space<vmem>> -> memref<1x1x8x64xf32, #tpu.memory_space<vmem>>
        %dma_start3A_1851 = tpu.memref_squeeze %dma_start3A_1850 : memref<1x1x8x64xf32, #tpu.memory_space<vmem>> -> memref<8x64xf32, #tpu.memory_space<vmem>>
        %dma_start3A_1852 = arith.constant 0 : i32
        %dma_start3A_1853 = tpu.memref_slice %arg2[%multiple_of3A_1838, %dma_start3A_1852] : memref<1000000x64xf32, #tpu.memory_space<hbm>> -> memref<8x64xf32, #tpu.memory_space<hbm>>
        tpu.enqueue_dma source(%dma_start3A_1853 : memref<8x64xf32, #tpu.memory_space<hbm>>) target(%dma_start3A_1851 : memref<8x64xf32, #tpu.memory_space<vmem>>) target_semaphore(%dma_start3A_1847 : memref<!tpu.dma_semaphore, #tpu.memory_space<semaphore_mem>>)
        %slice3A_1854 = vector.extract_strided_slice %get3A_1809 {offsets = [2], sizes = [1], strides = [1]} : vector<16xi32> to vector<1xi32>
        %squeeze3A_1855 = vector.extract %slice3A_1854[0] : i32 from vector<1xi32>
        %shift_right_arithmetic3A_1856 = arith.constant 3 : i32
        %shift_right_arithmetic3A_1857 = arith.shrsi %squeeze3A_1855, %shift_right_arithmetic3A_1856 : i32
        %mul3A_1858 = arith.constant 8 : i32
        %mul3A_1859 = arith.muli %shift_right_arithmetic3A_1857, %mul3A_1858 : i32
        %multiple_of3A_1860 = tpu.assume_multiple %mul3A_1859, 8 : i32
        %dma_start3A_1861 = arith.constant 2 : i32
        %dma_start3A_1862 = arith.constant 0 : i32
        %dma_start3A_1863 = arith.constant 0 : i32
        %dma_start3A_1864 = tpu.memref_slice %arg6[%select_n3A_1802, %dma_start3A_1861, %dma_start3A_1862, %dma_start3A_1863] : memref<2x16x8x64xf32, #tpu.memory_space<vmem>> -> memref<1x1x8x64xf32, #tpu.memory_space<vmem>>
        %dma_start3A_1865 = tpu.memref_squeeze %dma_start3A_1864 : memref<1x1x8x64xf32, #tpu.memory_space<vmem>> -> memref<8x64xf32, #tpu.memory_space<vmem>>
        %dma_start3A_1866 = arith.constant 0 : i32
        %dma_start3A_1867 = tpu.memref_slice %arg2[%multiple_of3A_1860, %dma_start3A_1866] : memref<1000000x64xf32, #tpu.memory_space<hbm>> -> memref<8x64xf32, #tpu.memory_space<hbm>>
        %dma_start3A_1868 = tpu.memref_slice %arg8[%select_n3A_1802] : memref<2x!tpu.dma_semaphore, #tpu.memory_space<semaphore_mem>> -> memref<1x!tpu.dma_semaphore, #tpu.memory_space<semaphore_mem>>
        %dma_start3A_1869 = tpu.memref_squeeze %dma_start3A_1868 : memref<1x!tpu.dma_semaphore, #tpu.memory_space<semaphore_mem>> -> memref<!tpu.dma_semaphore, #tpu.memory_space<semaphore_mem>>
        %dma_start3A_1870 = arith.constant 0 : i32
        %dma_start3A_1871 = arith.constant 0 : i32
        %dma_start3A_1872 = tpu.memref_slice %arg6[%select_n3A_1802, %dma_start3A_1861, %dma_start3A_1870, %dma_start3A_1871] : memref<2x16x8x64xf32, #tpu.memory_space<vmem>> -> memref<1x1x8x64xf32, #tpu.memory_space<vmem>>
        %dma_start3A_1873 = tpu.memref_squeeze %dma_start3A_1872 : memref<1x1x8x64xf32, #tpu.memory_space<vmem>> -> memref<8x64xf32, #tpu.memory_space<vmem>>
        %dma_start3A_1874 = arith.constant 0 : i32
        %dma_start3A_1875 = tpu.memref_slice %arg2[%multiple_of3A_1860, %dma_start3A_1874] : memref<1000000x64xf32, #tpu.memory_space<hbm>> -> memref<8x64xf32, #tpu.memory_space<hbm>>
        tpu.enqueue_dma source(%dma_start3A_1875 : memref<8x64xf32, #tpu.memory_space<hbm>>) target(%dma_start3A_1873 : memref<8x64xf32, #tpu.memory_space<vmem>>) target_semaphore(%dma_start3A_1869 : memref<!tpu.dma_semaphore, #tpu.memory_space<semaphore_mem>>)
        %slice3A_1876 = vector.extract_strided_slice %get3A_1809 {offsets = [3], sizes = [1], strides = [1]} : vector<16xi32> to vector<1xi32>
        %squeeze3A_1877 = vector.extract %slice3A_1876[0] : i32 from vector<1xi32>
        %shift_right_arithmetic3A_1878 = arith.constant 3 : i32
        %shift_right_arithmetic3A_1879 = arith.shrsi %squeeze3A_1877, %shift_right_arithmetic3A_1878 : i32
        %mul3A_1880 = arith.constant 8 : i32
        %mul3A_1881 = arith.muli %shift_right_arithmetic3A_1879, %mul3A_1880 : i32
        %multiple_of3A_1882 = tpu.assume_multiple %mul3A_1881, 8 : i32
        %dma_start3A_1883 = arith.constant 3 : i32
        %dma_start3A_1884 = arith.constant 0 : i32
        %dma_start3A_1885 = arith.constant 0 : i32
        %dma_start3A_1886 = tpu.memref_slice %arg6[%select_n3A_1802, %dma_start3A_1883, %dma_start3A_1884, %dma_start3A_1885] : memref<2x16x8x64xf32, #tpu.memory_space<vmem>> -> memref<1x1x8x64xf32, #tpu.memory_space<vmem>>
        %dma_start3A_1887 = tpu.memref_squeeze %dma_start3A_1886 : memref<1x1x8x64xf32, #tpu.memory_space<vmem>> -> memref<8x64xf32, #tpu.memory_space<vmem>>
        %dma_start3A_1888 = arith.constant 0 : i32
        %dma_start3A_1889 = tpu.memref_slice %arg2[%multiple_of3A_1882, %dma_start3A_1888] : memref<1000000x64xf32, #tpu.memory_space<hbm>> -> memref<8x64xf32, #tpu.memory_space<hbm>>
        %dma_start3A_1890 = tpu.memref_slice %arg8[%select_n3A_1802] : memref<2x!tpu.dma_semaphore, #tpu.memory_space<semaphore_mem>> -> memref<1x!tpu.dma_semaphore, #tpu.memory_space<semaphore_mem>>
        %dma_start3A_1891 = tpu.memref_squeeze %dma_start3A_1890 : memref<1x!tpu.dma_semaphore, #tpu.memory_space<semaphore_mem>> -> memref<!tpu.dma_semaphore, #tpu.memory_space<semaphore_mem>>
        %dma_start3A_1892 = arith.constant 0 : i32
        %dma_start3A_1893 = arith.constant 0 : i32
        %dma_start3A_1894 = tpu.memref_slice %arg6[%select_n3A_1802, %dma_start3A_1883, %dma_start3A_1892, %dma_start3A_1893] : memref<2x16x8x64xf32, #tpu.memory_space<vmem>> -> memref<1x1x8x64xf32, #tpu.memory_space<vmem>>
        %dma_start3A_1895 = tpu.memref_squeeze %dma_start3A_1894 : memref<1x1x8x64xf32, #tpu.memory_space<vmem>> -> memref<8x64xf32, #tpu.memory_space<vmem>>
        %dma_start3A_1896 = arith.constant 0 : i32
        %dma_start3A_1897 = tpu.memref_slice %arg2[%multiple_of3A_1882, %dma_start3A_1896] : memref<1000000x64xf32, #tpu.memory_space<hbm>> -> memref<8x64xf32, #tpu.memory_space<hbm>>
        tpu.enqueue_dma source(%dma_start3A_1897 : memref<8x64xf32, #tpu.memory_space<hbm>>) target(%dma_start3A_1895 : memref<8x64xf32, #tpu.memory_space<vmem>>) target_semaphore(%dma_start3A_1891 : memref<!tpu.dma_semaphore, #tpu.memory_space<semaphore_mem>>)
        %slice3A_1898 = vector.extract_strided_slice %get3A_1809 {offsets = [4], sizes = [1], strides = [1]} : vector<16xi32> to vector<1xi32>
        %squeeze3A_1899 = vector.extract %slice3A_1898[0] : i32 from vector<1xi32>
        %shift_right_arithmetic3A_1900 = arith.constant 3 : i32
        %shift_right_arithmetic3A_1901 = arith.shrsi %squeeze3A_1899, %shift_right_arithmetic3A_1900 : i32
        %mul3A_1902 = arith.constant 8 : i32
        %mul3A_1903 = arith.muli %shift_right_arithmetic3A_1901, %mul3A_1902 : i32
        %multiple_of3A_1904 = tpu.assume_multiple %mul3A_1903, 8 : i32
        %dma_start3A_1905 = arith.constant 4 : i32
        %dma_start3A_1906 = arith.constant 0 : i32
        %dma_start3A_1907 = arith.constant 0 : i32
        %dma_start3A_1908 = tpu.memref_slice %arg6[%select_n3A_1802, %dma_start3A_1905, %dma_start3A_1906, %dma_start3A_1907] : memref<2x16x8x64xf32, #tpu.memory_space<vmem>> -> memref<1x1x8x64xf32, #tpu.memory_space<vmem>>
        %dma_start3A_1909 = tpu.memref_squeeze %dma_start3A_1908 : memref<1x1x8x64xf32, #tpu.memory_space<vmem>> -> memref<8x64xf32, #tpu.memory_space<vmem>>
        %dma_start3A_1910 = arith.constant 0 : i32
        %dma_start3A_1911 = tpu.memref_slice %arg2[%multiple_of3A_1904, %dma_start3A_1910] : memref<1000000x64xf32, #tpu.memory_space<hbm>> -> memref<8x64xf32, #tpu.memory_space<hbm>>
        %dma_start3A_1912 = tpu.memref_slice %arg8[%select_n3A_1802] : memref<2x!tpu.dma_semaphore, #tpu.memory_space<semaphore_mem>> -> memref<1x!tpu.dma_semaphore, #tpu.memory_space<semaphore_mem>>
        %dma_start3A_1913 = tpu.memref_squeeze %dma_start3A_1912 : memref<1x!tpu.dma_semaphore, #tpu.memory_space<semaphore_mem>> -> memref<!tpu.dma_semaphore, #tpu.memory_space<semaphore_mem>>
        %dma_start3A_1914 = arith.constant 0 : i32
        %dma_start3A_1915 = arith.constant 0 : i32
        %dma_start3A_1916 = tpu.memref_slice %arg6[%select_n3A_1802, %dma_start3A_1905, %dma_start3A_1914, %dma_start3A_1915] : memref<2x16x8x64xf32, #tpu.memory_space<vmem>> -> memref<1x1x8x64xf32, #tpu.memory_space<vmem>>
        %dma_start3A_1917 = tpu.memref_squeeze %dma_start3A_1916 : memref<1x1x8x64xf32, #tpu.memory_space<vmem>> -> memref<8x64xf32, #tpu.memory_space<vmem>>
        %dma_start3A_1918 = arith.constant 0 : i32
        %dma_start3A_1919 = tpu.memref_slice %arg2[%multiple_of3A_1904, %dma_start3A_1918] : memref<1000000x64xf32, #tpu.memory_space<hbm>> -> memref<8x64xf32, #tpu.memory_space<hbm>>
        tpu.enqueue_dma source(%dma_start3A_1919 : memref<8x64xf32, #tpu.memory_space<hbm>>) target(%dma_start3A_1917 : memref<8x64xf32, #tpu.memory_space<vmem>>) target_semaphore(%dma_start3A_1913 : memref<!tpu.dma_semaphore, #tpu.memory_space<semaphore_mem>>)
        %slice3A_1920 = vector.extract_strided_slice %get3A_1809 {offsets = [5], sizes = [1], strides = [1]} : vector<16xi32> to vector<1xi32>
        %squeeze3A_1921 = vector.extract %slice3A_1920[0] : i32 from vector<1xi32>
        %shift_right_arithmetic3A_1922 = arith.constant 3 : i32
        %shift_right_arithmetic3A_1923 = arith.shrsi %squeeze3A_1921, %shift_right_arithmetic3A_1922 : i32
        %mul3A_1924 = arith.constant 8 : i32
        %mul3A_1925 = arith.muli %shift_right_arithmetic3A_1923, %mul3A_1924 : i32
        %multiple_of3A_1926 = tpu.assume_multiple %mul3A_1925, 8 : i32
        %dma_start3A_1927 = arith.constant 5 : i32
        %dma_start3A_1928 = arith.constant 0 : i32
        %dma_start3A_1929 = arith.constant 0 : i32
        %dma_start3A_1930 = tpu.memref_slice %arg6[%select_n3A_1802, %dma_start3A_1927, %dma_start3A_1928, %dma_start3A_1929] : memref<2x16x8x64xf32, #tpu.memory_space<vmem>> -> memref<1x1x8x64xf32, #tpu.memory_space<vmem>>
        %dma_start3A_1931 = tpu.memref_squeeze %dma_start3A_1930 : memref<1x1x8x64xf32, #tpu.memory_space<vmem>> -> memref<8x64xf32, #tpu.memory_space<vmem>>
        %dma_start3A_1932 = arith.constant 0 : i32
        %dma_start3A_1933 = tpu.memref_slice %arg2[%multiple_of3A_1926, %dma_start3A_1932] : memref<1000000x64xf32, #tpu.memory_space<hbm>> -> memref<8x64xf32, #tpu.memory_space<hbm>>
        %dma_start3A_1934 = tpu.memref_slice %arg8[%select_n3A_1802] : memref<2x!tpu.dma_semaphore, #tpu.memory_space<semaphore_mem>> -> memref<1x!tpu.dma_semaphore, #tpu.memory_space<semaphore_mem>>
        %dma_start3A_1935 = tpu.memref_squeeze %dma_start3A_1934 : memref<1x!tpu.dma_semaphore, #tpu.memory_space<semaphore_mem>> -> memref<!tpu.dma_semaphore, #tpu.memory_space<semaphore_mem>>
        %dma_start3A_1936 = arith.constant 0 : i32
        %dma_start3A_1937 = arith.constant 0 : i32
        %dma_start3A_1938 = tpu.memref_slice %arg6[%select_n3A_1802, %dma_start3A_1927, %dma_start3A_1936, %dma_start3A_1937] : memref<2x16x8x64xf32, #tpu.memory_space<vmem>> -> memref<1x1x8x64xf32, #tpu.memory_space<vmem>>
        %dma_start3A_1939 = tpu.memref_squeeze %dma_start3A_1938 : memref<1x1x8x64xf32, #tpu.memory_space<vmem>> -> memref<8x64xf32, #tpu.memory_space<vmem>>
        %dma_start3A_1940 = arith.constant 0 : i32
        %dma_start3A_1941 = tpu.memref_slice %arg2[%multiple_of3A_1926, %dma_start3A_1940] : memref<1000000x64xf32, #tpu.memory_space<hbm>> -> memref<8x64xf32, #tpu.memory_space<hbm>>
        tpu.enqueue_dma source(%dma_start3A_1941 : memref<8x64xf32, #tpu.memory_space<hbm>>) target(%dma_start3A_1939 : memref<8x64xf32, #tpu.memory_space<vmem>>) target_semaphore(%dma_start3A_1935 : memref<!tpu.dma_semaphore, #tpu.memory_space<semaphore_mem>>)
        %slice3A_1942 = vector.extract_strided_slice %get3A_1809 {offsets = [6], sizes = [1], strides = [1]} : vector<16xi32> to vector<1xi32>
        %squeeze3A_1943 = vector.extract %slice3A_1942[0] : i32 from vector<1xi32>
        %shift_right_arithmetic3A_1944 = arith.constant 3 : i32
        %shift_right_arithmetic3A_1945 = arith.shrsi %squeeze3A_1943, %shift_right_arithmetic3A_1944 : i32
        %mul3A_1946 = arith.constant 8 : i32
        %mul3A_1947 = arith.muli %shift_right_arithmetic3A_1945, %mul3A_1946 : i32
        %multiple_of3A_1948 = tpu.assume_multiple %mul3A_1947, 8 : i32
        %dma_start3A_1949 = arith.constant 6 : i32
        %dma_start3A_1950 = arith.constant 0 : i32
        %dma_start3A_1951 = arith.constant 0 : i32
        %dma_start3A_1952 = tpu.memref_slice %arg6[%select_n3A_1802, %dma_start3A_1949, %dma_start3A_1950, %dma_start3A_1951] : memref<2x16x8x64xf32, #tpu.memory_space<vmem>> -> memref<1x1x8x64xf32, #tpu.memory_space<vmem>>
        %dma_start3A_1953 = tpu.memref_squeeze %dma_start3A_1952 : memref<1x1x8x64xf32, #tpu.memory_space<vmem>> -> memref<8x64xf32, #tpu.memory_space<vmem>>
        %dma_start3A_1954 = arith.constant 0 : i32
        %dma_start3A_1955 = tpu.memref_slice %arg2[%multiple_of3A_1948, %dma_start3A_1954] : memref<1000000x64xf32, #tpu.memory_space<hbm>> -> memref<8x64xf32, #tpu.memory_space<hbm>>
        %dma_start3A_1956 = tpu.memref_slice %arg8[%select_n3A_1802] : memref<2x!tpu.dma_semaphore, #tpu.memory_space<semaphore_mem>> -> memref<1x!tpu.dma_semaphore, #tpu.memory_space<semaphore_mem>>
        %dma_start3A_1957 = tpu.memref_squeeze %dma_start3A_1956 : memref<1x!tpu.dma_semaphore, #tpu.memory_space<semaphore_mem>> -> memref<!tpu.dma_semaphore, #tpu.memory_space<semaphore_mem>>
        %dma_start3A_1958 = arith.constant 0 : i32
        %dma_start3A_1959 = arith.constant 0 : i32
        %dma_start3A_1960 = tpu.memref_slice %arg6[%select_n3A_1802, %dma_start3A_1949, %dma_start3A_1958, %dma_start3A_1959] : memref<2x16x8x64xf32, #tpu.memory_space<vmem>> -> memref<1x1x8x64xf32, #tpu.memory_space<vmem>>
        %dma_start3A_1961 = tpu.memref_squeeze %dma_start3A_1960 : memref<1x1x8x64xf32, #tpu.memory_space<vmem>> -> memref<8x64xf32, #tpu.memory_space<vmem>>
        %dma_start3A_1962 = arith.constant 0 : i32
        %dma_start3A_1963 = tpu.memref_slice %arg2[%multiple_of3A_1948, %dma_start3A_1962] : memref<1000000x64xf32, #tpu.memory_space<hbm>> -> memref<8x64xf32, #tpu.memory_space<hbm>>
        tpu.enqueue_dma source(%dma_start3A_1963 : memref<8x64xf32, #tpu.memory_space<hbm>>) target(%dma_start3A_1961 : memref<8x64xf32, #tpu.memory_space<vmem>>) target_semaphore(%dma_start3A_1957 : memref<!tpu.dma_semaphore, #tpu.memory_space<semaphore_mem>>)
        %slice3A_1964 = vector.extract_strided_slice %get3A_1809 {offsets = [7], sizes = [1], strides = [1]} : vector<16xi32> to vector<1xi32>
        %squeeze3A_1965 = vector.extract %slice3A_1964[0] : i32 from vector<1xi32>
        %shift_right_arithmetic3A_1966 = arith.constant 3 : i32
        %shift_right_arithmetic3A_1967 = arith.shrsi %squeeze3A_1965, %shift_right_arithmetic3A_1966 : i32
        %mul3A_1968 = arith.constant 8 : i32
        %mul3A_1969 = arith.muli %shift_right_arithmetic3A_1967, %mul3A_1968 : i32
        %multiple_of3A_1970 = tpu.assume_multiple %mul3A_1969, 8 : i32
        %dma_start3A_1971 = arith.constant 7 : i32
        %dma_start3A_1972 = arith.constant 0 : i32
        %dma_start3A_1973 = arith.constant 0 : i32
        %dma_start3A_1974 = tpu.memref_slice %arg6[%select_n3A_1802, %dma_start3A_1971, %dma_start3A_1972, %dma_start3A_1973] : memref<2x16x8x64xf32, #tpu.memory_space<vmem>> -> memref<1x1x8x64xf32, #tpu.memory_space<vmem>>
        %dma_start3A_1975 = tpu.memref_squeeze %dma_start3A_1974 : memref<1x1x8x64xf32, #tpu.memory_space<vmem>> -> memref<8x64xf32, #tpu.memory_space<vmem>>
        %dma_start3A_1976 = arith.constant 0 : i32
        %dma_start3A_1977 = tpu.memref_slice %arg2[%multiple_of3A_1970, %dma_start3A_1976] : memref<1000000x64xf32, #tpu.memory_space<hbm>> -> memref<8x64xf32, #tpu.memory_space<hbm>>
        %dma_start3A_1978 = tpu.memref_slice %arg8[%select_n3A_1802] : memref<2x!tpu.dma_semaphore, #tpu.memory_space<semaphore_mem>> -> memref<1x!tpu.dma_semaphore, #tpu.memory_space<semaphore_mem>>
        %dma_start3A_1979 = tpu.memref_squeeze %dma_start3A_1978 : memref<1x!tpu.dma_semaphore, #tpu.memory_space<semaphore_mem>> -> memref<!tpu.dma_semaphore, #tpu.memory_space<semaphore_mem>>
        %dma_start3A_1980 = arith.constant 0 : i32
        %dma_start3A_1981 = arith.constant 0 : i32
        %dma_start3A_1982 = tpu.memref_slice %arg6[%select_n3A_1802, %dma_start3A_1971, %dma_start3A_1980, %dma_start3A_1981] : memref<2x16x8x64xf32, #tpu.memory_space<vmem>> -> memref<1x1x8x64xf32, #tpu.memory_space<vmem>>
        %dma_start3A_1983 = tpu.memref_squeeze %dma_start3A_1982 : memref<1x1x8x64xf32, #tpu.memory_space<vmem>> -> memref<8x64xf32, #tpu.memory_space<vmem>>
        %dma_start3A_1984 = arith.constant 0 : i32
        %dma_start3A_1985 = tpu.memref_slice %arg2[%multiple_of3A_1970, %dma_start3A_1984] : memref<1000000x64xf32, #tpu.memory_space<hbm>> -> memref<8x64xf32, #tpu.memory_space<hbm>>
        tpu.enqueue_dma source(%dma_start3A_1985 : memref<8x64xf32, #tpu.memory_space<hbm>>) target(%dma_start3A_1983 : memref<8x64xf32, #tpu.memory_space<vmem>>) target_semaphore(%dma_start3A_1979 : memref<!tpu.dma_semaphore, #tpu.memory_space<semaphore_mem>>)
        %slice3A_1986 = vector.extract_strided_slice %get3A_1809 {offsets = [8], sizes = [1], strides = [1]} : vector<16xi32> to vector<1xi32>
        %squeeze3A_1987 = vector.extract %slice3A_1986[0] : i32 from vector<1xi32>
        %shift_right_arithmetic3A_1988 = arith.constant 3 : i32
        %shift_right_arithmetic3A_1989 = arith.shrsi %squeeze3A_1987, %shift_right_arithmetic3A_1988 : i32
        %mul3A_1990 = arith.constant 8 : i32
        %mul3A_1991 = arith.muli %shift_right_arithmetic3A_1989, %mul3A_1990 : i32
        %multiple_of3A_1992 = tpu.assume_multiple %mul3A_1991, 8 : i32
        %dma_start3A_1993 = arith.constant 8 : i32
        %dma_start3A_1994 = arith.constant 0 : i32
        %dma_start3A_1995 = arith.constant 0 : i32
        %dma_start3A_1996 = tpu.memref_slice %arg6[%select_n3A_1802, %dma_start3A_1993, %dma_start3A_1994, %dma_start3A_1995] : memref<2x16x8x64xf32, #tpu.memory_space<vmem>> -> memref<1x1x8x64xf32, #tpu.memory_space<vmem>>
        %dma_start3A_1997 = tpu.memref_squeeze %dma_start3A_1996 : memref<1x1x8x64xf32, #tpu.memory_space<vmem>> -> memref<8x64xf32, #tpu.memory_space<vmem>>
        %dma_start3A_1998 = arith.constant 0 : i32
        %dma_start3A_1999 = tpu.memref_slice %arg2[%multiple_of3A_1992, %dma_start3A_1998] : memref<1000000x64xf32, #tpu.memory_space<hbm>> -> memref<8x64xf32, #tpu.memory_space<hbm>>
        %dma_start3A_2000 = tpu.memref_slice %arg8[%select_n3A_1802] : memref<2x!tpu.dma_semaphore, #tpu.memory_space<semaphore_mem>> -> memref<1x!tpu.dma_semaphore, #tpu.memory_space<semaphore_mem>>
        %dma_start3A_2001 = tpu.memref_squeeze %dma_start3A_2000 : memref<1x!tpu.dma_semaphore, #tpu.memory_space<semaphore_mem>> -> memref<!tpu.dma_semaphore, #tpu.memory_space<semaphore_mem>>
        %dma_start3A_2002 = arith.constant 0 : i32
        %dma_start3A_2003 = arith.constant 0 : i32
        %dma_start3A_2004 = tpu.memref_slice %arg6[%select_n3A_1802, %dma_start3A_1993, %dma_start3A_2002, %dma_start3A_2003] : memref<2x16x8x64xf32, #tpu.memory_space<vmem>> -> memref<1x1x8x64xf32, #tpu.memory_space<vmem>>
        %dma_start3A_2005 = tpu.memref_squeeze %dma_start3A_2004 : memref<1x1x8x64xf32, #tpu.memory_space<vmem>> -> memref<8x64xf32, #tpu.memory_space<vmem>>
        %dma_start3A_2006 = arith.constant 0 : i32
        %dma_start3A_2007 = tpu.memref_slice %arg2[%multiple_of3A_1992, %dma_start3A_2006] : memref<1000000x64xf32, #tpu.memory_space<hbm>> -> memref<8x64xf32, #tpu.memory_space<hbm>>
        tpu.enqueue_dma source(%dma_start3A_2007 : memref<8x64xf32, #tpu.memory_space<hbm>>) target(%dma_start3A_2005 : memref<8x64xf32, #tpu.memory_space<vmem>>) target_semaphore(%dma_start3A_2001 : memref<!tpu.dma_semaphore, #tpu.memory_space<semaphore_mem>>)
        %slice3A_2008 = vector.extract_strided_slice %get3A_1809 {offsets = [9], sizes = [1], strides = [1]} : vector<16xi32> to vector<1xi32>
        %squeeze3A_2009 = vector.extract %slice3A_2008[0] : i32 from vector<1xi32>
        %shift_right_arithmetic3A_2010 = arith.constant 3 : i32
        %shift_right_arithmetic3A_2011 = arith.shrsi %squeeze3A_2009, %shift_right_arithmetic3A_2010 : i32
        %mul3A_2012 = arith.constant 8 : i32
        %mul3A_2013 = arith.muli %shift_right_arithmetic3A_2011, %mul3A_2012 : i32
        %multiple_of3A_2014 = tpu.assume_multiple %mul3A_2013, 8 : i32
        %dma_start3A_2015 = arith.constant 9 : i32
        %dma_start3A_2016 = arith.constant 0 : i32
        %dma_start3A_2017 = arith.constant 0 : i32
        %dma_start3A_2018 = tpu.memref_slice %arg6[%select_n3A_1802, %dma_start3A_2015, %dma_start3A_2016, %dma_start3A_2017] : memref<2x16x8x64xf32, #tpu.memory_space<vmem>> -> memref<1x1x8x64xf32, #tpu.memory_space<vmem>>
        %dma_start3A_2019 = tpu.memref_squeeze %dma_start3A_2018 : memref<1x1x8x64xf32, #tpu.memory_space<vmem>> -> memref<8x64xf32, #tpu.memory_space<vmem>>
        %dma_start3A_2020 = arith.constant 0 : i32
        %dma_start3A_2021 = tpu.memref_slice %arg2[%multiple_of3A_2014, %dma_start3A_2020] : memref<1000000x64xf32, #tpu.memory_space<hbm>> -> memref<8x64xf32, #tpu.memory_space<hbm>>
        %dma_start3A_2022 = tpu.memref_slice %arg8[%select_n3A_1802] : memref<2x!tpu.dma_semaphore, #tpu.memory_space<semaphore_mem>> -> memref<1x!tpu.dma_semaphore, #tpu.memory_space<semaphore_mem>>
        %dma_start3A_2023 = tpu.memref_squeeze %dma_start3A_2022 : memref<1x!tpu.dma_semaphore, #tpu.memory_space<semaphore_mem>> -> memref<!tpu.dma_semaphore, #tpu.memory_space<semaphore_mem>>
        %dma_start3A_2024 = arith.constant 0 : i32
        %dma_start3A_2025 = arith.constant 0 : i32
        %dma_start3A_2026 = tpu.memref_slice %arg6[%select_n3A_1802, %dma_start3A_2015, %dma_start3A_2024, %dma_start3A_2025] : memref<2x16x8x64xf32, #tpu.memory_space<vmem>> -> memref<1x1x8x64xf32, #tpu.memory_space<vmem>>
        %dma_start3A_2027 = tpu.memref_squeeze %dma_start3A_2026 : memref<1x1x8x64xf32, #tpu.memory_space<vmem>> -> memref<8x64xf32, #tpu.memory_space<vmem>>
        %dma_start3A_2028 = arith.constant 0 : i32
        %dma_start3A_2029 = tpu.memref_slice %arg2[%multiple_of3A_2014, %dma_start3A_2028] : memref<1000000x64xf32, #tpu.memory_space<hbm>> -> memref<8x64xf32, #tpu.memory_space<hbm>>
        tpu.enqueue_dma source(%dma_start3A_2029 : memref<8x64xf32, #tpu.memory_space<hbm>>) target(%dma_start3A_2027 : memref<8x64xf32, #tpu.memory_space<vmem>>) target_semaphore(%dma_start3A_2023 : memref<!tpu.dma_semaphore, #tpu.memory_space<semaphore_mem>>)
        %slice3A_2030 = vector.extract_strided_slice %get3A_1809 {offsets = [10], sizes = [1], strides = [1]} : vector<16xi32> to vector<1xi32>
        %squeeze3A_2031 = vector.extract %slice3A_2030[0] : i32 from vector<1xi32>
        %shift_right_arithmetic3A_2032 = arith.constant 3 : i32
        %shift_right_arithmetic3A_2033 = arith.shrsi %squeeze3A_2031, %shift_right_arithmetic3A_2032 : i32
        %mul3A_2034 = arith.constant 8 : i32
        %mul3A_2035 = arith.muli %shift_right_arithmetic3A_2033, %mul3A_2034 : i32
        %multiple_of3A_2036 = tpu.assume_multiple %mul3A_2035, 8 : i32
        %dma_start3A_2037 = arith.constant 10 : i32
        %dma_start3A_2038 = arith.constant 0 : i32
        %dma_start3A_2039 = arith.constant 0 : i32
        %dma_start3A_2040 = tpu.memref_slice %arg6[%select_n3A_1802, %dma_start3A_2037, %dma_start3A_2038, %dma_start3A_2039] : memref<2x16x8x64xf32, #tpu.memory_space<vmem>> -> memref<1x1x8x64xf32, #tpu.memory_space<vmem>>
        %dma_start3A_2041 = tpu.memref_squeeze %dma_start3A_2040 : memref<1x1x8x64xf32, #tpu.memory_space<vmem>> -> memref<8x64xf32, #tpu.memory_space<vmem>>
        %dma_start3A_2042 = arith.constant 0 : i32
        %dma_start3A_2043 = tpu.memref_slice %arg2[%multiple_of3A_2036, %dma_start3A_2042] : memref<1000000x64xf32, #tpu.memory_space<hbm>> -> memref<8x64xf32, #tpu.memory_space<hbm>>
        %dma_start3A_2044 = tpu.memref_slice %arg8[%select_n3A_1802] : memref<2x!tpu.dma_semaphore, #tpu.memory_space<semaphore_mem>> -> memref<1x!tpu.dma_semaphore, #tpu.memory_space<semaphore_mem>>
        %dma_start3A_2045 = tpu.memref_squeeze %dma_start3A_2044 : memref<1x!tpu.dma_semaphore, #tpu.memory_space<semaphore_mem>> -> memref<!tpu.dma_semaphore, #tpu.memory_space<semaphore_mem>>
        %dma_start3A_2046 = arith.constant 0 : i32
        %dma_start3A_2047 = arith.constant 0 : i32
        %dma_start3A_2048 = tpu.memref_slice %arg6[%select_n3A_1802, %dma_start3A_2037, %dma_start3A_2046, %dma_start3A_2047] : memref<2x16x8x64xf32, #tpu.memory_space<vmem>> -> memref<1x1x8x64xf32, #tpu.memory_space<vmem>>
        %dma_start3A_2049 = tpu.memref_squeeze %dma_start3A_2048 : memref<1x1x8x64xf32, #tpu.memory_space<vmem>> -> memref<8x64xf32, #tpu.memory_space<vmem>>
        %dma_start3A_2050 = arith.constant 0 : i32
        %dma_start3A_2051 = tpu.memref_slice %arg2[%multiple_of3A_2036, %dma_start3A_2050] : memref<1000000x64xf32, #tpu.memory_space<hbm>> -> memref<8x64xf32, #tpu.memory_space<hbm>>
        tpu.enqueue_dma source(%dma_start3A_2051 : memref<8x64xf32, #tpu.memory_space<hbm>>) target(%dma_start3A_2049 : memref<8x64xf32, #tpu.memory_space<vmem>>) target_semaphore(%dma_start3A_2045 : memref<!tpu.dma_semaphore, #tpu.memory_space<semaphore_mem>>)
        %slice3A_2052 = vector.extract_strided_slice %get3A_1809 {offsets = [11], sizes = [1], strides = [1]} : vector<16xi32> to vector<1xi32>
        %squeeze3A_2053 = vector.extract %slice3A_2052[0] : i32 from vector<1xi32>
        %shift_right_arithmetic3A_2054 = arith.constant 3 : i32
        %shift_right_arithmetic3A_2055 = arith.shrsi %squeeze3A_2053, %shift_right_arithmetic3A_2054 : i32
        %mul3A_2056 = arith.constant 8 : i32
        %mul3A_2057 = arith.muli %shift_right_arithmetic3A_2055, %mul3A_2056 : i32
        %multiple_of3A_2058 = tpu.assume_multiple %mul3A_2057, 8 : i32
        %dma_start3A_2059 = arith.constant 11 : i32
        %dma_start3A_2060 = arith.constant 0 : i32
        %dma_start3A_2061 = arith.constant 0 : i32
        %dma_start3A_2062 = tpu.memref_slice %arg6[%select_n3A_1802, %dma_start3A_2059, %dma_start3A_2060, %dma_start3A_2061] : memref<2x16x8x64xf32, #tpu.memory_space<vmem>> -> memref<1x1x8x64xf32, #tpu.memory_space<vmem>>
        %dma_start3A_2063 = tpu.memref_squeeze %dma_start3A_2062 : memref<1x1x8x64xf32, #tpu.memory_space<vmem>> -> memref<8x64xf32, #tpu.memory_space<vmem>>
        %dma_start3A_2064 = arith.constant 0 : i32
        %dma_start3A_2065 = tpu.memref_slice %arg2[%multiple_of3A_2058, %dma_start3A_2064] : memref<1000000x64xf32, #tpu.memory_space<hbm>> -> memref<8x64xf32, #tpu.memory_space<hbm>>
        %dma_start3A_2066 = tpu.memref_slice %arg8[%select_n3A_1802] : memref<2x!tpu.dma_semaphore, #tpu.memory_space<semaphore_mem>> -> memref<1x!tpu.dma_semaphore, #tpu.memory_space<semaphore_mem>>
        %dma_start3A_2067 = tpu.memref_squeeze %dma_start3A_2066 : memref<1x!tpu.dma_semaphore, #tpu.memory_space<semaphore_mem>> -> memref<!tpu.dma_semaphore, #tpu.memory_space<semaphore_mem>>
        %dma_start3A_2068 = arith.constant 0 : i32
        %dma_start3A_2069 = arith.constant 0 : i32
        %dma_start3A_2070 = tpu.memref_slice %arg6[%select_n3A_1802, %dma_start3A_2059, %dma_start3A_2068, %dma_start3A_2069] : memref<2x16x8x64xf32, #tpu.memory_space<vmem>> -> memref<1x1x8x64xf32, #tpu.memory_space<vmem>>
        %dma_start3A_2071 = tpu.memref_squeeze %dma_start3A_2070 : memref<1x1x8x64xf32, #tpu.memory_space<vmem>> -> memref<8x64xf32, #tpu.memory_space<vmem>>
        %dma_start3A_2072 = arith.constant 0 : i32
        %dma_start3A_2073 = tpu.memref_slice %arg2[%multiple_of3A_2058, %dma_start3A_2072] : memref<1000000x64xf32, #tpu.memory_space<hbm>> -> memref<8x64xf32, #tpu.memory_space<hbm>>
        tpu.enqueue_dma source(%dma_start3A_2073 : memref<8x64xf32, #tpu.memory_space<hbm>>) target(%dma_start3A_2071 : memref<8x64xf32, #tpu.memory_space<vmem>>) target_semaphore(%dma_start3A_2067 : memref<!tpu.dma_semaphore, #tpu.memory_space<semaphore_mem>>)
        %slice3A_2074 = vector.extract_strided_slice %get3A_1809 {offsets = [12], sizes = [1], strides = [1]} : vector<16xi32> to vector<1xi32>
        %squeeze3A_2075 = vector.extract %slice3A_2074[0] : i32 from vector<1xi32>
        %shift_right_arithmetic3A_2076 = arith.constant 3 : i32
        %shift_right_arithmetic3A_2077 = arith.shrsi %squeeze3A_2075, %shift_right_arithmetic3A_2076 : i32
        %mul3A_2078 = arith.constant 8 : i32
        %mul3A_2079 = arith.muli %shift_right_arithmetic3A_2077, %mul3A_2078 : i32
        %multiple_of3A_2080 = tpu.assume_multiple %mul3A_2079, 8 : i32
        %dma_start3A_2081 = arith.constant 12 : i32
        %dma_start3A_2082 = arith.constant 0 : i32
        %dma_start3A_2083 = arith.constant 0 : i32
        %dma_start3A_2084 = tpu.memref_slice %arg6[%select_n3A_1802, %dma_start3A_2081, %dma_start3A_2082, %dma_start3A_2083] : memref<2x16x8x64xf32, #tpu.memory_space<vmem>> -> memref<1x1x8x64xf32, #tpu.memory_space<vmem>>
        %dma_start3A_2085 = tpu.memref_squeeze %dma_start3A_2084 : memref<1x1x8x64xf32, #tpu.memory_space<vmem>> -> memref<8x64xf32, #tpu.memory_space<vmem>>
        %dma_start3A_2086 = arith.constant 0 : i32
        %dma_start3A_2087 = tpu.memref_slice %arg2[%multiple_of3A_2080, %dma_start3A_2086] : memref<1000000x64xf32, #tpu.memory_space<hbm>> -> memref<8x64xf32, #tpu.memory_space<hbm>>
        %dma_start3A_2088 = tpu.memref_slice %arg8[%select_n3A_1802] : memref<2x!tpu.dma_semaphore, #tpu.memory_space<semaphore_mem>> -> memref<1x!tpu.dma_semaphore, #tpu.memory_space<semaphore_mem>>
        %dma_start3A_2089 = tpu.memref_squeeze %dma_start3A_2088 : memref<1x!tpu.dma_semaphore, #tpu.memory_space<semaphore_mem>> -> memref<!tpu.dma_semaphore, #tpu.memory_space<semaphore_mem>>
        %dma_start3A_2090 = arith.constant 0 : i32
        %dma_start3A_2091 = arith.constant 0 : i32
        %dma_start3A_2092 = tpu.memref_slice %arg6[%select_n3A_1802, %dma_start3A_2081, %dma_start3A_2090, %dma_start3A_2091] : memref<2x16x8x64xf32, #tpu.memory_space<vmem>> -> memref<1x1x8x64xf32, #tpu.memory_space<vmem>>
        %dma_start3A_2093 = tpu.memref_squeeze %dma_start3A_2092 : memref<1x1x8x64xf32, #tpu.memory_space<vmem>> -> memref<8x64xf32, #tpu.memory_space<vmem>>
        %dma_start3A_2094 = arith.constant 0 : i32
        %dma_start3A_2095 = tpu.memref_slice %arg2[%multiple_of3A_2080, %dma_start3A_2094] : memref<1000000x64xf32, #tpu.memory_space<hbm>> -> memref<8x64xf32, #tpu.memory_space<hbm>>
        tpu.enqueue_dma source(%dma_start3A_2095 : memref<8x64xf32, #tpu.memory_space<hbm>>) target(%dma_start3A_2093 : memref<8x64xf32, #tpu.memory_space<vmem>>) target_semaphore(%dma_start3A_2089 : memref<!tpu.dma_semaphore, #tpu.memory_space<semaphore_mem>>)
        %slice3A_2096 = vector.extract_strided_slice %get3A_1809 {offsets = [13], sizes = [1], strides = [1]} : vector<16xi32> to vector<1xi32>
        %squeeze3A_2097 = vector.extract %slice3A_2096[0] : i32 from vector<1xi32>
        %shift_right_arithmetic3A_2098 = arith.constant 3 : i32
        %shift_right_arithmetic3A_2099 = arith.shrsi %squeeze3A_2097, %shift_right_arithmetic3A_2098 : i32
        %mul3A_2100 = arith.constant 8 : i32
        %mul3A_2101 = arith.muli %shift_right_arithmetic3A_2099, %mul3A_2100 : i32
        %multiple_of3A_2102 = tpu.assume_multiple %mul3A_2101, 8 : i32
        %dma_start3A_2103 = arith.constant 13 : i32
        %dma_start3A_2104 = arith.constant 0 : i32
        %dma_start3A_2105 = arith.constant 0 : i32
        %dma_start3A_2106 = tpu.memref_slice %arg6[%select_n3A_1802, %dma_start3A_2103, %dma_start3A_2104, %dma_start3A_2105] : memref<2x16x8x64xf32, #tpu.memory_space<vmem>> -> memref<1x1x8x64xf32, #tpu.memory_space<vmem>>
        %dma_start3A_2107 = tpu.memref_squeeze %dma_start3A_2106 : memref<1x1x8x64xf32, #tpu.memory_space<vmem>> -> memref<8x64xf32, #tpu.memory_space<vmem>>
        %dma_start3A_2108 = arith.constant 0 : i32
        %dma_start3A_2109 = tpu.memref_slice %arg2[%multiple_of3A_2102, %dma_start3A_2108] : memref<1000000x64xf32, #tpu.memory_space<hbm>> -> memref<8x64xf32, #tpu.memory_space<hbm>>
        %dma_start3A_2110 = tpu.memref_slice %arg8[%select_n3A_1802] : memref<2x!tpu.dma_semaphore, #tpu.memory_space<semaphore_mem>> -> memref<1x!tpu.dma_semaphore, #tpu.memory_space<semaphore_mem>>
        %dma_start3A_2111 = tpu.memref_squeeze %dma_start3A_2110 : memref<1x!tpu.dma_semaphore, #tpu.memory_space<semaphore_mem>> -> memref<!tpu.dma_semaphore, #tpu.memory_space<semaphore_mem>>
        %dma_start3A_2112 = arith.constant 0 : i32
        %dma_start3A_2113 = arith.constant 0 : i32
        %dma_start3A_2114 = tpu.memref_slice %arg6[%select_n3A_1802, %dma_start3A_2103, %dma_start3A_2112, %dma_start3A_2113] : memref<2x16x8x64xf32, #tpu.memory_space<vmem>> -> memref<1x1x8x64xf32, #tpu.memory_space<vmem>>
        %dma_start3A_2115 = tpu.memref_squeeze %dma_start3A_2114 : memref<1x1x8x64xf32, #tpu.memory_space<vmem>> -> memref<8x64xf32, #tpu.memory_space<vmem>>
        %dma_start3A_2116 = arith.constant 0 : i32
        %dma_start3A_2117 = tpu.memref_slice %arg2[%multiple_of3A_2102, %dma_start3A_2116] : memref<1000000x64xf32, #tpu.memory_space<hbm>> -> memref<8x64xf32, #tpu.memory_space<hbm>>
        tpu.enqueue_dma source(%dma_start3A_2117 : memref<8x64xf32, #tpu.memory_space<hbm>>) target(%dma_start3A_2115 : memref<8x64xf32, #tpu.memory_space<vmem>>) target_semaphore(%dma_start3A_2111 : memref<!tpu.dma_semaphore, #tpu.memory_space<semaphore_mem>>)
        %slice3A_2118 = vector.extract_strided_slice %get3A_1809 {offsets = [14], sizes = [1], strides = [1]} : vector<16xi32> to vector<1xi32>
        %squeeze3A_2119 = vector.extract %slice3A_2118[0] : i32 from vector<1xi32>
        %shift_right_arithmetic3A_2120 = arith.constant 3 : i32
        %shift_right_arithmetic3A_2121 = arith.shrsi %squeeze3A_2119, %shift_right_arithmetic3A_2120 : i32
        %mul3A_2122 = arith.constant 8 : i32
        %mul3A_2123 = arith.muli %shift_right_arithmetic3A_2121, %mul3A_2122 : i32
        %multiple_of3A_2124 = tpu.assume_multiple %mul3A_2123, 8 : i32
        %dma_start3A_2125 = arith.constant 14 : i32
        %dma_start3A_2126 = arith.constant 0 : i32
        %dma_start3A_2127 = arith.constant 0 : i32
        %dma_start3A_2128 = tpu.memref_slice %arg6[%select_n3A_1802, %dma_start3A_2125, %dma_start3A_2126, %dma_start3A_2127] : memref<2x16x8x64xf32, #tpu.memory_space<vmem>> -> memref<1x1x8x64xf32, #tpu.memory_space<vmem>>
        %dma_start3A_2129 = tpu.memref_squeeze %dma_start3A_2128 : memref<1x1x8x64xf32, #tpu.memory_space<vmem>> -> memref<8x64xf32, #tpu.memory_space<vmem>>
        %dma_start3A_2130 = arith.constant 0 : i32
        %dma_start3A_2131 = tpu.memref_slice %arg2[%multiple_of3A_2124, %dma_start3A_2130] : memref<1000000x64xf32, #tpu.memory_space<hbm>> -> memref<8x64xf32, #tpu.memory_space<hbm>>
        %dma_start3A_2132 = tpu.memref_slice %arg8[%select_n3A_1802] : memref<2x!tpu.dma_semaphore, #tpu.memory_space<semaphore_mem>> -> memref<1x!tpu.dma_semaphore, #tpu.memory_space<semaphore_mem>>
        %dma_start3A_2133 = tpu.memref_squeeze %dma_start3A_2132 : memref<1x!tpu.dma_semaphore, #tpu.memory_space<semaphore_mem>> -> memref<!tpu.dma_semaphore, #tpu.memory_space<semaphore_mem>>
        %dma_start3A_2134 = arith.constant 0 : i32
        %dma_start3A_2135 = arith.constant 0 : i32
        %dma_start3A_2136 = tpu.memref_slice %arg6[%select_n3A_1802, %dma_start3A_2125, %dma_start3A_2134, %dma_start3A_2135] : memref<2x16x8x64xf32, #tpu.memory_space<vmem>> -> memref<1x1x8x64xf32, #tpu.memory_space<vmem>>
        %dma_start3A_2137 = tpu.memref_squeeze %dma_start3A_2136 : memref<1x1x8x64xf32, #tpu.memory_space<vmem>> -> memref<8x64xf32, #tpu.memory_space<vmem>>
        %dma_start3A_2138 = arith.constant 0 : i32
        %dma_start3A_2139 = tpu.memref_slice %arg2[%multiple_of3A_2124, %dma_start3A_2138] : memref<1000000x64xf32, #tpu.memory_space<hbm>> -> memref<8x64xf32, #tpu.memory_space<hbm>>
        tpu.enqueue_dma source(%dma_start3A_2139 : memref<8x64xf32, #tpu.memory_space<hbm>>) target(%dma_start3A_2137 : memref<8x64xf32, #tpu.memory_space<vmem>>) target_semaphore(%dma_start3A_2133 : memref<!tpu.dma_semaphore, #tpu.memory_space<semaphore_mem>>)
        %slice3A_2140 = vector.extract_strided_slice %get3A_1809 {offsets = [15], sizes = [1], strides = [1]} : vector<16xi32> to vector<1xi32>
        %squeeze3A_2141 = vector.extract %slice3A_2140[0] : i32 from vector<1xi32>
        %shift_right_arithmetic3A_2142 = arith.constant 3 : i32
        %shift_right_arithmetic3A_2143 = arith.shrsi %squeeze3A_2141, %shift_right_arithmetic3A_2142 : i32
        %mul3A_2144 = arith.constant 8 : i32
        %mul3A_2145 = arith.muli %shift_right_arithmetic3A_2143, %mul3A_2144 : i32
        %multiple_of3A_2146 = tpu.assume_multiple %mul3A_2145, 8 : i32
        %dma_start3A_2147 = arith.constant 15 : i32
        %dma_start3A_2148 = arith.constant 0 : i32
        %dma_start3A_2149 = arith.constant 0 : i32
        %dma_start3A_2150 = tpu.memref_slice %arg6[%select_n3A_1802, %dma_start3A_2147, %dma_start3A_2148, %dma_start3A_2149] : memref<2x16x8x64xf32, #tpu.memory_space<vmem>> -> memref<1x1x8x64xf32, #tpu.memory_space<vmem>>
        %dma_start3A_2151 = tpu.memref_squeeze %dma_start3A_2150 : memref<1x1x8x64xf32, #tpu.memory_space<vmem>> -> memref<8x64xf32, #tpu.memory_space<vmem>>
        %dma_start3A_2152 = arith.constant 0 : i32
        %dma_start3A_2153 = tpu.memref_slice %arg2[%multiple_of3A_2146, %dma_start3A_2152] : memref<1000000x64xf32, #tpu.memory_space<hbm>> -> memref<8x64xf32, #tpu.memory_space<hbm>>
        %dma_start3A_2154 = tpu.memref_slice %arg8[%select_n3A_1802] : memref<2x!tpu.dma_semaphore, #tpu.memory_space<semaphore_mem>> -> memref<1x!tpu.dma_semaphore, #tpu.memory_space<semaphore_mem>>
        %dma_start3A_2155 = tpu.memref_squeeze %dma_start3A_2154 : memref<1x!tpu.dma_semaphore, #tpu.memory_space<semaphore_mem>> -> memref<!tpu.dma_semaphore, #tpu.memory_space<semaphore_mem>>
        %dma_start3A_2156 = arith.constant 0 : i32
        %dma_start3A_2157 = arith.constant 0 : i32
        %dma_start3A_2158 = tpu.memref_slice %arg6[%select_n3A_1802, %dma_start3A_2147, %dma_start3A_2156, %dma_start3A_2157] : memref<2x16x8x64xf32, #tpu.memory_space<vmem>> -> memref<1x1x8x64xf32, #tpu.memory_space<vmem>>
        %dma_start3A_2159 = tpu.memref_squeeze %dma_start3A_2158 : memref<1x1x8x64xf32, #tpu.memory_space<vmem>> -> memref<8x64xf32, #tpu.memory_space<vmem>>
        %dma_start3A_2160 = arith.constant 0 : i32
        %dma_start3A_2161 = tpu.memref_slice %arg2[%multiple_of3A_2146, %dma_start3A_2160] : memref<1000000x64xf32, #tpu.memory_space<hbm>> -> memref<8x64xf32, #tpu.memory_space<hbm>>
        tpu.enqueue_dma source(%dma_start3A_2161 : memref<8x64xf32, #tpu.memory_space<hbm>>) target(%dma_start3A_2159 : memref<8x64xf32, #tpu.memory_space<vmem>>) target_semaphore(%dma_start3A_2155 : memref<!tpu.dma_semaphore, #tpu.memory_space<semaphore_mem>>)
      } else {
      }
      %dma_wait3A = arith.constant 0 : i32
      %dma_wait3A_404 = arith.constant 0 : i32
      %dma_wait3A_405 = arith.constant 0 : i32
      %dma_wait3A_406 = arith.constant 0 : i32
      %dma_wait3A_407 = tpu.memref_slice %arg6[%dma_wait3A, %dma_wait3A_404, %dma_wait3A_405, %dma_wait3A_406] : memref<2x16x8x64xf32, #tpu.memory_space<vmem>> -> memref<1x1x8x64xf32, #tpu.memory_space<vmem>>
      %dma_wait3A_408 = tpu.memref_squeeze %dma_wait3A_407 : memref<1x1x8x64xf32, #tpu.memory_space<vmem>> -> memref<8x64xf32, #tpu.memory_space<vmem>>
      %dma_wait3A_409 = arith.constant 0 : i32
      %dma_wait3A_410 = arith.constant 0 : i32
      %dma_wait3A_411 = tpu.memref_slice %arg2[%dma_wait3A_409, %dma_wait3A_410] : memref<1000000x64xf32, #tpu.memory_space<hbm>> -> memref<8x64xf32, #tpu.memory_space<hbm>>
      %dma_wait3A_412 = tpu.memref_slice %arg8[%select_n3A_398] : memref<2x!tpu.dma_semaphore, #tpu.memory_space<semaphore_mem>> -> memref<1x!tpu.dma_semaphore, #tpu.memory_space<semaphore_mem>>
      %dma_wait3A_413 = tpu.memref_squeeze %dma_wait3A_412 : memref<1x!tpu.dma_semaphore, #tpu.memory_space<semaphore_mem>> -> memref<!tpu.dma_semaphore, #tpu.memory_space<semaphore_mem>>
      %dma_wait3A_414 = arith.constant 0 : i32
      %dma_wait3A_415 = arith.constant 0 : i32
      %dma_wait3A_416 = tpu.memref_slice %arg6[%dma_wait3A, %dma_wait3A_404, %dma_wait3A_414, %dma_wait3A_415] : memref<2x16x8x64xf32, #tpu.memory_space<vmem>> -> memref<1x1x8x64xf32, #tpu.memory_space<vmem>>
      %dma_wait3A_417 = tpu.memref_squeeze %dma_wait3A_416 : memref<1x1x8x64xf32, #tpu.memory_space<vmem>> -> memref<8x64xf32, #tpu.memory_space<vmem>>
      %dma_wait3A_418 = arith.constant 0 : i32
      %dma_wait3A_419 = arith.constant 0 : i32
      %dma_wait3A_420 = tpu.memref_slice %arg2[%dma_wait3A_418, %dma_wait3A_419] : memref<1000000x64xf32, #tpu.memory_space<hbm>> -> memref<8x64xf32, #tpu.memory_space<hbm>>
      tpu.wait_dma2 semaphore(%dma_wait3A_413 : memref<!tpu.dma_semaphore, #tpu.memory_space<semaphore_mem>>) src(%dma_wait3A_420 : memref<8x64xf32, #tpu.memory_space<hbm>>) dst(%dma_wait3A_417 : memref<8x64xf32, #tpu.memory_space<vmem>>)
      %dma_wait3A_421 = arith.constant 0 : i32
      %dma_wait3A_422 = arith.constant 0 : i32
      %dma_wait3A_423 = arith.constant 0 : i32
      %dma_wait3A_424 = arith.constant 0 : i32
      %dma_wait3A_425 = tpu.memref_slice %arg6[%dma_wait3A_421, %dma_wait3A_422, %dma_wait3A_423, %dma_wait3A_424] : memref<2x16x8x64xf32, #tpu.memory_space<vmem>> -> memref<1x1x8x64xf32, #tpu.memory_space<vmem>>
      %dma_wait3A_426 = tpu.memref_squeeze %dma_wait3A_425 : memref<1x1x8x64xf32, #tpu.memory_space<vmem>> -> memref<8x64xf32, #tpu.memory_space<vmem>>
      %dma_wait3A_427 = arith.constant 0 : i32
      %dma_wait3A_428 = arith.constant 0 : i32
      %dma_wait3A_429 = tpu.memref_slice %arg2[%dma_wait3A_427, %dma_wait3A_428] : memref<1000000x64xf32, #tpu.memory_space<hbm>> -> memref<8x64xf32, #tpu.memory_space<hbm>>
      %dma_wait3A_430 = tpu.memref_slice %arg8[%select_n3A_398] : memref<2x!tpu.dma_semaphore, #tpu.memory_space<semaphore_mem>> -> memref<1x!tpu.dma_semaphore, #tpu.memory_space<semaphore_mem>>
      %dma_wait3A_431 = tpu.memref_squeeze %dma_wait3A_430 : memref<1x!tpu.dma_semaphore, #tpu.memory_space<semaphore_mem>> -> memref<!tpu.dma_semaphore, #tpu.memory_space<semaphore_mem>>
      %dma_wait3A_432 = arith.constant 0 : i32
      %dma_wait3A_433 = arith.constant 0 : i32
      %dma_wait3A_434 = tpu.memref_slice %arg6[%dma_wait3A_421, %dma_wait3A_422, %dma_wait3A_432, %dma_wait3A_433] : memref<2x16x8x64xf32, #tpu.memory_space<vmem>> -> memref<1x1x8x64xf32, #tpu.memory_space<vmem>>
      %dma_wait3A_435 = tpu.memref_squeeze %dma_wait3A_434 : memref<1x1x8x64xf32, #tpu.memory_space<vmem>> -> memref<8x64xf32, #tpu.memory_space<vmem>>
      %dma_wait3A_436 = arith.constant 0 : i32
      %dma_wait3A_437 = arith.constant 0 : i32
      %dma_wait3A_438 = tpu.memref_slice %arg2[%dma_wait3A_436, %dma_wait3A_437] : memref<1000000x64xf32, #tpu.memory_space<hbm>> -> memref<8x64xf32, #tpu.memory_space<hbm>>
      tpu.wait_dma2 semaphore(%dma_wait3A_431 : memref<!tpu.dma_semaphore, #tpu.memory_space<semaphore_mem>>) src(%dma_wait3A_438 : memref<8x64xf32, #tpu.memory_space<hbm>>) dst(%dma_wait3A_435 : memref<8x64xf32, #tpu.memory_space<vmem>>)
      %dma_wait3A_439 = arith.constant 0 : i32
      %dma_wait3A_440 = arith.constant 0 : i32
      %dma_wait3A_441 = arith.constant 0 : i32
      %dma_wait3A_442 = arith.constant 0 : i32
      %dma_wait3A_443 = tpu.memref_slice %arg6[%dma_wait3A_439, %dma_wait3A_440, %dma_wait3A_441, %dma_wait3A_442] : memref<2x16x8x64xf32, #tpu.memory_space<vmem>> -> memref<1x1x8x64xf32, #tpu.memory_space<vmem>>
      %dma_wait3A_444 = tpu.memref_squeeze %dma_wait3A_443 : memref<1x1x8x64xf32, #tpu.memory_space<vmem>> -> memref<8x64xf32, #tpu.memory_space<vmem>>
      %dma_wait3A_445 = arith.constant 0 : i32
      %dma_wait3A_446 = arith.constant 0 : i32
      %dma_wait3A_447 = tpu.memref_slice %arg2[%dma_wait3A_445, %dma_wait3A_446] : memref<1000000x64xf32, #tpu.memory_space<hbm>> -> memref<8x64xf32, #tpu.memory_space<hbm>>
      %dma_wait3A_448 = tpu.memref_slice %arg8[%select_n3A_398] : memref<2x!tpu.dma_semaphore, #tpu.memory_space<semaphore_mem>> -> memref<1x!tpu.dma_semaphore, #tpu.memory_space<semaphore_mem>>
      %dma_wait3A_449 = tpu.memref_squeeze %dma_wait3A_448 : memref<1x!tpu.dma_semaphore, #tpu.memory_space<semaphore_mem>> -> memref<!tpu.dma_semaphore, #tpu.memory_space<semaphore_mem>>
      %dma_wait3A_450 = arith.constant 0 : i32
      %dma_wait3A_451 = arith.constant 0 : i32
      %dma_wait3A_452 = tpu.memref_slice %arg6[%dma_wait3A_439, %dma_wait3A_440, %dma_wait3A_450, %dma_wait3A_451] : memref<2x16x8x64xf32, #tpu.memory_space<vmem>> -> memref<1x1x8x64xf32, #tpu.memory_space<vmem>>
      %dma_wait3A_453 = tpu.memref_squeeze %dma_wait3A_452 : memref<1x1x8x64xf32, #tpu.memory_space<vmem>> -> memref<8x64xf32, #tpu.memory_space<vmem>>
      %dma_wait3A_454 = arith.constant 0 : i32
      %dma_wait3A_455 = arith.constant 0 : i32
      %dma_wait3A_456 = tpu.memref_slice %arg2[%dma_wait3A_454, %dma_wait3A_455] : memref<1000000x64xf32, #tpu.memory_space<hbm>> -> memref<8x64xf32, #tpu.memory_space<hbm>>
      tpu.wait_dma2 semaphore(%dma_wait3A_449 : memref<!tpu.dma_semaphore, #tpu.memory_space<semaphore_mem>>) src(%dma_wait3A_456 : memref<8x64xf32, #tpu.memory_space<hbm>>) dst(%dma_wait3A_453 : memref<8x64xf32, #tpu.memory_space<vmem>>)
      %dma_wait3A_457 = arith.constant 0 : i32
      %dma_wait3A_458 = arith.constant 0 : i32
      %dma_wait3A_459 = arith.constant 0 : i32
      %dma_wait3A_460 = arith.constant 0 : i32
      %dma_wait3A_461 = tpu.memref_slice %arg6[%dma_wait3A_457, %dma_wait3A_458, %dma_wait3A_459, %dma_wait3A_460] : memref<2x16x8x64xf32, #tpu.memory_space<vmem>> -> memref<1x1x8x64xf32, #tpu.memory_space<vmem>>
      %dma_wait3A_462 = tpu.memref_squeeze %dma_wait3A_461 : memref<1x1x8x64xf32, #tpu.memory_space<vmem>> -> memref<8x64xf32, #tpu.memory_space<vmem>>
      %dma_wait3A_463 = arith.constant 0 : i32
      %dma_wait3A_464 = arith.constant 0 : i32
      %dma_wait3A_465 = tpu.memref_slice %arg2[%dma_wait3A_463, %dma_wait3A_464] : memref<1000000x64xf32, #tpu.memory_space<hbm>> -> memref<8x64xf32, #tpu.memory_space<hbm>>
      %dma_wait3A_466 = tpu.memref_slice %arg8[%select_n3A_398] : memref<2x!tpu.dma_semaphore, #tpu.memory_space<semaphore_mem>> -> memref<1x!tpu.dma_semaphore, #tpu.memory_space<semaphore_mem>>
      %dma_wait3A_467 = tpu.memref_squeeze %dma_wait3A_466 : memref<1x!tpu.dma_semaphore, #tpu.memory_space<semaphore_mem>> -> memref<!tpu.dma_semaphore, #tpu.memory_space<semaphore_mem>>
      %dma_wait3A_468 = arith.constant 0 : i32
      %dma_wait3A_469 = arith.constant 0 : i32
      %dma_wait3A_470 = tpu.memref_slice %arg6[%dma_wait3A_457, %dma_wait3A_458, %dma_wait3A_468, %dma_wait3A_469] : memref<2x16x8x64xf32, #tpu.memory_space<vmem>> -> memref<1x1x8x64xf32, #tpu.memory_space<vmem>>
      %dma_wait3A_471 = tpu.memref_squeeze %dma_wait3A_470 : memref<1x1x8x64xf32, #tpu.memory_space<vmem>> -> memref<8x64xf32, #tpu.memory_space<vmem>>
      %dma_wait3A_472 = arith.constant 0 : i32
      %dma_wait3A_473 = arith.constant 0 : i32
      %dma_wait3A_474 = tpu.memref_slice %arg2[%dma_wait3A_472, %dma_wait3A_473] : memref<1000000x64xf32, #tpu.memory_space<hbm>> -> memref<8x64xf32, #tpu.memory_space<hbm>>
      tpu.wait_dma2 semaphore(%dma_wait3A_467 : memref<!tpu.dma_semaphore, #tpu.memory_space<semaphore_mem>>) src(%dma_wait3A_474 : memref<8x64xf32, #tpu.memory_space<hbm>>) dst(%dma_wait3A_471 : memref<8x64xf32, #tpu.memory_space<vmem>>)
      %dma_wait3A_475 = arith.constant 0 : i32
      %dma_wait3A_476 = arith.constant 0 : i32
      %dma_wait3A_477 = arith.constant 0 : i32
      %dma_wait3A_478 = arith.constant 0 : i32
      %dma_wait3A_479 = tpu.memref_slice %arg6[%dma_wait3A_475, %dma_wait3A_476, %dma_wait3A_477, %dma_wait3A_478] : memref<2x16x8x64xf32, #tpu.memory_space<vmem>> -> memref<1x1x8x64xf32, #tpu.memory_space<vmem>>
      %dma_wait3A_480 = tpu.memref_squeeze %dma_wait3A_479 : memref<1x1x8x64xf32, #tpu.memory_space<vmem>> -> memref<8x64xf32, #tpu.memory_space<vmem>>
      %dma_wait3A_481 = arith.constant 0 : i32
      %dma_wait3A_482 = arith.constant 0 : i32
      %dma_wait3A_483 = tpu.memref_slice %arg2[%dma_wait3A_481, %dma_wait3A_482] : memref<1000000x64xf32, #tpu.memory_space<hbm>> -> memref<8x64xf32, #tpu.memory_space<hbm>>
      %dma_wait3A_484 = tpu.memref_slice %arg8[%select_n3A_398] : memref<2x!tpu.dma_semaphore, #tpu.memory_space<semaphore_mem>> -> memref<1x!tpu.dma_semaphore, #tpu.memory_space<semaphore_mem>>
      %dma_wait3A_485 = tpu.memref_squeeze %dma_wait3A_484 : memref<1x!tpu.dma_semaphore, #tpu.memory_space<semaphore_mem>> -> memref<!tpu.dma_semaphore, #tpu.memory_space<semaphore_mem>>
      %dma_wait3A_486 = arith.constant 0 : i32
      %dma_wait3A_487 = arith.constant 0 : i32
      %dma_wait3A_488 = tpu.memref_slice %arg6[%dma_wait3A_475, %dma_wait3A_476, %dma_wait3A_486, %dma_wait3A_487] : memref<2x16x8x64xf32, #tpu.memory_space<vmem>> -> memref<1x1x8x64xf32, #tpu.memory_space<vmem>>
      %dma_wait3A_489 = tpu.memref_squeeze %dma_wait3A_488 : memref<1x1x8x64xf32, #tpu.memory_space<vmem>> -> memref<8x64xf32, #tpu.memory_space<vmem>>
      %dma_wait3A_490 = arith.constant 0 : i32
      %dma_wait3A_491 = arith.constant 0 : i32
      %dma_wait3A_492 = tpu.memref_slice %arg2[%dma_wait3A_490, %dma_wait3A_491] : memref<1000000x64xf32, #tpu.memory_space<hbm>> -> memref<8x64xf32, #tpu.memory_space<hbm>>
      tpu.wait_dma2 semaphore(%dma_wait3A_485 : memref<!tpu.dma_semaphore, #tpu.memory_space<semaphore_mem>>) src(%dma_wait3A_492 : memref<8x64xf32, #tpu.memory_space<hbm>>) dst(%dma_wait3A_489 : memref<8x64xf32, #tpu.memory_space<vmem>>)
      %dma_wait3A_493 = arith.constant 0 : i32
      %dma_wait3A_494 = arith.constant 0 : i32
      %dma_wait3A_495 = arith.constant 0 : i32
      %dma_wait3A_496 = arith.constant 0 : i32
      %dma_wait3A_497 = tpu.memref_slice %arg6[%dma_wait3A_493, %dma_wait3A_494, %dma_wait3A_495, %dma_wait3A_496] : memref<2x16x8x64xf32, #tpu.memory_space<vmem>> -> memref<1x1x8x64xf32, #tpu.memory_space<vmem>>
      %dma_wait3A_498 = tpu.memref_squeeze %dma_wait3A_497 : memref<1x1x8x64xf32, #tpu.memory_space<vmem>> -> memref<8x64xf32, #tpu.memory_space<vmem>>
      %dma_wait3A_499 = arith.constant 0 : i32
      %dma_wait3A_500 = arith.constant 0 : i32
      %dma_wait3A_501 = tpu.memref_slice %arg2[%dma_wait3A_499, %dma_wait3A_500] : memref<1000000x64xf32, #tpu.memory_space<hbm>> -> memref<8x64xf32, #tpu.memory_space<hbm>>
      %dma_wait3A_502 = tpu.memref_slice %arg8[%select_n3A_398] : memref<2x!tpu.dma_semaphore, #tpu.memory_space<semaphore_mem>> -> memref<1x!tpu.dma_semaphore, #tpu.memory_space<semaphore_mem>>
      %dma_wait3A_503 = tpu.memref_squeeze %dma_wait3A_502 : memref<1x!tpu.dma_semaphore, #tpu.memory_space<semaphore_mem>> -> memref<!tpu.dma_semaphore, #tpu.memory_space<semaphore_mem>>
      %dma_wait3A_504 = arith.constant 0 : i32
      %dma_wait3A_505 = arith.constant 0 : i32
      %dma_wait3A_506 = tpu.memref_slice %arg6[%dma_wait3A_493, %dma_wait3A_494, %dma_wait3A_504, %dma_wait3A_505] : memref<2x16x8x64xf32, #tpu.memory_space<vmem>> -> memref<1x1x8x64xf32, #tpu.memory_space<vmem>>
      %dma_wait3A_507 = tpu.memref_squeeze %dma_wait3A_506 : memref<1x1x8x64xf32, #tpu.memory_space<vmem>> -> memref<8x64xf32, #tpu.memory_space<vmem>>
      %dma_wait3A_508 = arith.constant 0 : i32
      %dma_wait3A_509 = arith.constant 0 : i32
      %dma_wait3A_510 = tpu.memref_slice %arg2[%dma_wait3A_508, %dma_wait3A_509] : memref<1000000x64xf32, #tpu.memory_space<hbm>> -> memref<8x64xf32, #tpu.memory_space<hbm>>
      tpu.wait_dma2 semaphore(%dma_wait3A_503 : memref<!tpu.dma_semaphore, #tpu.memory_space<semaphore_mem>>) src(%dma_wait3A_510 : memref<8x64xf32, #tpu.memory_space<hbm>>) dst(%dma_wait3A_507 : memref<8x64xf32, #tpu.memory_space<vmem>>)
      %dma_wait3A_511 = arith.constant 0 : i32
      %dma_wait3A_512 = arith.constant 0 : i32
      %dma_wait3A_513 = arith.constant 0 : i32
      %dma_wait3A_514 = arith.constant 0 : i32
      %dma_wait3A_515 = tpu.memref_slice %arg6[%dma_wait3A_511, %dma_wait3A_512, %dma_wait3A_513, %dma_wait3A_514] : memref<2x16x8x64xf32, #tpu.memory_space<vmem>> -> memref<1x1x8x64xf32, #tpu.memory_space<vmem>>
      %dma_wait3A_516 = tpu.memref_squeeze %dma_wait3A_515 : memref<1x1x8x64xf32, #tpu.memory_space<vmem>> -> memref<8x64xf32, #tpu.memory_space<vmem>>
      %dma_wait3A_517 = arith.constant 0 : i32
      %dma_wait3A_518 = arith.constant 0 : i32
      %dma_wait3A_519 = tpu.memref_slice %arg2[%dma_wait3A_517, %dma_wait3A_518] : memref<1000000x64xf32, #tpu.memory_space<hbm>> -> memref<8x64xf32, #tpu.memory_space<hbm>>
      %dma_wait3A_520 = tpu.memref_slice %arg8[%select_n3A_398] : memref<2x!tpu.dma_semaphore, #tpu.memory_space<semaphore_mem>> -> memref<1x!tpu.dma_semaphore, #tpu.memory_space<semaphore_mem>>
      %dma_wait3A_521 = tpu.memref_squeeze %dma_wait3A_520 : memref<1x!tpu.dma_semaphore, #tpu.memory_space<semaphore_mem>> -> memref<!tpu.dma_semaphore, #tpu.memory_space<semaphore_mem>>
      %dma_wait3A_522 = arith.constant 0 : i32
      %dma_wait3A_523 = arith.constant 0 : i32
      %dma_wait3A_524 = tpu.memref_slice %arg6[%dma_wait3A_511, %dma_wait3A_512, %dma_wait3A_522, %dma_wait3A_523] : memref<2x16x8x64xf32, #tpu.memory_space<vmem>> -> memref<1x1x8x64xf32, #tpu.memory_space<vmem>>
      %dma_wait3A_525 = tpu.memref_squeeze %dma_wait3A_524 : memref<1x1x8x64xf32, #tpu.memory_space<vmem>> -> memref<8x64xf32, #tpu.memory_space<vmem>>
      %dma_wait3A_526 = arith.constant 0 : i32
      %dma_wait3A_527 = arith.constant 0 : i32
      %dma_wait3A_528 = tpu.memref_slice %arg2[%dma_wait3A_526, %dma_wait3A_527] : memref<1000000x64xf32, #tpu.memory_space<hbm>> -> memref<8x64xf32, #tpu.memory_space<hbm>>
      tpu.wait_dma2 semaphore(%dma_wait3A_521 : memref<!tpu.dma_semaphore, #tpu.memory_space<semaphore_mem>>) src(%dma_wait3A_528 : memref<8x64xf32, #tpu.memory_space<hbm>>) dst(%dma_wait3A_525 : memref<8x64xf32, #tpu.memory_space<vmem>>)
      %dma_wait3A_529 = arith.constant 0 : i32
      %dma_wait3A_530 = arith.constant 0 : i32
      %dma_wait3A_531 = arith.constant 0 : i32
      %dma_wait3A_532 = arith.constant 0 : i32
      %dma_wait3A_533 = tpu.memref_slice %arg6[%dma_wait3A_529, %dma_wait3A_530, %dma_wait3A_531, %dma_wait3A_532] : memref<2x16x8x64xf32, #tpu.memory_space<vmem>> -> memref<1x1x8x64xf32, #tpu.memory_space<vmem>>
      %dma_wait3A_534 = tpu.memref_squeeze %dma_wait3A_533 : memref<1x1x8x64xf32, #tpu.memory_space<vmem>> -> memref<8x64xf32, #tpu.memory_space<vmem>>
      %dma_wait3A_535 = arith.constant 0 : i32
      %dma_wait3A_536 = arith.constant 0 : i32
      %dma_wait3A_537 = tpu.memref_slice %arg2[%dma_wait3A_535, %dma_wait3A_536] : memref<1000000x64xf32, #tpu.memory_space<hbm>> -> memref<8x64xf32, #tpu.memory_space<hbm>>
      %dma_wait3A_538 = tpu.memref_slice %arg8[%select_n3A_398] : memref<2x!tpu.dma_semaphore, #tpu.memory_space<semaphore_mem>> -> memref<1x!tpu.dma_semaphore, #tpu.memory_space<semaphore_mem>>
      %dma_wait3A_539 = tpu.memref_squeeze %dma_wait3A_538 : memref<1x!tpu.dma_semaphore, #tpu.memory_space<semaphore_mem>> -> memref<!tpu.dma_semaphore, #tpu.memory_space<semaphore_mem>>
      %dma_wait3A_540 = arith.constant 0 : i32
      %dma_wait3A_541 = arith.constant 0 : i32
      %dma_wait3A_542 = tpu.memref_slice %arg6[%dma_wait3A_529, %dma_wait3A_530, %dma_wait3A_540, %dma_wait3A_541] : memref<2x16x8x64xf32, #tpu.memory_space<vmem>> -> memref<1x1x8x64xf32, #tpu.memory_space<vmem>>
      %dma_wait3A_543 = tpu.memref_squeeze %dma_wait3A_542 : memref<1x1x8x64xf32, #tpu.memory_space<vmem>> -> memref<8x64xf32, #tpu.memory_space<vmem>>
      %dma_wait3A_544 = arith.constant 0 : i32
      %dma_wait3A_545 = arith.constant 0 : i32
      %dma_wait3A_546 = tpu.memref_slice %arg2[%dma_wait3A_544, %dma_wait3A_545] : memref<1000000x64xf32, #tpu.memory_space<hbm>> -> memref<8x64xf32, #tpu.memory_space<hbm>>
      tpu.wait_dma2 semaphore(%dma_wait3A_539 : memref<!tpu.dma_semaphore, #tpu.memory_space<semaphore_mem>>) src(%dma_wait3A_546 : memref<8x64xf32, #tpu.memory_space<hbm>>) dst(%dma_wait3A_543 : memref<8x64xf32, #tpu.memory_space<vmem>>)
      %dma_wait3A_547 = arith.constant 0 : i32
      %dma_wait3A_548 = arith.constant 0 : i32
      %dma_wait3A_549 = arith.constant 0 : i32
      %dma_wait3A_550 = arith.constant 0 : i32
      %dma_wait3A_551 = tpu.memref_slice %arg6[%dma_wait3A_547, %dma_wait3A_548, %dma_wait3A_549, %dma_wait3A_550] : memref<2x16x8x64xf32, #tpu.memory_space<vmem>> -> memref<1x1x8x64xf32, #tpu.memory_space<vmem>>
      %dma_wait3A_552 = tpu.memref_squeeze %dma_wait3A_551 : memref<1x1x8x64xf32, #tpu.memory_space<vmem>> -> memref<8x64xf32, #tpu.memory_space<vmem>>
      %dma_wait3A_553 = arith.constant 0 : i32
      %dma_wait3A_554 = arith.constant 0 : i32
      %dma_wait3A_555 = tpu.memref_slice %arg2[%dma_wait3A_553, %dma_wait3A_554] : memref<1000000x64xf32, #tpu.memory_space<hbm>> -> memref<8x64xf32, #tpu.memory_space<hbm>>
      %dma_wait3A_556 = tpu.memref_slice %arg8[%select_n3A_398] : memref<2x!tpu.dma_semaphore, #tpu.memory_space<semaphore_mem>> -> memref<1x!tpu.dma_semaphore, #tpu.memory_space<semaphore_mem>>
      %dma_wait3A_557 = tpu.memref_squeeze %dma_wait3A_556 : memref<1x!tpu.dma_semaphore, #tpu.memory_space<semaphore_mem>> -> memref<!tpu.dma_semaphore, #tpu.memory_space<semaphore_mem>>
      %dma_wait3A_558 = arith.constant 0 : i32
      %dma_wait3A_559 = arith.constant 0 : i32
      %dma_wait3A_560 = tpu.memref_slice %arg6[%dma_wait3A_547, %dma_wait3A_548, %dma_wait3A_558, %dma_wait3A_559] : memref<2x16x8x64xf32, #tpu.memory_space<vmem>> -> memref<1x1x8x64xf32, #tpu.memory_space<vmem>>
      %dma_wait3A_561 = tpu.memref_squeeze %dma_wait3A_560 : memref<1x1x8x64xf32, #tpu.memory_space<vmem>> -> memref<8x64xf32, #tpu.memory_space<vmem>>
      %dma_wait3A_562 = arith.constant 0 : i32
      %dma_wait3A_563 = arith.constant 0 : i32
      %dma_wait3A_564 = tpu.memref_slice %arg2[%dma_wait3A_562, %dma_wait3A_563] : memref<1000000x64xf32, #tpu.memory_space<hbm>> -> memref<8x64xf32, #tpu.memory_space<hbm>>
      tpu.wait_dma2 semaphore(%dma_wait3A_557 : memref<!tpu.dma_semaphore, #tpu.memory_space<semaphore_mem>>) src(%dma_wait3A_564 : memref<8x64xf32, #tpu.memory_space<hbm>>) dst(%dma_wait3A_561 : memref<8x64xf32, #tpu.memory_space<vmem>>)
      %dma_wait3A_565 = arith.constant 0 : i32
      %dma_wait3A_566 = arith.constant 0 : i32
      %dma_wait3A_567 = arith.constant 0 : i32
      %dma_wait3A_568 = arith.constant 0 : i32
      %dma_wait3A_569 = tpu.memref_slice %arg6[%dma_wait3A_565, %dma_wait3A_566, %dma_wait3A_567, %dma_wait3A_568] : memref<2x16x8x64xf32, #tpu.memory_space<vmem>> -> memref<1x1x8x64xf32, #tpu.memory_space<vmem>>
      %dma_wait3A_570 = tpu.memref_squeeze %dma_wait3A_569 : memref<1x1x8x64xf32, #tpu.memory_space<vmem>> -> memref<8x64xf32, #tpu.memory_space<vmem>>
      %dma_wait3A_571 = arith.constant 0 : i32
      %dma_wait3A_572 = arith.constant 0 : i32
      %dma_wait3A_573 = tpu.memref_slice %arg2[%dma_wait3A_571, %dma_wait3A_572] : memref<1000000x64xf32, #tpu.memory_space<hbm>> -> memref<8x64xf32, #tpu.memory_space<hbm>>
      %dma_wait3A_574 = tpu.memref_slice %arg8[%select_n3A_398] : memref<2x!tpu.dma_semaphore, #tpu.memory_space<semaphore_mem>> -> memref<1x!tpu.dma_semaphore, #tpu.memory_space<semaphore_mem>>
      %dma_wait3A_575 = tpu.memref_squeeze %dma_wait3A_574 : memref<1x!tpu.dma_semaphore, #tpu.memory_space<semaphore_mem>> -> memref<!tpu.dma_semaphore, #tpu.memory_space<semaphore_mem>>
      %dma_wait3A_576 = arith.constant 0 : i32
      %dma_wait3A_577 = arith.constant 0 : i32
      %dma_wait3A_578 = tpu.memref_slice %arg6[%dma_wait3A_565, %dma_wait3A_566, %dma_wait3A_576, %dma_wait3A_577] : memref<2x16x8x64xf32, #tpu.memory_space<vmem>> -> memref<1x1x8x64xf32, #tpu.memory_space<vmem>>
      %dma_wait3A_579 = tpu.memref_squeeze %dma_wait3A_578 : memref<1x1x8x64xf32, #tpu.memory_space<vmem>> -> memref<8x64xf32, #tpu.memory_space<vmem>>
      %dma_wait3A_580 = arith.constant 0 : i32
      %dma_wait3A_581 = arith.constant 0 : i32
      %dma_wait3A_582 = tpu.memref_slice %arg2[%dma_wait3A_580, %dma_wait3A_581] : memref<1000000x64xf32, #tpu.memory_space<hbm>> -> memref<8x64xf32, #tpu.memory_space<hbm>>
      tpu.wait_dma2 semaphore(%dma_wait3A_575 : memref<!tpu.dma_semaphore, #tpu.memory_space<semaphore_mem>>) src(%dma_wait3A_582 : memref<8x64xf32, #tpu.memory_space<hbm>>) dst(%dma_wait3A_579 : memref<8x64xf32, #tpu.memory_space<vmem>>)
      %dma_wait3A_583 = arith.constant 0 : i32
      %dma_wait3A_584 = arith.constant 0 : i32
      %dma_wait3A_585 = arith.constant 0 : i32
      %dma_wait3A_586 = arith.constant 0 : i32
      %dma_wait3A_587 = tpu.memref_slice %arg6[%dma_wait3A_583, %dma_wait3A_584, %dma_wait3A_585, %dma_wait3A_586] : memref<2x16x8x64xf32, #tpu.memory_space<vmem>> -> memref<1x1x8x64xf32, #tpu.memory_space<vmem>>
      %dma_wait3A_588 = tpu.memref_squeeze %dma_wait3A_587 : memref<1x1x8x64xf32, #tpu.memory_space<vmem>> -> memref<8x64xf32, #tpu.memory_space<vmem>>
      %dma_wait3A_589 = arith.constant 0 : i32
      %dma_wait3A_590 = arith.constant 0 : i32
      %dma_wait3A_591 = tpu.memref_slice %arg2[%dma_wait3A_589, %dma_wait3A_590] : memref<1000000x64xf32, #tpu.memory_space<hbm>> -> memref<8x64xf32, #tpu.memory_space<hbm>>
      %dma_wait3A_592 = tpu.memref_slice %arg8[%select_n3A_398] : memref<2x!tpu.dma_semaphore, #tpu.memory_space<semaphore_mem>> -> memref<1x!tpu.dma_semaphore, #tpu.memory_space<semaphore_mem>>
      %dma_wait3A_593 = tpu.memref_squeeze %dma_wait3A_592 : memref<1x!tpu.dma_semaphore, #tpu.memory_space<semaphore_mem>> -> memref<!tpu.dma_semaphore, #tpu.memory_space<semaphore_mem>>
      %dma_wait3A_594 = arith.constant 0 : i32
      %dma_wait3A_595 = arith.constant 0 : i32
      %dma_wait3A_596 = tpu.memref_slice %arg6[%dma_wait3A_583, %dma_wait3A_584, %dma_wait3A_594, %dma_wait3A_595] : memref<2x16x8x64xf32, #tpu.memory_space<vmem>> -> memref<1x1x8x64xf32, #tpu.memory_space<vmem>>
      %dma_wait3A_597 = tpu.memref_squeeze %dma_wait3A_596 : memref<1x1x8x64xf32, #tpu.memory_space<vmem>> -> memref<8x64xf32, #tpu.memory_space<vmem>>
      %dma_wait3A_598 = arith.constant 0 : i32
      %dma_wait3A_599 = arith.constant 0 : i32
      %dma_wait3A_600 = tpu.memref_slice %arg2[%dma_wait3A_598, %dma_wait3A_599] : memref<1000000x64xf32, #tpu.memory_space<hbm>> -> memref<8x64xf32, #tpu.memory_space<hbm>>
      tpu.wait_dma2 semaphore(%dma_wait3A_593 : memref<!tpu.dma_semaphore, #tpu.memory_space<semaphore_mem>>) src(%dma_wait3A_600 : memref<8x64xf32, #tpu.memory_space<hbm>>) dst(%dma_wait3A_597 : memref<8x64xf32, #tpu.memory_space<vmem>>)
      %dma_wait3A_601 = arith.constant 0 : i32
      %dma_wait3A_602 = arith.constant 0 : i32
      %dma_wait3A_603 = arith.constant 0 : i32
      %dma_wait3A_604 = arith.constant 0 : i32
      %dma_wait3A_605 = tpu.memref_slice %arg6[%dma_wait3A_601, %dma_wait3A_602, %dma_wait3A_603, %dma_wait3A_604] : memref<2x16x8x64xf32, #tpu.memory_space<vmem>> -> memref<1x1x8x64xf32, #tpu.memory_space<vmem>>
      %dma_wait3A_606 = tpu.memref_squeeze %dma_wait3A_605 : memref<1x1x8x64xf32, #tpu.memory_space<vmem>> -> memref<8x64xf32, #tpu.memory_space<vmem>>
      %dma_wait3A_607 = arith.constant 0 : i32
      %dma_wait3A_608 = arith.constant 0 : i32
      %dma_wait3A_609 = tpu.memref_slice %arg2[%dma_wait3A_607, %dma_wait3A_608] : memref<1000000x64xf32, #tpu.memory_space<hbm>> -> memref<8x64xf32, #tpu.memory_space<hbm>>
      %dma_wait3A_610 = tpu.memref_slice %arg8[%select_n3A_398] : memref<2x!tpu.dma_semaphore, #tpu.memory_space<semaphore_mem>> -> memref<1x!tpu.dma_semaphore, #tpu.memory_space<semaphore_mem>>
      %dma_wait3A_611 = tpu.memref_squeeze %dma_wait3A_610 : memref<1x!tpu.dma_semaphore, #tpu.memory_space<semaphore_mem>> -> memref<!tpu.dma_semaphore, #tpu.memory_space<semaphore_mem>>
      %dma_wait3A_612 = arith.constant 0 : i32
      %dma_wait3A_613 = arith.constant 0 : i32
      %dma_wait3A_614 = tpu.memref_slice %arg6[%dma_wait3A_601, %dma_wait3A_602, %dma_wait3A_612, %dma_wait3A_613] : memref<2x16x8x64xf32, #tpu.memory_space<vmem>> -> memref<1x1x8x64xf32, #tpu.memory_space<vmem>>
      %dma_wait3A_615 = tpu.memref_squeeze %dma_wait3A_614 : memref<1x1x8x64xf32, #tpu.memory_space<vmem>> -> memref<8x64xf32, #tpu.memory_space<vmem>>
      %dma_wait3A_616 = arith.constant 0 : i32
      %dma_wait3A_617 = arith.constant 0 : i32
      %dma_wait3A_618 = tpu.memref_slice %arg2[%dma_wait3A_616, %dma_wait3A_617] : memref<1000000x64xf32, #tpu.memory_space<hbm>> -> memref<8x64xf32, #tpu.memory_space<hbm>>
      tpu.wait_dma2 semaphore(%dma_wait3A_611 : memref<!tpu.dma_semaphore, #tpu.memory_space<semaphore_mem>>) src(%dma_wait3A_618 : memref<8x64xf32, #tpu.memory_space<hbm>>) dst(%dma_wait3A_615 : memref<8x64xf32, #tpu.memory_space<vmem>>)
      %dma_wait3A_619 = arith.constant 0 : i32
      %dma_wait3A_620 = arith.constant 0 : i32
      %dma_wait3A_621 = arith.constant 0 : i32
      %dma_wait3A_622 = arith.constant 0 : i32
      %dma_wait3A_623 = tpu.memref_slice %arg6[%dma_wait3A_619, %dma_wait3A_620, %dma_wait3A_621, %dma_wait3A_622] : memref<2x16x8x64xf32, #tpu.memory_space<vmem>> -> memref<1x1x8x64xf32, #tpu.memory_space<vmem>>
      %dma_wait3A_624 = tpu.memref_squeeze %dma_wait3A_623 : memref<1x1x8x64xf32, #tpu.memory_space<vmem>> -> memref<8x64xf32, #tpu.memory_space<vmem>>
      %dma_wait3A_625 = arith.constant 0 : i32
      %dma_wait3A_626 = arith.constant 0 : i32
      %dma_wait3A_627 = tpu.memref_slice %arg2[%dma_wait3A_625, %dma_wait3A_626] : memref<1000000x64xf32, #tpu.memory_space<hbm>> -> memref<8x64xf32, #tpu.memory_space<hbm>>
      %dma_wait3A_628 = tpu.memref_slice %arg8[%select_n3A_398] : memref<2x!tpu.dma_semaphore, #tpu.memory_space<semaphore_mem>> -> memref<1x!tpu.dma_semaphore, #tpu.memory_space<semaphore_mem>>
      %dma_wait3A_629 = tpu.memref_squeeze %dma_wait3A_628 : memref<1x!tpu.dma_semaphore, #tpu.memory_space<semaphore_mem>> -> memref<!tpu.dma_semaphore, #tpu.memory_space<semaphore_mem>>
      %dma_wait3A_630 = arith.constant 0 : i32
      %dma_wait3A_631 = arith.constant 0 : i32
      %dma_wait3A_632 = tpu.memref_slice %arg6[%dma_wait3A_619, %dma_wait3A_620, %dma_wait3A_630, %dma_wait3A_631] : memref<2x16x8x64xf32, #tpu.memory_space<vmem>> -> memref<1x1x8x64xf32, #tpu.memory_space<vmem>>
      %dma_wait3A_633 = tpu.memref_squeeze %dma_wait3A_632 : memref<1x1x8x64xf32, #tpu.memory_space<vmem>> -> memref<8x64xf32, #tpu.memory_space<vmem>>
      %dma_wait3A_634 = arith.constant 0 : i32
      %dma_wait3A_635 = arith.constant 0 : i32
      %dma_wait3A_636 = tpu.memref_slice %arg2[%dma_wait3A_634, %dma_wait3A_635] : memref<1000000x64xf32, #tpu.memory_space<hbm>> -> memref<8x64xf32, #tpu.memory_space<hbm>>
      tpu.wait_dma2 semaphore(%dma_wait3A_629 : memref<!tpu.dma_semaphore, #tpu.memory_space<semaphore_mem>>) src(%dma_wait3A_636 : memref<8x64xf32, #tpu.memory_space<hbm>>) dst(%dma_wait3A_633 : memref<8x64xf32, #tpu.memory_space<vmem>>)
      %dma_wait3A_637 = arith.constant 0 : i32
      %dma_wait3A_638 = arith.constant 0 : i32
      %dma_wait3A_639 = arith.constant 0 : i32
      %dma_wait3A_640 = arith.constant 0 : i32
      %dma_wait3A_641 = tpu.memref_slice %arg6[%dma_wait3A_637, %dma_wait3A_638, %dma_wait3A_639, %dma_wait3A_640] : memref<2x16x8x64xf32, #tpu.memory_space<vmem>> -> memref<1x1x8x64xf32, #tpu.memory_space<vmem>>
      %dma_wait3A_642 = tpu.memref_squeeze %dma_wait3A_641 : memref<1x1x8x64xf32, #tpu.memory_space<vmem>> -> memref<8x64xf32, #tpu.memory_space<vmem>>
      %dma_wait3A_643 = arith.constant 0 : i32
      %dma_wait3A_644 = arith.constant 0 : i32
      %dma_wait3A_645 = tpu.memref_slice %arg2[%dma_wait3A_643, %dma_wait3A_644] : memref<1000000x64xf32, #tpu.memory_space<hbm>> -> memref<8x64xf32, #tpu.memory_space<hbm>>
      %dma_wait3A_646 = tpu.memref_slice %arg8[%select_n3A_398] : memref<2x!tpu.dma_semaphore, #tpu.memory_space<semaphore_mem>> -> memref<1x!tpu.dma_semaphore, #tpu.memory_space<semaphore_mem>>
      %dma_wait3A_647 = tpu.memref_squeeze %dma_wait3A_646 : memref<1x!tpu.dma_semaphore, #tpu.memory_space<semaphore_mem>> -> memref<!tpu.dma_semaphore, #tpu.memory_space<semaphore_mem>>
      %dma_wait3A_648 = arith.constant 0 : i32
      %dma_wait3A_649 = arith.constant 0 : i32
      %dma_wait3A_650 = tpu.memref_slice %arg6[%dma_wait3A_637, %dma_wait3A_638, %dma_wait3A_648, %dma_wait3A_649] : memref<2x16x8x64xf32, #tpu.memory_space<vmem>> -> memref<1x1x8x64xf32, #tpu.memory_space<vmem>>
      %dma_wait3A_651 = tpu.memref_squeeze %dma_wait3A_650 : memref<1x1x8x64xf32, #tpu.memory_space<vmem>> -> memref<8x64xf32, #tpu.memory_space<vmem>>
      %dma_wait3A_652 = arith.constant 0 : i32
      %dma_wait3A_653 = arith.constant 0 : i32
      %dma_wait3A_654 = tpu.memref_slice %arg2[%dma_wait3A_652, %dma_wait3A_653] : memref<1000000x64xf32, #tpu.memory_space<hbm>> -> memref<8x64xf32, #tpu.memory_space<hbm>>
      tpu.wait_dma2 semaphore(%dma_wait3A_647 : memref<!tpu.dma_semaphore, #tpu.memory_space<semaphore_mem>>) src(%dma_wait3A_654 : memref<8x64xf32, #tpu.memory_space<hbm>>) dst(%dma_wait3A_651 : memref<8x64xf32, #tpu.memory_space<vmem>>)
      %dma_wait3A_655 = arith.constant 0 : i32
      %dma_wait3A_656 = arith.constant 0 : i32
      %dma_wait3A_657 = arith.constant 0 : i32
      %dma_wait3A_658 = arith.constant 0 : i32
      %dma_wait3A_659 = tpu.memref_slice %arg6[%dma_wait3A_655, %dma_wait3A_656, %dma_wait3A_657, %dma_wait3A_658] : memref<2x16x8x64xf32, #tpu.memory_space<vmem>> -> memref<1x1x8x64xf32, #tpu.memory_space<vmem>>
      %dma_wait3A_660 = tpu.memref_squeeze %dma_wait3A_659 : memref<1x1x8x64xf32, #tpu.memory_space<vmem>> -> memref<8x64xf32, #tpu.memory_space<vmem>>
      %dma_wait3A_661 = arith.constant 0 : i32
      %dma_wait3A_662 = arith.constant 0 : i32
      %dma_wait3A_663 = tpu.memref_slice %arg2[%dma_wait3A_661, %dma_wait3A_662] : memref<1000000x64xf32, #tpu.memory_space<hbm>> -> memref<8x64xf32, #tpu.memory_space<hbm>>
      %dma_wait3A_664 = tpu.memref_slice %arg8[%select_n3A_398] : memref<2x!tpu.dma_semaphore, #tpu.memory_space<semaphore_mem>> -> memref<1x!tpu.dma_semaphore, #tpu.memory_space<semaphore_mem>>
      %dma_wait3A_665 = tpu.memref_squeeze %dma_wait3A_664 : memref<1x!tpu.dma_semaphore, #tpu.memory_space<semaphore_mem>> -> memref<!tpu.dma_semaphore, #tpu.memory_space<semaphore_mem>>
      %dma_wait3A_666 = arith.constant 0 : i32
      %dma_wait3A_667 = arith.constant 0 : i32
      %dma_wait3A_668 = tpu.memref_slice %arg6[%dma_wait3A_655, %dma_wait3A_656, %dma_wait3A_666, %dma_wait3A_667] : memref<2x16x8x64xf32, #tpu.memory_space<vmem>> -> memref<1x1x8x64xf32, #tpu.memory_space<vmem>>
      %dma_wait3A_669 = tpu.memref_squeeze %dma_wait3A_668 : memref<1x1x8x64xf32, #tpu.memory_space<vmem>> -> memref<8x64xf32, #tpu.memory_space<vmem>>
      %dma_wait3A_670 = arith.constant 0 : i32
      %dma_wait3A_671 = arith.constant 0 : i32
      %dma_wait3A_672 = tpu.memref_slice %arg2[%dma_wait3A_670, %dma_wait3A_671] : memref<1000000x64xf32, #tpu.memory_space<hbm>> -> memref<8x64xf32, #tpu.memory_space<hbm>>
      tpu.wait_dma2 semaphore(%dma_wait3A_665 : memref<!tpu.dma_semaphore, #tpu.memory_space<semaphore_mem>>) src(%dma_wait3A_672 : memref<8x64xf32, #tpu.memory_space<hbm>>) dst(%dma_wait3A_669 : memref<8x64xf32, #tpu.memory_space<vmem>>)
      %dma_wait3A_673 = arith.constant 0 : i32
      %dma_wait3A_674 = arith.constant 0 : i32
      %dma_wait3A_675 = arith.constant 0 : i32
      %dma_wait3A_676 = arith.constant 0 : i32
      %dma_wait3A_677 = tpu.memref_slice %arg6[%dma_wait3A_673, %dma_wait3A_674, %dma_wait3A_675, %dma_wait3A_676] : memref<2x16x8x64xf32, #tpu.memory_space<vmem>> -> memref<1x1x8x64xf32, #tpu.memory_space<vmem>>
      %dma_wait3A_678 = tpu.memref_squeeze %dma_wait3A_677 : memref<1x1x8x64xf32, #tpu.memory_space<vmem>> -> memref<8x64xf32, #tpu.memory_space<vmem>>
      %dma_wait3A_679 = arith.constant 0 : i32
      %dma_wait3A_680 = arith.constant 0 : i32
      %dma_wait3A_681 = tpu.memref_slice %arg2[%dma_wait3A_679, %dma_wait3A_680] : memref<1000000x64xf32, #tpu.memory_space<hbm>> -> memref<8x64xf32, #tpu.memory_space<hbm>>
      %dma_wait3A_682 = tpu.memref_slice %arg8[%select_n3A_398] : memref<2x!tpu.dma_semaphore, #tpu.memory_space<semaphore_mem>> -> memref<1x!tpu.dma_semaphore, #tpu.memory_space<semaphore_mem>>
      %dma_wait3A_683 = tpu.memref_squeeze %dma_wait3A_682 : memref<1x!tpu.dma_semaphore, #tpu.memory_space<semaphore_mem>> -> memref<!tpu.dma_semaphore, #tpu.memory_space<semaphore_mem>>
      %dma_wait3A_684 = arith.constant 0 : i32
      %dma_wait3A_685 = arith.constant 0 : i32
      %dma_wait3A_686 = tpu.memref_slice %arg6[%dma_wait3A_673, %dma_wait3A_674, %dma_wait3A_684, %dma_wait3A_685] : memref<2x16x8x64xf32, #tpu.memory_space<vmem>> -> memref<1x1x8x64xf32, #tpu.memory_space<vmem>>
      %dma_wait3A_687 = tpu.memref_squeeze %dma_wait3A_686 : memref<1x1x8x64xf32, #tpu.memory_space<vmem>> -> memref<8x64xf32, #tpu.memory_space<vmem>>
      %dma_wait3A_688 = arith.constant 0 : i32
      %dma_wait3A_689 = arith.constant 0 : i32
      %dma_wait3A_690 = tpu.memref_slice %arg2[%dma_wait3A_688, %dma_wait3A_689] : memref<1000000x64xf32, #tpu.memory_space<hbm>> -> memref<8x64xf32, #tpu.memory_space<hbm>>
      tpu.wait_dma2 semaphore(%dma_wait3A_683 : memref<!tpu.dma_semaphore, #tpu.memory_space<semaphore_mem>>) src(%dma_wait3A_690 : memref<8x64xf32, #tpu.memory_space<hbm>>) dst(%dma_wait3A_687 : memref<8x64xf32, #tpu.memory_space<vmem>>)
      %mul3A_691 = arith.constant 16 : i32
      %mul3A_692 = arith.muli %scan3A_389, %mul3A_691 : i32
      %add3A_693 = arith.constant 0 : i32
      %add3A_694 = arith.addi %mul3A_692, %add3A_693 : i32
      %get3A_695 = arith.index_cast %add3A_694 : i32 to index
      %get3A_696 = tpu.vector_load %arg5[%get3A_695] {strides = array<i32>} : memref<512xi32, #tpu.memory_space<vmem>>, vector<16xi32>,
      %get3A_697 = vector.shape_cast %get3A_696 : vector<16xi32> to vector<16xi32>
      %slice3A_698 = vector.extract_strided_slice %get3A_697 {offsets = [0], sizes = [1], strides = [1]} : vector<16xi32> to vector<1xi32>
      %squeeze3A_699 = vector.extract %slice3A_698[0] : i32 from vector<1xi32>
      %and3A_700 = arith.constant 7 : i32
      %and3A_701 = arith.andi %squeeze3A_699, %and3A_700 : i32
      %get3A_702 = arith.constant 0 : i32
      %get3A_703 = arith.index_cast %select_n3A_398 : i32 to index
      %get3A_704 = arith.index_cast %get3A_702 : i32 to index
      %get3A_705 = arith.index_cast %and3A_701 : i32 to index
      %get3A_706 = arith.constant 0 : index
      %get3A_707 = tpu.vector_load %arg6[%get3A_703, %get3A_704, %get3A_705, %get3A_706] {strides = array<i32>} : memref<2x16x8x64xf32, #tpu.memory_space<vmem>>, vector<1x1x1x16xf32>,
      %get3A_708 = vector.shape_cast %get3A_707 : vector<1x1x1x16xf32> to vector<16xf32>
      %mul3A_709 = arith.constant 16 : i32
      %mul3A_710 = arith.muli %scan3A_389, %mul3A_709 : i32
      %add3A_711 = arith.constant 0 : i32
      %add3A_712 = arith.addi %mul3A_710, %add3A_711 : i32
      %swap3A = arith.index_cast %add3A_712 : i32 to index
      %swap3A_713 = arith.constant 0 : index
      %swap3A_714 = tpu.vector_load %arg7[%swap3A, %swap3A_713] {strides = array<i32>} : memref<512x128xf32, #tpu.memory_space<vmem>>, vector<1x16xf32>,
      %swap3A_715 = vector.shape_cast %swap3A_714 : vector<1x16xf32> to vector<16xf32>
      %swap3A_716 = vector.shape_cast %get3A_708 : vector<16xf32> to vector<1x16xf32>
      tpu.vector_store %arg7[%swap3A, %swap3A_713], %swap3A_716 {strides = array<i32>} : memref<512x128xf32, #tpu.memory_space<vmem>>, vector<1x16xf32>,
      %get3A_717 = arith.constant 0 : i32
      %get3A_718 = arith.index_cast %select_n3A_398 : i32 to index
      %get3A_719 = arith.index_cast %get3A_717 : i32 to index
      %get3A_720 = arith.index_cast %and3A_701 : i32 to index
      %get3A_721 = arith.constant 16 : index
      %get3A_722 = tpu.vector_load %arg6[%get3A_718, %get3A_719, %get3A_720, %get3A_721] {strides = array<i32>} : memref<2x16x8x64xf32, #tpu.memory_space<vmem>>, vector<1x1x1x16xf32>,
      %get3A_723 = vector.shape_cast %get3A_722 : vector<1x1x1x16xf32> to vector<16xf32>
      %mul3A_724 = arith.constant 16 : i32
      %mul3A_725 = arith.muli %scan3A_389, %mul3A_724 : i32
      %add3A_726 = arith.constant 0 : i32
      %add3A_727 = arith.addi %mul3A_725, %add3A_726 : i32
      %swap3A_728 = arith.index_cast %add3A_727 : i32 to index
      %swap3A_729 = arith.constant 16 : index
      %swap3A_730 = tpu.vector_load %arg7[%swap3A_728, %swap3A_729] {strides = array<i32>} : memref<512x128xf32, #tpu.memory_space<vmem>>, vector<1x16xf32>,
      %swap3A_731 = vector.shape_cast %swap3A_730 : vector<1x16xf32> to vector<16xf32>
      %swap3A_732 = vector.shape_cast %get3A_723 : vector<16xf32> to vector<1x16xf32>
      tpu.vector_store %arg7[%swap3A_728, %swap3A_729], %swap3A_732 {strides = array<i32>} : memref<512x128xf32, #tpu.memory_space<vmem>>, vector<1x16xf32>,
      %get3A_733 = arith.constant 0 : i32
      %get3A_734 = arith.index_cast %select_n3A_398 : i32 to index
      %get3A_735 = arith.index_cast %get3A_733 : i32 to index
      %get3A_736 = arith.index_cast %and3A_701 : i32 to index
      %get3A_737 = arith.constant 32 : index
      %get3A_738 = tpu.vector_load %arg6[%get3A_734, %get3A_735, %get3A_736, %get3A_737] {strides = array<i32>} : memref<2x16x8x64xf32, #tpu.memory_space<vmem>>, vector<1x1x1x16xf32>,
      %get3A_739 = vector.shape_cast %get3A_738 : vector<1x1x1x16xf32> to vector<16xf32>
      %mul3A_740 = arith.constant 16 : i32
      %mul3A_741 = arith.muli %scan3A_389, %mul3A_740 : i32
      %add3A_742 = arith.constant 0 : i32
      %add3A_743 = arith.addi %mul3A_741, %add3A_742 : i32
      %swap3A_744 = arith.index_cast %add3A_743 : i32 to index
      %swap3A_745 = arith.constant 32 : index
      %swap3A_746 = tpu.vector_load %arg7[%swap3A_744, %swap3A_745] {strides = array<i32>} : memref<512x128xf32, #tpu.memory_space<vmem>>, vector<1x16xf32>,
      %swap3A_747 = vector.shape_cast %swap3A_746 : vector<1x16xf32> to vector<16xf32>
      %swap3A_748 = vector.shape_cast %get3A_739 : vector<16xf32> to vector<1x16xf32>
      tpu.vector_store %arg7[%swap3A_744, %swap3A_745], %swap3A_748 {strides = array<i32>} : memref<512x128xf32, #tpu.memory_space<vmem>>, vector<1x16xf32>,
      %get3A_749 = arith.constant 0 : i32
      %get3A_750 = arith.index_cast %select_n3A_398 : i32 to index
      %get3A_751 = arith.index_cast %get3A_749 : i32 to index
      %get3A_752 = arith.index_cast %and3A_701 : i32 to index
      %get3A_753 = arith.constant 48 : index
      %get3A_754 = tpu.vector_load %arg6[%get3A_750, %get3A_751, %get3A_752, %get3A_753] {strides = array<i32>} : memref<2x16x8x64xf32, #tpu.memory_space<vmem>>, vector<1x1x1x16xf32>,
      %get3A_755 = vector.shape_cast %get3A_754 : vector<1x1x1x16xf32> to vector<16xf32>
      %mul3A_756 = arith.constant 16 : i32
      %mul3A_757 = arith.muli %scan3A_389, %mul3A_756 : i32
      %add3A_758 = arith.constant 0 : i32
      %add3A_759 = arith.addi %mul3A_757, %add3A_758 : i32
      %swap3A_760 = arith.index_cast %add3A_759 : i32 to index
      %swap3A_761 = arith.constant 48 : index
      %swap3A_762 = tpu.vector_load %arg7[%swap3A_760, %swap3A_761] {strides = array<i32>} : memref<512x128xf32, #tpu.memory_space<vmem>>, vector<1x16xf32>,
      %swap3A_763 = vector.shape_cast %swap3A_762 : vector<1x16xf32> to vector<16xf32>
      %swap3A_764 = vector.shape_cast %get3A_755 : vector<16xf32> to vector<1x16xf32>
      tpu.vector_store %arg7[%swap3A_760, %swap3A_761], %swap3A_764 {strides = array<i32>} : memref<512x128xf32, #tpu.memory_space<vmem>>, vector<1x16xf32>,
      %slice3A_765 = vector.extract_strided_slice %get3A_697 {offsets = [1], sizes = [1], strides = [1]} : vector<16xi32> to vector<1xi32>
      %squeeze3A_766 = vector.extract %slice3A_765[0] : i32 from vector<1xi32>
      %and3A_767 = arith.constant 7 : i32
      %and3A_768 = arith.andi %squeeze3A_766, %and3A_767 : i32
      %get3A_769 = arith.constant 1 : i32
      %get3A_770 = arith.index_cast %select_n3A_398 : i32 to index
      %get3A_771 = arith.index_cast %get3A_769 : i32 to index
      %get3A_772 = arith.index_cast %and3A_768 : i32 to index
      %get3A_773 = arith.constant 0 : index
      %get3A_774 = tpu.vector_load %arg6[%get3A_770, %get3A_771, %get3A_772, %get3A_773] {strides = array<i32>} : memref<2x16x8x64xf32, #tpu.memory_space<vmem>>, vector<1x1x1x16xf32>,
      %get3A_775 = vector.shape_cast %get3A_774 : vector<1x1x1x16xf32> to vector<16xf32>
      %mul3A_776 = arith.constant 16 : i32
      %mul3A_777 = arith.muli %scan3A_389, %mul3A_776 : i32
      %add3A_778 = arith.constant 1 : i32
      %add3A_779 = arith.addi %mul3A_777, %add3A_778 : i32
      %swap3A_780 = arith.index_cast %add3A_779 : i32 to index
      %swap3A_781 = arith.constant 0 : index
      %swap3A_782 = tpu.vector_load %arg7[%swap3A_780, %swap3A_781] {strides = array<i32>} : memref<512x128xf32, #tpu.memory_space<vmem>>, vector<1x16xf32>,
      %swap3A_783 = vector.shape_cast %swap3A_782 : vector<1x16xf32> to vector<16xf32>
      %swap3A_784 = vector.shape_cast %get3A_775 : vector<16xf32> to vector<1x16xf32>
      tpu.vector_store %arg7[%swap3A_780, %swap3A_781], %swap3A_784 {strides = array<i32>} : memref<512x128xf32, #tpu.memory_space<vmem>>, vector<1x16xf32>,
      %get3A_785 = arith.constant 1 : i32
      %get3A_786 = arith.index_cast %select_n3A_398 : i32 to index
      %get3A_787 = arith.index_cast %get3A_785 : i32 to index
      %get3A_788 = arith.index_cast %and3A_768 : i32 to index
      %get3A_789 = arith.constant 16 : index
      %get3A_790 = tpu.vector_load %arg6[%get3A_786, %get3A_787, %get3A_788, %get3A_789] {strides = array<i32>} : memref<2x16x8x64xf32, #tpu.memory_space<vmem>>, vector<1x1x1x16xf32>,
      %get3A_791 = vector.shape_cast %get3A_790 : vector<1x1x1x16xf32> to vector<16xf32>
      %mul3A_792 = arith.constant 16 : i32
      %mul3A_793 = arith.muli %scan3A_389, %mul3A_792 : i32
      %add3A_794 = arith.constant 1 : i32
      %add3A_795 = arith.addi %mul3A_793, %add3A_794 : i32
      %swap3A_796 = arith.index_cast %add3A_795 : i32 to index
      %swap3A_797 = arith.constant 16 : index
      %swap3A_798 = tpu.vector_load %arg7[%swap3A_796, %swap3A_797] {strides = array<i32>} : memref<512x128xf32, #tpu.memory_space<vmem>>, vector<1x16xf32>,
      %swap3A_799 = vector.shape_cast %swap3A_798 : vector<1x16xf32> to vector<16xf32>
      %swap3A_800 = vector.shape_cast %get3A_791 : vector<16xf32> to vector<1x16xf32>
      tpu.vector_store %arg7[%swap3A_796, %swap3A_797], %swap3A_800 {strides = array<i32>} : memref<512x128xf32, #tpu.memory_space<vmem>>, vector<1x16xf32>,
      %get3A_801 = arith.constant 1 : i32
      %get3A_802 = arith.index_cast %select_n3A_398 : i32 to index
      %get3A_803 = arith.index_cast %get3A_801 : i32 to index
      %get3A_804 = arith.index_cast %and3A_768 : i32 to index
      %get3A_805 = arith.constant 32 : index
      %get3A_806 = tpu.vector_load %arg6[%get3A_802, %get3A_803, %get3A_804, %get3A_805] {strides = array<i32>} : memref<2x16x8x64xf32, #tpu.memory_space<vmem>>, vector<1x1x1x16xf32>,
      %get3A_807 = vector.shape_cast %get3A_806 : vector<1x1x1x16xf32> to vector<16xf32>
      %mul3A_808 = arith.constant 16 : i32
      %mul3A_809 = arith.muli %scan3A_389, %mul3A_808 : i32
      %add3A_810 = arith.constant 1 : i32
      %add3A_811 = arith.addi %mul3A_809, %add3A_810 : i32
      %swap3A_812 = arith.index_cast %add3A_811 : i32 to index
      %swap3A_813 = arith.constant 32 : index
      %swap3A_814 = tpu.vector_load %arg7[%swap3A_812, %swap3A_813] {strides = array<i32>} : memref<512x128xf32, #tpu.memory_space<vmem>>, vector<1x16xf32>,
      %swap3A_815 = vector.shape_cast %swap3A_814 : vector<1x16xf32> to vector<16xf32>
      %swap3A_816 = vector.shape_cast %get3A_807 : vector<16xf32> to vector<1x16xf32>
      tpu.vector_store %arg7[%swap3A_812, %swap3A_813], %swap3A_816 {strides = array<i32>} : memref<512x128xf32, #tpu.memory_space<vmem>>, vector<1x16xf32>,
      %get3A_817 = arith.constant 1 : i32
      %get3A_818 = arith.index_cast %select_n3A_398 : i32 to index
      %get3A_819 = arith.index_cast %get3A_817 : i32 to index
      %get3A_820 = arith.index_cast %and3A_768 : i32 to index
      %get3A_821 = arith.constant 48 : index
      %get3A_822 = tpu.vector_load %arg6[%get3A_818, %get3A_819, %get3A_820, %get3A_821] {strides = array<i32>} : memref<2x16x8x64xf32, #tpu.memory_space<vmem>>, vector<1x1x1x16xf32>,
      %get3A_823 = vector.shape_cast %get3A_822 : vector<1x1x1x16xf32> to vector<16xf32>
      %mul3A_824 = arith.constant 16 : i32
      %mul3A_825 = arith.muli %scan3A_389, %mul3A_824 : i32
      %add3A_826 = arith.constant 1 : i32
      %add3A_827 = arith.addi %mul3A_825, %add3A_826 : i32
      %swap3A_828 = arith.index_cast %add3A_827 : i32 to index
      %swap3A_829 = arith.constant 48 : index
      %swap3A_830 = tpu.vector_load %arg7[%swap3A_828, %swap3A_829] {strides = array<i32>} : memref<512x128xf32, #tpu.memory_space<vmem>>, vector<1x16xf32>,
      %swap3A_831 = vector.shape_cast %swap3A_830 : vector<1x16xf32> to vector<16xf32>
      %swap3A_832 = vector.shape_cast %get3A_823 : vector<16xf32> to vector<1x16xf32>
      tpu.vector_store %arg7[%swap3A_828, %swap3A_829], %swap3A_832 {strides = array<i32>} : memref<512x128xf32, #tpu.memory_space<vmem>>, vector<1x16xf32>,
      %slice3A_833 = vector.extract_strided_slice %get3A_697 {offsets = [2], sizes = [1], strides = [1]} : vector<16xi32> to vector<1xi32>
      %squeeze3A_834 = vector.extract %slice3A_833[0] : i32 from vector<1xi32>
      %and3A_835 = arith.constant 7 : i32
      %and3A_836 = arith.andi %squeeze3A_834, %and3A_835 : i32
      %get3A_837 = arith.constant 2 : i32
      %get3A_838 = arith.index_cast %select_n3A_398 : i32 to index
      %get3A_839 = arith.index_cast %get3A_837 : i32 to index
      %get3A_840 = arith.index_cast %and3A_836 : i32 to index
      %get3A_841 = arith.constant 0 : index
      %get3A_842 = tpu.vector_load %arg6[%get3A_838, %get3A_839, %get3A_840, %get3A_841] {strides = array<i32>} : memref<2x16x8x64xf32, #tpu.memory_space<vmem>>, vector<1x1x1x16xf32>,
      %get3A_843 = vector.shape_cast %get3A_842 : vector<1x1x1x16xf32> to vector<16xf32>
      %mul3A_844 = arith.constant 16 : i32
      %mul3A_845 = arith.muli %scan3A_389, %mul3A_844 : i32
      %add3A_846 = arith.constant 2 : i32
      %add3A_847 = arith.addi %mul3A_845, %add3A_846 : i32
      %swap3A_848 = arith.index_cast %add3A_847 : i32 to index
      %swap3A_849 = arith.constant 0 : index
      %swap3A_850 = tpu.vector_load %arg7[%swap3A_848, %swap3A_849] {strides = array<i32>} : memref<512x128xf32, #tpu.memory_space<vmem>>, vector<1x16xf32>,
      %swap3A_851 = vector.shape_cast %swap3A_850 : vector<1x16xf32> to vector<16xf32>
      %swap3A_852 = vector.shape_cast %get3A_843 : vector<16xf32> to vector<1x16xf32>
      tpu.vector_store %arg7[%swap3A_848, %swap3A_849], %swap3A_852 {strides = array<i32>} : memref<512x128xf32, #tpu.memory_space<vmem>>, vector<1x16xf32>,
      %get3A_853 = arith.constant 2 : i32
      %get3A_854 = arith.index_cast %select_n3A_398 : i32 to index
      %get3A_855 = arith.index_cast %get3A_853 : i32 to index
      %get3A_856 = arith.index_cast %and3A_836 : i32 to index
      %get3A_857 = arith.constant 16 : index
      %get3A_858 = tpu.vector_load %arg6[%get3A_854, %get3A_855, %get3A_856, %get3A_857] {strides = array<i32>} : memref<2x16x8x64xf32, #tpu.memory_space<vmem>>, vector<1x1x1x16xf32>,
      %get3A_859 = vector.shape_cast %get3A_858 : vector<1x1x1x16xf32> to vector<16xf32>
      %mul3A_860 = arith.constant 16 : i32
      %mul3A_861 = arith.muli %scan3A_389, %mul3A_860 : i32
      %add3A_862 = arith.constant 2 : i32
      %add3A_863 = arith.addi %mul3A_861, %add3A_862 : i32
      %swap3A_864 = arith.index_cast %add3A_863 : i32 to index
      %swap3A_865 = arith.constant 16 : index
      %swap3A_866 = tpu.vector_load %arg7[%swap3A_864, %swap3A_865] {strides = array<i32>} : memref<512x128xf32, #tpu.memory_space<vmem>>, vector<1x16xf32>,
      %swap3A_867 = vector.shape_cast %swap3A_866 : vector<1x16xf32> to vector<16xf32>
      %swap3A_868 = vector.shape_cast %get3A_859 : vector<16xf32> to vector<1x16xf32>
      tpu.vector_store %arg7[%swap3A_864, %swap3A_865], %swap3A_868 {strides = array<i32>} : memref<512x128xf32, #tpu.memory_space<vmem>>, vector<1x16xf32>,
      %get3A_869 = arith.constant 2 : i32
      %get3A_870 = arith.index_cast %select_n3A_398 : i32 to index
      %get3A_871 = arith.index_cast %get3A_869 : i32 to index
      %get3A_872 = arith.index_cast %and3A_836 : i32 to index
      %get3A_873 = arith.constant 32 : index
      %get3A_874 = tpu.vector_load %arg6[%get3A_870, %get3A_871, %get3A_872, %get3A_873] {strides = array<i32>} : memref<2x16x8x64xf32, #tpu.memory_space<vmem>>, vector<1x1x1x16xf32>,
      %get3A_875 = vector.shape_cast %get3A_874 : vector<1x1x1x16xf32> to vector<16xf32>
      %mul3A_876 = arith.constant 16 : i32
      %mul3A_877 = arith.muli %scan3A_389, %mul3A_876 : i32
      %add3A_878 = arith.constant 2 : i32
      %add3A_879 = arith.addi %mul3A_877, %add3A_878 : i32
      %swap3A_880 = arith.index_cast %add3A_879 : i32 to index
      %swap3A_881 = arith.constant 32 : index
      %swap3A_882 = tpu.vector_load %arg7[%swap3A_880, %swap3A_881] {strides = array<i32>} : memref<512x128xf32, #tpu.memory_space<vmem>>, vector<1x16xf32>,
      %swap3A_883 = vector.shape_cast %swap3A_882 : vector<1x16xf32> to vector<16xf32>
      %swap3A_884 = vector.shape_cast %get3A_875 : vector<16xf32> to vector<1x16xf32>
      tpu.vector_store %arg7[%swap3A_880, %swap3A_881], %swap3A_884 {strides = array<i32>} : memref<512x128xf32, #tpu.memory_space<vmem>>, vector<1x16xf32>,
      %get3A_885 = arith.constant 2 : i32
      %get3A_886 = arith.index_cast %select_n3A_398 : i32 to index
      %get3A_887 = arith.index_cast %get3A_885 : i32 to index
      %get3A_888 = arith.index_cast %and3A_836 : i32 to index
      %get3A_889 = arith.constant 48 : index
      %get3A_890 = tpu.vector_load %arg6[%get3A_886, %get3A_887, %get3A_888, %get3A_889] {strides = array<i32>} : memref<2x16x8x64xf32, #tpu.memory_space<vmem>>, vector<1x1x1x16xf32>,
      %get3A_891 = vector.shape_cast %get3A_890 : vector<1x1x1x16xf32> to vector<16xf32>
      %mul3A_892 = arith.constant 16 : i32
      %mul3A_893 = arith.muli %scan3A_389, %mul3A_892 : i32
      %add3A_894 = arith.constant 2 : i32
      %add3A_895 = arith.addi %mul3A_893, %add3A_894 : i32
      %swap3A_896 = arith.index_cast %add3A_895 : i32 to index
      %swap3A_897 = arith.constant 48 : index
      %swap3A_898 = tpu.vector_load %arg7[%swap3A_896, %swap3A_897] {strides = array<i32>} : memref<512x128xf32, #tpu.memory_space<vmem>>, vector<1x16xf32>,
      %swap3A_899 = vector.shape_cast %swap3A_898 : vector<1x16xf32> to vector<16xf32>
      %swap3A_900 = vector.shape_cast %get3A_891 : vector<16xf32> to vector<1x16xf32>
      tpu.vector_store %arg7[%swap3A_896, %swap3A_897], %swap3A_900 {strides = array<i32>} : memref<512x128xf32, #tpu.memory_space<vmem>>, vector<1x16xf32>,
      %slice3A_901 = vector.extract_strided_slice %get3A_697 {offsets = [3], sizes = [1], strides = [1]} : vector<16xi32> to vector<1xi32>
      %squeeze3A_902 = vector.extract %slice3A_901[0] : i32 from vector<1xi32>
      %and3A_903 = arith.constant 7 : i32
      %and3A_904 = arith.andi %squeeze3A_902, %and3A_903 : i32
      %get3A_905 = arith.constant 3 : i32
      %get3A_906 = arith.index_cast %select_n3A_398 : i32 to index
      %get3A_907 = arith.index_cast %get3A_905 : i32 to index
      %get3A_908 = arith.index_cast %and3A_904 : i32 to index
      %get3A_909 = arith.constant 0 : index
      %get3A_910 = tpu.vector_load %arg6[%get3A_906, %get3A_907, %get3A_908, %get3A_909] {strides = array<i32>} : memref<2x16x8x64xf32, #tpu.memory_space<vmem>>, vector<1x1x1x16xf32>,
      %get3A_911 = vector.shape_cast %get3A_910 : vector<1x1x1x16xf32> to vector<16xf32>
      %mul3A_912 = arith.constant 16 : i32
      %mul3A_913 = arith.muli %scan3A_389, %mul3A_912 : i32
      %add3A_914 = arith.constant 3 : i32
      %add3A_915 = arith.addi %mul3A_913, %add3A_914 : i32
      %swap3A_916 = arith.index_cast %add3A_915 : i32 to index
      %swap3A_917 = arith.constant 0 : index
      %swap3A_918 = tpu.vector_load %arg7[%swap3A_916, %swap3A_917] {strides = array<i32>} : memref<512x128xf32, #tpu.memory_space<vmem>>, vector<1x16xf32>,
      %swap3A_919 = vector.shape_cast %swap3A_918 : vector<1x16xf32> to vector<16xf32>
      %swap3A_920 = vector.shape_cast %get3A_911 : vector<16xf32> to vector<1x16xf32>
      tpu.vector_store %arg7[%swap3A_916, %swap3A_917], %swap3A_920 {strides = array<i32>} : memref<512x128xf32, #tpu.memory_space<vmem>>, vector<1x16xf32>,
      %get3A_921 = arith.constant 3 : i32
      %get3A_922 = arith.index_cast %select_n3A_398 : i32 to index
      %get3A_923 = arith.index_cast %get3A_921 : i32 to index
      %get3A_924 = arith.index_cast %and3A_904 : i32 to index
      %get3A_925 = arith.constant 16 : index
      %get3A_926 = tpu.vector_load %arg6[%get3A_922, %get3A_923, %get3A_924, %get3A_925] {strides = array<i32>} : memref<2x16x8x64xf32, #tpu.memory_space<vmem>>, vector<1x1x1x16xf32>,
      %get3A_927 = vector.shape_cast %get3A_926 : vector<1x1x1x16xf32> to vector<16xf32>
      %mul3A_928 = arith.constant 16 : i32
      %mul3A_929 = arith.muli %scan3A_389, %mul3A_928 : i32
      %add3A_930 = arith.constant 3 : i32
      %add3A_931 = arith.addi %mul3A_929, %add3A_930 : i32
      %swap3A_932 = arith.index_cast %add3A_931 : i32 to index
      %swap3A_933 = arith.constant 16 : index
      %swap3A_934 = tpu.vector_load %arg7[%swap3A_932, %swap3A_933] {strides = array<i32>} : memref<512x128xf32, #tpu.memory_space<vmem>>, vector<1x16xf32>,
      %swap3A_935 = vector.shape_cast %swap3A_934 : vector<1x16xf32> to vector<16xf32>
      %swap3A_936 = vector.shape_cast %get3A_927 : vector<16xf32> to vector<1x16xf32>
      tpu.vector_store %arg7[%swap3A_932, %swap3A_933], %swap3A_936 {strides = array<i32>} : memref<512x128xf32, #tpu.memory_space<vmem>>, vector<1x16xf32>,
      %get3A_937 = arith.constant 3 : i32
      %get3A_938 = arith.index_cast %select_n3A_398 : i32 to index
      %get3A_939 = arith.index_cast %get3A_937 : i32 to index
      %get3A_940 = arith.index_cast %and3A_904 : i32 to index
      %get3A_941 = arith.constant 32 : index
      %get3A_942 = tpu.vector_load %arg6[%get3A_938, %get3A_939, %get3A_940, %get3A_941] {strides = array<i32>} : memref<2x16x8x64xf32, #tpu.memory_space<vmem>>, vector<1x1x1x16xf32>,
      %get3A_943 = vector.shape_cast %get3A_942 : vector<1x1x1x16xf32> to vector<16xf32>
      %mul3A_944 = arith.constant 16 : i32
      %mul3A_945 = arith.muli %scan3A_389, %mul3A_944 : i32
      %add3A_946 = arith.constant 3 : i32
      %add3A_947 = arith.addi %mul3A_945, %add3A_946 : i32
      %swap3A_948 = arith.index_cast %add3A_947 : i32 to index
      %swap3A_949 = arith.constant 32 : index
      %swap3A_950 = tpu.vector_load %arg7[%swap3A_948, %swap3A_949] {strides = array<i32>} : memref<512x128xf32, #tpu.memory_space<vmem>>, vector<1x16xf32>,
      %swap3A_951 = vector.shape_cast %swap3A_950 : vector<1x16xf32> to vector<16xf32>
      %swap3A_952 = vector.shape_cast %get3A_943 : vector<16xf32> to vector<1x16xf32>
      tpu.vector_store %arg7[%swap3A_948, %swap3A_949], %swap3A_952 {strides = array<i32>} : memref<512x128xf32, #tpu.memory_space<vmem>>, vector<1x16xf32>,
      %get3A_953 = arith.constant 3 : i32
      %get3A_954 = arith.index_cast %select_n3A_398 : i32 to index
      %get3A_955 = arith.index_cast %get3A_953 : i32 to index
      %get3A_956 = arith.index_cast %and3A_904 : i32 to index
      %get3A_957 = arith.constant 48 : index
      %get3A_958 = tpu.vector_load %arg6[%get3A_954, %get3A_955, %get3A_956, %get3A_957] {strides = array<i32>} : memref<2x16x8x64xf32, #tpu.memory_space<vmem>>, vector<1x1x1x16xf32>,
      %get3A_959 = vector.shape_cast %get3A_958 : vector<1x1x1x16xf32> to vector<16xf32>
      %mul3A_960 = arith.constant 16 : i32
      %mul3A_961 = arith.muli %scan3A_389, %mul3A_960 : i32
      %add3A_962 = arith.constant 3 : i32
      %add3A_963 = arith.addi %mul3A_961, %add3A_962 : i32
      %swap3A_964 = arith.index_cast %add3A_963 : i32 to index
      %swap3A_965 = arith.constant 48 : index
      %swap3A_966 = tpu.vector_load %arg7[%swap3A_964, %swap3A_965] {strides = array<i32>} : memref<512x128xf32, #tpu.memory_space<vmem>>, vector<1x16xf32>,
      %swap3A_967 = vector.shape_cast %swap3A_966 : vector<1x16xf32> to vector<16xf32>
      %swap3A_968 = vector.shape_cast %get3A_959 : vector<16xf32> to vector<1x16xf32>
      tpu.vector_store %arg7[%swap3A_964, %swap3A_965], %swap3A_968 {strides = array<i32>} : memref<512x128xf32, #tpu.memory_space<vmem>>, vector<1x16xf32>,
      %slice3A_969 = vector.extract_strided_slice %get3A_697 {offsets = [4], sizes = [1], strides = [1]} : vector<16xi32> to vector<1xi32>
      %squeeze3A_970 = vector.extract %slice3A_969[0] : i32 from vector<1xi32>
      %and3A_971 = arith.constant 7 : i32
      %and3A_972 = arith.andi %squeeze3A_970, %and3A_971 : i32
      %get3A_973 = arith.constant 4 : i32
      %get3A_974 = arith.index_cast %select_n3A_398 : i32 to index
      %get3A_975 = arith.index_cast %get3A_973 : i32 to index
      %get3A_976 = arith.index_cast %and3A_972 : i32 to index
      %get3A_977 = arith.constant 0 : index
      %get3A_978 = tpu.vector_load %arg6[%get3A_974, %get3A_975, %get3A_976, %get3A_977] {strides = array<i32>} : memref<2x16x8x64xf32, #tpu.memory_space<vmem>>, vector<1x1x1x16xf32>,
      %get3A_979 = vector.shape_cast %get3A_978 : vector<1x1x1x16xf32> to vector<16xf32>
      %mul3A_980 = arith.constant 16 : i32
      %mul3A_981 = arith.muli %scan3A_389, %mul3A_980 : i32
      %add3A_982 = arith.constant 4 : i32
      %add3A_983 = arith.addi %mul3A_981, %add3A_982 : i32
      %swap3A_984 = arith.index_cast %add3A_983 : i32 to index
      %swap3A_985 = arith.constant 0 : index
      %swap3A_986 = tpu.vector_load %arg7[%swap3A_984, %swap3A_985] {strides = array<i32>} : memref<512x128xf32, #tpu.memory_space<vmem>>, vector<1x16xf32>,
      %swap3A_987 = vector.shape_cast %swap3A_986 : vector<1x16xf32> to vector<16xf32>
      %swap3A_988 = vector.shape_cast %get3A_979 : vector<16xf32> to vector<1x16xf32>
      tpu.vector_store %arg7[%swap3A_984, %swap3A_985], %swap3A_988 {strides = array<i32>} : memref<512x128xf32, #tpu.memory_space<vmem>>, vector<1x16xf32>,
      %get3A_989 = arith.constant 4 : i32
      %get3A_990 = arith.index_cast %select_n3A_398 : i32 to index
      %get3A_991 = arith.index_cast %get3A_989 : i32 to index
      %get3A_992 = arith.index_cast %and3A_972 : i32 to index
      %get3A_993 = arith.constant 16 : index
      %get3A_994 = tpu.vector_load %arg6[%get3A_990, %get3A_991, %get3A_992, %get3A_993] {strides = array<i32>} : memref<2x16x8x64xf32, #tpu.memory_space<vmem>>, vector<1x1x1x16xf32>,
      %get3A_995 = vector.shape_cast %get3A_994 : vector<1x1x1x16xf32> to vector<16xf32>
      %mul3A_996 = arith.constant 16 : i32
      %mul3A_997 = arith.muli %scan3A_389, %mul3A_996 : i32
      %add3A_998 = arith.constant 4 : i32
      %add3A_999 = arith.addi %mul3A_997, %add3A_998 : i32
      %swap3A_1000 = arith.index_cast %add3A_999 : i32 to index
      %swap3A_1001 = arith.constant 16 : index
      %swap3A_1002 = tpu.vector_load %arg7[%swap3A_1000, %swap3A_1001] {strides = array<i32>} : memref<512x128xf32, #tpu.memory_space<vmem>>, vector<1x16xf32>,
      %swap3A_1003 = vector.shape_cast %swap3A_1002 : vector<1x16xf32> to vector<16xf32>
      %swap3A_1004 = vector.shape_cast %get3A_995 : vector<16xf32> to vector<1x16xf32>
      tpu.vector_store %arg7[%swap3A_1000, %swap3A_1001], %swap3A_1004 {strides = array<i32>} : memref<512x128xf32, #tpu.memory_space<vmem>>, vector<1x16xf32>,
      %get3A_1005 = arith.constant 4 : i32
      %get3A_1006 = arith.index_cast %select_n3A_398 : i32 to index
      %get3A_1007 = arith.index_cast %get3A_1005 : i32 to index
      %get3A_1008 = arith.index_cast %and3A_972 : i32 to index
      %get3A_1009 = arith.constant 32 : index
      %get3A_1010 = tpu.vector_load %arg6[%get3A_1006, %get3A_1007, %get3A_1008, %get3A_1009] {strides = array<i32>} : memref<2x16x8x64xf32, #tpu.memory_space<vmem>>, vector<1x1x1x16xf32>,
      %get3A_1011 = vector.shape_cast %get3A_1010 : vector<1x1x1x16xf32> to vector<16xf32>
      %mul3A_1012 = arith.constant 16 : i32
      %mul3A_1013 = arith.muli %scan3A_389, %mul3A_1012 : i32
      %add3A_1014 = arith.constant 4 : i32
      %add3A_1015 = arith.addi %mul3A_1013, %add3A_1014 : i32
      %swap3A_1016 = arith.index_cast %add3A_1015 : i32 to index
      %swap3A_1017 = arith.constant 32 : index
      %swap3A_1018 = tpu.vector_load %arg7[%swap3A_1016, %swap3A_1017] {strides = array<i32>} : memref<512x128xf32, #tpu.memory_space<vmem>>, vector<1x16xf32>,
      %swap3A_1019 = vector.shape_cast %swap3A_1018 : vector<1x16xf32> to vector<16xf32>
      %swap3A_1020 = vector.shape_cast %get3A_1011 : vector<16xf32> to vector<1x16xf32>
      tpu.vector_store %arg7[%swap3A_1016, %swap3A_1017], %swap3A_1020 {strides = array<i32>} : memref<512x128xf32, #tpu.memory_space<vmem>>, vector<1x16xf32>,
      %get3A_1021 = arith.constant 4 : i32
      %get3A_1022 = arith.index_cast %select_n3A_398 : i32 to index
      %get3A_1023 = arith.index_cast %get3A_1021 : i32 to index
      %get3A_1024 = arith.index_cast %and3A_972 : i32 to index
      %get3A_1025 = arith.constant 48 : index
      %get3A_1026 = tpu.vector_load %arg6[%get3A_1022, %get3A_1023, %get3A_1024, %get3A_1025] {strides = array<i32>} : memref<2x16x8x64xf32, #tpu.memory_space<vmem>>, vector<1x1x1x16xf32>,
      %get3A_1027 = vector.shape_cast %get3A_1026 : vector<1x1x1x16xf32> to vector<16xf32>
      %mul3A_1028 = arith.constant 16 : i32
      %mul3A_1029 = arith.muli %scan3A_389, %mul3A_1028 : i32
      %add3A_1030 = arith.constant 4 : i32
      %add3A_1031 = arith.addi %mul3A_1029, %add3A_1030 : i32
      %swap3A_1032 = arith.index_cast %add3A_1031 : i32 to index
      %swap3A_1033 = arith.constant 48 : index
      %swap3A_1034 = tpu.vector_load %arg7[%swap3A_1032, %swap3A_1033] {strides = array<i32>} : memref<512x128xf32, #tpu.memory_space<vmem>>, vector<1x16xf32>,
      %swap3A_1035 = vector.shape_cast %swap3A_1034 : vector<1x16xf32> to vector<16xf32>
      %swap3A_1036 = vector.shape_cast %get3A_1027 : vector<16xf32> to vector<1x16xf32>
      tpu.vector_store %arg7[%swap3A_1032, %swap3A_1033], %swap3A_1036 {strides = array<i32>} : memref<512x128xf32, #tpu.memory_space<vmem>>, vector<1x16xf32>,
      %slice3A_1037 = vector.extract_strided_slice %get3A_697 {offsets = [5], sizes = [1], strides = [1]} : vector<16xi32> to vector<1xi32>
      %squeeze3A_1038 = vector.extract %slice3A_1037[0] : i32 from vector<1xi32>
      %and3A_1039 = arith.constant 7 : i32
      %and3A_1040 = arith.andi %squeeze3A_1038, %and3A_1039 : i32
      %get3A_1041 = arith.constant 5 : i32
      %get3A_1042 = arith.index_cast %select_n3A_398 : i32 to index
      %get3A_1043 = arith.index_cast %get3A_1041 : i32 to index
      %get3A_1044 = arith.index_cast %and3A_1040 : i32 to index
      %get3A_1045 = arith.constant 0 : index
      %get3A_1046 = tpu.vector_load %arg6[%get3A_1042, %get3A_1043, %get3A_1044, %get3A_1045] {strides = array<i32>} : memref<2x16x8x64xf32, #tpu.memory_space<vmem>>, vector<1x1x1x16xf32>,
      %get3A_1047 = vector.shape_cast %get3A_1046 : vector<1x1x1x16xf32> to vector<16xf32>
      %mul3A_1048 = arith.constant 16 : i32
      %mul3A_1049 = arith.muli %scan3A_389, %mul3A_1048 : i32
      %add3A_1050 = arith.constant 5 : i32
      %add3A_1051 = arith.addi %mul3A_1049, %add3A_1050 : i32
      %swap3A_1052 = arith.index_cast %add3A_1051 : i32 to index
      %swap3A_1053 = arith.constant 0 : index
      %swap3A_1054 = tpu.vector_load %arg7[%swap3A_1052, %swap3A_1053] {strides = array<i32>} : memref<512x128xf32, #tpu.memory_space<vmem>>, vector<1x16xf32>,
      %swap3A_1055 = vector.shape_cast %swap3A_1054 : vector<1x16xf32> to vector<16xf32>
      %swap3A_1056 = vector.shape_cast %get3A_1047 : vector<16xf32> to vector<1x16xf32>
      tpu.vector_store %arg7[%swap3A_1052, %swap3A_1053], %swap3A_1056 {strides = array<i32>} : memref<512x128xf32, #tpu.memory_space<vmem>>, vector<1x16xf32>,
      %get3A_1057 = arith.constant 5 : i32
      %get3A_1058 = arith.index_cast %select_n3A_398 : i32 to index
      %get3A_1059 = arith.index_cast %get3A_1057 : i32 to index
      %get3A_1060 = arith.index_cast %and3A_1040 : i32 to index
      %get3A_1061 = arith.constant 16 : index
      %get3A_1062 = tpu.vector_load %arg6[%get3A_1058, %get3A_1059, %get3A_1060, %get3A_1061] {strides = array<i32>} : memref<2x16x8x64xf32, #tpu.memory_space<vmem>>, vector<1x1x1x16xf32>,
      %get3A_1063 = vector.shape_cast %get3A_1062 : vector<1x1x1x16xf32> to vector<16xf32>
      %mul3A_1064 = arith.constant 16 : i32
      %mul3A_1065 = arith.muli %scan3A_389, %mul3A_1064 : i32
      %add3A_1066 = arith.constant 5 : i32
      %add3A_1067 = arith.addi %mul3A_1065, %add3A_1066 : i32
      %swap3A_1068 = arith.index_cast %add3A_1067 : i32 to index
      %swap3A_1069 = arith.constant 16 : index
      %swap3A_1070 = tpu.vector_load %arg7[%swap3A_1068, %swap3A_1069] {strides = array<i32>} : memref<512x128xf32, #tpu.memory_space<vmem>>, vector<1x16xf32>,
      %swap3A_1071 = vector.shape_cast %swap3A_1070 : vector<1x16xf32> to vector<16xf32>
      %swap3A_1072 = vector.shape_cast %get3A_1063 : vector<16xf32> to vector<1x16xf32>
      tpu.vector_store %arg7[%swap3A_1068, %swap3A_1069], %swap3A_1072 {strides = array<i32>} : memref<512x128xf32, #tpu.memory_space<vmem>>, vector<1x16xf32>,
      %get3A_1073 = arith.constant 5 : i32
      %get3A_1074 = arith.index_cast %select_n3A_398 : i32 to index
      %get3A_1075 = arith.index_cast %get3A_1073 : i32 to index
      %get3A_1076 = arith.index_cast %and3A_1040 : i32 to index
      %get3A_1077 = arith.constant 32 : index
      %get3A_1078 = tpu.vector_load %arg6[%get3A_1074, %get3A_1075, %get3A_1076, %get3A_1077] {strides = array<i32>} : memref<2x16x8x64xf32, #tpu.memory_space<vmem>>, vector<1x1x1x16xf32>,
      %get3A_1079 = vector.shape_cast %get3A_1078 : vector<1x1x1x16xf32> to vector<16xf32>
      %mul3A_1080 = arith.constant 16 : i32
      %mul3A_1081 = arith.muli %scan3A_389, %mul3A_1080 : i32
      %add3A_1082 = arith.constant 5 : i32
      %add3A_1083 = arith.addi %mul3A_1081, %add3A_1082 : i32
      %swap3A_1084 = arith.index_cast %add3A_1083 : i32 to index
      %swap3A_1085 = arith.constant 32 : index
      %swap3A_1086 = tpu.vector_load %arg7[%swap3A_1084, %swap3A_1085] {strides = array<i32>} : memref<512x128xf32, #tpu.memory_space<vmem>>, vector<1x16xf32>,
      %swap3A_1087 = vector.shape_cast %swap3A_1086 : vector<1x16xf32> to vector<16xf32>
      %swap3A_1088 = vector.shape_cast %get3A_1079 : vector<16xf32> to vector<1x16xf32>
      tpu.vector_store %arg7[%swap3A_1084, %swap3A_1085], %swap3A_1088 {strides = array<i32>} : memref<512x128xf32, #tpu.memory_space<vmem>>, vector<1x16xf32>,
      %get3A_1089 = arith.constant 5 : i32
      %get3A_1090 = arith.index_cast %select_n3A_398 : i32 to index
      %get3A_1091 = arith.index_cast %get3A_1089 : i32 to index
      %get3A_1092 = arith.index_cast %and3A_1040 : i32 to index
      %get3A_1093 = arith.constant 48 : index
      %get3A_1094 = tpu.vector_load %arg6[%get3A_1090, %get3A_1091, %get3A_1092, %get3A_1093] {strides = array<i32>} : memref<2x16x8x64xf32, #tpu.memory_space<vmem>>, vector<1x1x1x16xf32>,
      %get3A_1095 = vector.shape_cast %get3A_1094 : vector<1x1x1x16xf32> to vector<16xf32>
      %mul3A_1096 = arith.constant 16 : i32
      %mul3A_1097 = arith.muli %scan3A_389, %mul3A_1096 : i32
      %add3A_1098 = arith.constant 5 : i32
      %add3A_1099 = arith.addi %mul3A_1097, %add3A_1098 : i32
      %swap3A_1100 = arith.index_cast %add3A_1099 : i32 to index
      %swap3A_1101 = arith.constant 48 : index
      %swap3A_1102 = tpu.vector_load %arg7[%swap3A_1100, %swap3A_1101] {strides = array<i32>} : memref<512x128xf32, #tpu.memory_space<vmem>>, vector<1x16xf32>,
      %swap3A_1103 = vector.shape_cast %swap3A_1102 : vector<1x16xf32> to vector<16xf32>
      %swap3A_1104 = vector.shape_cast %get3A_1095 : vector<16xf32> to vector<1x16xf32>
      tpu.vector_store %arg7[%swap3A_1100, %swap3A_1101], %swap3A_1104 {strides = array<i32>} : memref<512x128xf32, #tpu.memory_space<vmem>>, vector<1x16xf32>,
      %slice3A_1105 = vector.extract_strided_slice %get3A_697 {offsets = [6], sizes = [1], strides = [1]} : vector<16xi32> to vector<1xi32>
      %squeeze3A_1106 = vector.extract %slice3A_1105[0] : i32 from vector<1xi32>
      %and3A_1107 = arith.constant 7 : i32
      %and3A_1108 = arith.andi %squeeze3A_1106, %and3A_1107 : i32
      %get3A_1109 = arith.constant 6 : i32
      %get3A_1110 = arith.index_cast %select_n3A_398 : i32 to index
      %get3A_1111 = arith.index_cast %get3A_1109 : i32 to index
      %get3A_1112 = arith.index_cast %and3A_1108 : i32 to index
      %get3A_1113 = arith.constant 0 : index
      %get3A_1114 = tpu.vector_load %arg6[%get3A_1110, %get3A_1111, %get3A_1112, %get3A_1113] {strides = array<i32>} : memref<2x16x8x64xf32, #tpu.memory_space<vmem>>, vector<1x1x1x16xf32>,
      %get3A_1115 = vector.shape_cast %get3A_1114 : vector<1x1x1x16xf32> to vector<16xf32>
      %mul3A_1116 = arith.constant 16 : i32
      %mul3A_1117 = arith.muli %scan3A_389, %mul3A_1116 : i32
      %add3A_1118 = arith.constant 6 : i32
      %add3A_1119 = arith.addi %mul3A_1117, %add3A_1118 : i32
      %swap3A_1120 = arith.index_cast %add3A_1119 : i32 to index
      %swap3A_1121 = arith.constant 0 : index
      %swap3A_1122 = tpu.vector_load %arg7[%swap3A_1120, %swap3A_1121] {strides = array<i32>} : memref<512x128xf32, #tpu.memory_space<vmem>>, vector<1x16xf32>,
      %swap3A_1123 = vector.shape_cast %swap3A_1122 : vector<1x16xf32> to vector<16xf32>
      %swap3A_1124 = vector.shape_cast %get3A_1115 : vector<16xf32> to vector<1x16xf32>
      tpu.vector_store %arg7[%swap3A_1120, %swap3A_1121], %swap3A_1124 {strides = array<i32>} : memref<512x128xf32, #tpu.memory_space<vmem>>, vector<1x16xf32>,
      %get3A_1125 = arith.constant 6 : i32
      %get3A_1126 = arith.index_cast %select_n3A_398 : i32 to index
      %get3A_1127 = arith.index_cast %get3A_1125 : i32 to index
      %get3A_1128 = arith.index_cast %and3A_1108 : i32 to index
      %get3A_1129 = arith.constant 16 : index
      %get3A_1130 = tpu.vector_load %arg6[%get3A_1126, %get3A_1127, %get3A_1128, %get3A_1129] {strides = array<i32>} : memref<2x16x8x64xf32, #tpu.memory_space<vmem>>, vector<1x1x1x16xf32>,
      %get3A_1131 = vector.shape_cast %get3A_1130 : vector<1x1x1x16xf32> to vector<16xf32>
      %mul3A_1132 = arith.constant 16 : i32
      %mul3A_1133 = arith.muli %scan3A_389, %mul3A_1132 : i32
      %add3A_1134 = arith.constant 6 : i32
      %add3A_1135 = arith.addi %mul3A_1133, %add3A_1134 : i32
      %swap3A_1136 = arith.index_cast %add3A_1135 : i32 to index
      %swap3A_1137 = arith.constant 16 : index
      %swap3A_1138 = tpu.vector_load %arg7[%swap3A_1136, %swap3A_1137] {strides = array<i32>} : memref<512x128xf32, #tpu.memory_space<vmem>>, vector<1x16xf32>,
      %swap3A_1139 = vector.shape_cast %swap3A_1138 : vector<1x16xf32> to vector<16xf32>
      %swap3A_1140 = vector.shape_cast %get3A_1131 : vector<16xf32> to vector<1x16xf32>
      tpu.vector_store %arg7[%swap3A_1136, %swap3A_1137], %swap3A_1140 {strides = array<i32>} : memref<512x128xf32, #tpu.memory_space<vmem>>, vector<1x16xf32>,
      %get3A_1141 = arith.constant 6 : i32
      %get3A_1142 = arith.index_cast %select_n3A_398 : i32 to index
      %get3A_1143 = arith.index_cast %get3A_1141 : i32 to index
      %get3A_1144 = arith.index_cast %and3A_1108 : i32 to index
      %get3A_1145 = arith.constant 32 : index
      %get3A_1146 = tpu.vector_load %arg6[%get3A_1142, %get3A_1143, %get3A_1144, %get3A_1145] {strides = array<i32>} : memref<2x16x8x64xf32, #tpu.memory_space<vmem>>, vector<1x1x1x16xf32>,
      %get3A_1147 = vector.shape_cast %get3A_1146 : vector<1x1x1x16xf32> to vector<16xf32>
      %mul3A_1148 = arith.constant 16 : i32
      %mul3A_1149 = arith.muli %scan3A_389, %mul3A_1148 : i32
      %add3A_1150 = arith.constant 6 : i32
      %add3A_1151 = arith.addi %mul3A_1149, %add3A_1150 : i32
      %swap3A_1152 = arith.index_cast %add3A_1151 : i32 to index
      %swap3A_1153 = arith.constant 32 : index
      %swap3A_1154 = tpu.vector_load %arg7[%swap3A_1152, %swap3A_1153] {strides = array<i32>} : memref<512x128xf32, #tpu.memory_space<vmem>>, vector<1x16xf32>,
      %swap3A_1155 = vector.shape_cast %swap3A_1154 : vector<1x16xf32> to vector<16xf32>
      %swap3A_1156 = vector.shape_cast %get3A_1147 : vector<16xf32> to vector<1x16xf32>
      tpu.vector_store %arg7[%swap3A_1152, %swap3A_1153], %swap3A_1156 {strides = array<i32>} : memref<512x128xf32, #tpu.memory_space<vmem>>, vector<1x16xf32>,
      %get3A_1157 = arith.constant 6 : i32
      %get3A_1158 = arith.index_cast %select_n3A_398 : i32 to index
      %get3A_1159 = arith.index_cast %get3A_1157 : i32 to index
      %get3A_1160 = arith.index_cast %and3A_1108 : i32 to index
      %get3A_1161 = arith.constant 48 : index
      %get3A_1162 = tpu.vector_load %arg6[%get3A_1158, %get3A_1159, %get3A_1160, %get3A_1161] {strides = array<i32>} : memref<2x16x8x64xf32, #tpu.memory_space<vmem>>, vector<1x1x1x16xf32>,
      %get3A_1163 = vector.shape_cast %get3A_1162 : vector<1x1x1x16xf32> to vector<16xf32>
      %mul3A_1164 = arith.constant 16 : i32
      %mul3A_1165 = arith.muli %scan3A_389, %mul3A_1164 : i32
      %add3A_1166 = arith.constant 6 : i32
      %add3A_1167 = arith.addi %mul3A_1165, %add3A_1166 : i32
      %swap3A_1168 = arith.index_cast %add3A_1167 : i32 to index
      %swap3A_1169 = arith.constant 48 : index
      %swap3A_1170 = tpu.vector_load %arg7[%swap3A_1168, %swap3A_1169] {strides = array<i32>} : memref<512x128xf32, #tpu.memory_space<vmem>>, vector<1x16xf32>,
      %swap3A_1171 = vector.shape_cast %swap3A_1170 : vector<1x16xf32> to vector<16xf32>
      %swap3A_1172 = vector.shape_cast %get3A_1163 : vector<16xf32> to vector<1x16xf32>
      tpu.vector_store %arg7[%swap3A_1168, %swap3A_1169], %swap3A_1172 {strides = array<i32>} : memref<512x128xf32, #tpu.memory_space<vmem>>, vector<1x16xf32>,
      %slice3A_1173 = vector.extract_strided_slice %get3A_697 {offsets = [7], sizes = [1], strides = [1]} : vector<16xi32> to vector<1xi32>
      %squeeze3A_1174 = vector.extract %slice3A_1173[0] : i32 from vector<1xi32>
      %and3A_1175 = arith.constant 7 : i32
      %and3A_1176 = arith.andi %squeeze3A_1174, %and3A_1175 : i32
      %get3A_1177 = arith.constant 7 : i32
      %get3A_1178 = arith.index_cast %select_n3A_398 : i32 to index
      %get3A_1179 = arith.index_cast %get3A_1177 : i32 to index
      %get3A_1180 = arith.index_cast %and3A_1176 : i32 to index
      %get3A_1181 = arith.constant 0 : index
      %get3A_1182 = tpu.vector_load %arg6[%get3A_1178, %get3A_1179, %get3A_1180, %get3A_1181] {strides = array<i32>} : memref<2x16x8x64xf32, #tpu.memory_space<vmem>>, vector<1x1x1x16xf32>,
      %get3A_1183 = vector.shape_cast %get3A_1182 : vector<1x1x1x16xf32> to vector<16xf32>
      %mul3A_1184 = arith.constant 16 : i32
      %mul3A_1185 = arith.muli %scan3A_389, %mul3A_1184 : i32
      %add3A_1186 = arith.constant 7 : i32
      %add3A_1187 = arith.addi %mul3A_1185, %add3A_1186 : i32
      %swap3A_1188 = arith.index_cast %add3A_1187 : i32 to index
      %swap3A_1189 = arith.constant 0 : index
      %swap3A_1190 = tpu.vector_load %arg7[%swap3A_1188, %swap3A_1189] {strides = array<i32>} : memref<512x128xf32, #tpu.memory_space<vmem>>, vector<1x16xf32>,
      %swap3A_1191 = vector.shape_cast %swap3A_1190 : vector<1x16xf32> to vector<16xf32>
      %swap3A_1192 = vector.shape_cast %get3A_1183 : vector<16xf32> to vector<1x16xf32>
      tpu.vector_store %arg7[%swap3A_1188, %swap3A_1189], %swap3A_1192 {strides = array<i32>} : memref<512x128xf32, #tpu.memory_space<vmem>>, vector<1x16xf32>,
      %get3A_1193 = arith.constant 7 : i32
      %get3A_1194 = arith.index_cast %select_n3A_398 : i32 to index
      %get3A_1195 = arith.index_cast %get3A_1193 : i32 to index
      %get3A_1196 = arith.index_cast %and3A_1176 : i32 to index
      %get3A_1197 = arith.constant 16 : index
      %get3A_1198 = tpu.vector_load %arg6[%get3A_1194, %get3A_1195, %get3A_1196, %get3A_1197] {strides = array<i32>} : memref<2x16x8x64xf32, #tpu.memory_space<vmem>>, vector<1x1x1x16xf32>,
      %get3A_1199 = vector.shape_cast %get3A_1198 : vector<1x1x1x16xf32> to vector<16xf32>
      %mul3A_1200 = arith.constant 16 : i32
      %mul3A_1201 = arith.muli %scan3A_389, %mul3A_1200 : i32
      %add3A_1202 = arith.constant 7 : i32
      %add3A_1203 = arith.addi %mul3A_1201, %add3A_1202 : i32
      %swap3A_1204 = arith.index_cast %add3A_1203 : i32 to index
      %swap3A_1205 = arith.constant 16 : index
      %swap3A_1206 = tpu.vector_load %arg7[%swap3A_1204, %swap3A_1205] {strides = array<i32>} : memref<512x128xf32, #tpu.memory_space<vmem>>, vector<1x16xf32>,
      %swap3A_1207 = vector.shape_cast %swap3A_1206 : vector<1x16xf32> to vector<16xf32>
      %swap3A_1208 = vector.shape_cast %get3A_1199 : vector<16xf32> to vector<1x16xf32>
      tpu.vector_store %arg7[%swap3A_1204, %swap3A_1205], %swap3A_1208 {strides = array<i32>} : memref<512x128xf32, #tpu.memory_space<vmem>>, vector<1x16xf32>,
      %get3A_1209 = arith.constant 7 : i32
      %get3A_1210 = arith.index_cast %select_n3A_398 : i32 to index
      %get3A_1211 = arith.index_cast %get3A_1209 : i32 to index
      %get3A_1212 = arith.index_cast %and3A_1176 : i32 to index
      %get3A_1213 = arith.constant 32 : index
      %get3A_1214 = tpu.vector_load %arg6[%get3A_1210, %get3A_1211, %get3A_1212, %get3A_1213] {strides = array<i32>} : memref<2x16x8x64xf32, #tpu.memory_space<vmem>>, vector<1x1x1x16xf32>,
      %get3A_1215 = vector.shape_cast %get3A_1214 : vector<1x1x1x16xf32> to vector<16xf32>
      %mul3A_1216 = arith.constant 16 : i32
      %mul3A_1217 = arith.muli %scan3A_389, %mul3A_1216 : i32
      %add3A_1218 = arith.constant 7 : i32
      %add3A_1219 = arith.addi %mul3A_1217, %add3A_1218 : i32
      %swap3A_1220 = arith.index_cast %add3A_1219 : i32 to index
      %swap3A_1221 = arith.constant 32 : index
      %swap3A_1222 = tpu.vector_load %arg7[%swap3A_1220, %swap3A_1221] {strides = array<i32>} : memref<512x128xf32, #tpu.memory_space<vmem>>, vector<1x16xf32>,
      %swap3A_1223 = vector.shape_cast %swap3A_1222 : vector<1x16xf32> to vector<16xf32>
      %swap3A_1224 = vector.shape_cast %get3A_1215 : vector<16xf32> to vector<1x16xf32>
      tpu.vector_store %arg7[%swap3A_1220, %swap3A_1221], %swap3A_1224 {strides = array<i32>} : memref<512x128xf32, #tpu.memory_space<vmem>>, vector<1x16xf32>,
      %get3A_1225 = arith.constant 7 : i32
      %get3A_1226 = arith.index_cast %select_n3A_398 : i32 to index
      %get3A_1227 = arith.index_cast %get3A_1225 : i32 to index
      %get3A_1228 = arith.index_cast %and3A_1176 : i32 to index
      %get3A_1229 = arith.constant 48 : index
      %get3A_1230 = tpu.vector_load %arg6[%get3A_1226, %get3A_1227, %get3A_1228, %get3A_1229] {strides = array<i32>} : memref<2x16x8x64xf32, #tpu.memory_space<vmem>>, vector<1x1x1x16xf32>,
      %get3A_1231 = vector.shape_cast %get3A_1230 : vector<1x1x1x16xf32> to vector<16xf32>
      %mul3A_1232 = arith.constant 16 : i32
      %mul3A_1233 = arith.muli %scan3A_389, %mul3A_1232 : i32
      %add3A_1234 = arith.constant 7 : i32
      %add3A_1235 = arith.addi %mul3A_1233, %add3A_1234 : i32
      %swap3A_1236 = arith.index_cast %add3A_1235 : i32 to index
      %swap3A_1237 = arith.constant 48 : index
      %swap3A_1238 = tpu.vector_load %arg7[%swap3A_1236, %swap3A_1237] {strides = array<i32>} : memref<512x128xf32, #tpu.memory_space<vmem>>, vector<1x16xf32>,
      %swap3A_1239 = vector.shape_cast %swap3A_1238 : vector<1x16xf32> to vector<16xf32>
      %swap3A_1240 = vector.shape_cast %get3A_1231 : vector<16xf32> to vector<1x16xf32>
      tpu.vector_store %arg7[%swap3A_1236, %swap3A_1237], %swap3A_1240 {strides = array<i32>} : memref<512x128xf32, #tpu.memory_space<vmem>>, vector<1x16xf32>,
      %slice3A_1241 = vector.extract_strided_slice %get3A_697 {offsets = [8], sizes = [1], strides = [1]} : vector<16xi32> to vector<1xi32>
      %squeeze3A_1242 = vector.extract %slice3A_1241[0] : i32 from vector<1xi32>
      %and3A_1243 = arith.constant 7 : i32
      %and3A_1244 = arith.andi %squeeze3A_1242, %and3A_1243 : i32
      %get3A_1245 = arith.constant 8 : i32
      %get3A_1246 = arith.index_cast %select_n3A_398 : i32 to index
      %get3A_1247 = arith.index_cast %get3A_1245 : i32 to index
      %get3A_1248 = arith.index_cast %and3A_1244 : i32 to index
      %get3A_1249 = arith.constant 0 : index
      %get3A_1250 = tpu.vector_load %arg6[%get3A_1246, %get3A_1247, %get3A_1248, %get3A_1249] {strides = array<i32>} : memref<2x16x8x64xf32, #tpu.memory_space<vmem>>, vector<1x1x1x16xf32>,
      %get3A_1251 = vector.shape_cast %get3A_1250 : vector<1x1x1x16xf32> to vector<16xf32>
      %mul3A_1252 = arith.constant 16 : i32
      %mul3A_1253 = arith.muli %scan3A_389, %mul3A_1252 : i32
      %add3A_1254 = arith.constant 8 : i32
      %add3A_1255 = arith.addi %mul3A_1253, %add3A_1254 : i32
      %swap3A_1256 = arith.index_cast %add3A_1255 : i32 to index
      %swap3A_1257 = arith.constant 0 : index
      %swap3A_1258 = tpu.vector_load %arg7[%swap3A_1256, %swap3A_1257] {strides = array<i32>} : memref<512x128xf32, #tpu.memory_space<vmem>>, vector<1x16xf32>,
      %swap3A_1259 = vector.shape_cast %swap3A_1258 : vector<1x16xf32> to vector<16xf32>
      %swap3A_1260 = vector.shape_cast %get3A_1251 : vector<16xf32> to vector<1x16xf32>
      tpu.vector_store %arg7[%swap3A_1256, %swap3A_1257], %swap3A_1260 {strides = array<i32>} : memref<512x128xf32, #tpu.memory_space<vmem>>, vector<1x16xf32>,
      %get3A_1261 = arith.constant 8 : i32
      %get3A_1262 = arith.index_cast %select_n3A_398 : i32 to index
      %get3A_1263 = arith.index_cast %get3A_1261 : i32 to index
      %get3A_1264 = arith.index_cast %and3A_1244 : i32 to index
      %get3A_1265 = arith.constant 16 : index
      %get3A_1266 = tpu.vector_load %arg6[%get3A_1262, %get3A_1263, %get3A_1264, %get3A_1265] {strides = array<i32>} : memref<2x16x8x64xf32, #tpu.memory_space<vmem>>, vector<1x1x1x16xf32>,
      %get3A_1267 = vector.shape_cast %get3A_1266 : vector<1x1x1x16xf32> to vector<16xf32>
      %mul3A_1268 = arith.constant 16 : i32
      %mul3A_1269 = arith.muli %scan3A_389, %mul3A_1268 : i32
      %add3A_1270 = arith.constant 8 : i32
      %add3A_1271 = arith.addi %mul3A_1269, %add3A_1270 : i32
      %swap3A_1272 = arith.index_cast %add3A_1271 : i32 to index
      %swap3A_1273 = arith.constant 16 : index
      %swap3A_1274 = tpu.vector_load %arg7[%swap3A_1272, %swap3A_1273] {strides = array<i32>} : memref<512x128xf32, #tpu.memory_space<vmem>>, vector<1x16xf32>,
      %swap3A_1275 = vector.shape_cast %swap3A_1274 : vector<1x16xf32> to vector<16xf32>
      %swap3A_1276 = vector.shape_cast %get3A_1267 : vector<16xf32> to vector<1x16xf32>
      tpu.vector_store %arg7[%swap3A_1272, %swap3A_1273], %swap3A_1276 {strides = array<i32>} : memref<512x128xf32, #tpu.memory_space<vmem>>, vector<1x16xf32>,
      %get3A_1277 = arith.constant 8 : i32
      %get3A_1278 = arith.index_cast %select_n3A_398 : i32 to index
      %get3A_1279 = arith.index_cast %get3A_1277 : i32 to index
      %get3A_1280 = arith.index_cast %and3A_1244 : i32 to index
      %get3A_1281 = arith.constant 32 : index
      %get3A_1282 = tpu.vector_load %arg6[%get3A_1278, %get3A_1279, %get3A_1280, %get3A_1281] {strides = array<i32>} : memref<2x16x8x64xf32, #tpu.memory_space<vmem>>, vector<1x1x1x16xf32>,
      %get3A_1283 = vector.shape_cast %get3A_1282 : vector<1x1x1x16xf32> to vector<16xf32>
      %mul3A_1284 = arith.constant 16 : i32
      %mul3A_1285 = arith.muli %scan3A_389, %mul3A_1284 : i32
      %add3A_1286 = arith.constant 8 : i32
      %add3A_1287 = arith.addi %mul3A_1285, %add3A_1286 : i32
      %swap3A_1288 = arith.index_cast %add3A_1287 : i32 to index
      %swap3A_1289 = arith.constant 32 : index
      %swap3A_1290 = tpu.vector_load %arg7[%swap3A_1288, %swap3A_1289] {strides = array<i32>} : memref<512x128xf32, #tpu.memory_space<vmem>>, vector<1x16xf32>,
      %swap3A_1291 = vector.shape_cast %swap3A_1290 : vector<1x16xf32> to vector<16xf32>
      %swap3A_1292 = vector.shape_cast %get3A_1283 : vector<16xf32> to vector<1x16xf32>
      tpu.vector_store %arg7[%swap3A_1288, %swap3A_1289], %swap3A_1292 {strides = array<i32>} : memref<512x128xf32, #tpu.memory_space<vmem>>, vector<1x16xf32>,
      %get3A_1293 = arith.constant 8 : i32
      %get3A_1294 = arith.index_cast %select_n3A_398 : i32 to index
      %get3A_1295 = arith.index_cast %get3A_1293 : i32 to index
      %get3A_1296 = arith.index_cast %and3A_1244 : i32 to index
      %get3A_1297 = arith.constant 48 : index
      %get3A_1298 = tpu.vector_load %arg6[%get3A_1294, %get3A_1295, %get3A_1296, %get3A_1297] {strides = array<i32>} : memref<2x16x8x64xf32, #tpu.memory_space<vmem>>, vector<1x1x1x16xf32>,
      %get3A_1299 = vector.shape_cast %get3A_1298 : vector<1x1x1x16xf32> to vector<16xf32>
      %mul3A_1300 = arith.constant 16 : i32
      %mul3A_1301 = arith.muli %scan3A_389, %mul3A_1300 : i32
      %add3A_1302 = arith.constant 8 : i32
      %add3A_1303 = arith.addi %mul3A_1301, %add3A_1302 : i32
      %swap3A_1304 = arith.index_cast %add3A_1303 : i32 to index
      %swap3A_1305 = arith.constant 48 : index
      %swap3A_1306 = tpu.vector_load %arg7[%swap3A_1304, %swap3A_1305] {strides = array<i32>} : memref<512x128xf32, #tpu.memory_space<vmem>>, vector<1x16xf32>,
      %swap3A_1307 = vector.shape_cast %swap3A_1306 : vector<1x16xf32> to vector<16xf32>
      %swap3A_1308 = vector.shape_cast %get3A_1299 : vector<16xf32> to vector<1x16xf32>
      tpu.vector_store %arg7[%swap3A_1304, %swap3A_1305], %swap3A_1308 {strides = array<i32>} : memref<512x128xf32, #tpu.memory_space<vmem>>, vector<1x16xf32>,
      %slice3A_1309 = vector.extract_strided_slice %get3A_697 {offsets = [9], sizes = [1], strides = [1]} : vector<16xi32> to vector<1xi32>
      %squeeze3A_1310 = vector.extract %slice3A_1309[0] : i32 from vector<1xi32>
      %and3A_1311 = arith.constant 7 : i32
      %and3A_1312 = arith.andi %squeeze3A_1310, %and3A_1311 : i32
      %get3A_1313 = arith.constant 9 : i32
      %get3A_1314 = arith.index_cast %select_n3A_398 : i32 to index
      %get3A_1315 = arith.index_cast %get3A_1313 : i32 to index
      %get3A_1316 = arith.index_cast %and3A_1312 : i32 to index
      %get3A_1317 = arith.constant 0 : index
      %get3A_1318 = tpu.vector_load %arg6[%get3A_1314, %get3A_1315, %get3A_1316, %get3A_1317] {strides = array<i32>} : memref<2x16x8x64xf32, #tpu.memory_space<vmem>>, vector<1x1x1x16xf32>,
      %get3A_1319 = vector.shape_cast %get3A_1318 : vector<1x1x1x16xf32> to vector<16xf32>
      %mul3A_1320 = arith.constant 16 : i32
      %mul3A_1321 = arith.muli %scan3A_389, %mul3A_1320 : i32
      %add3A_1322 = arith.constant 9 : i32
      %add3A_1323 = arith.addi %mul3A_1321, %add3A_1322 : i32
      %swap3A_1324 = arith.index_cast %add3A_1323 : i32 to index
      %swap3A_1325 = arith.constant 0 : index
      %swap3A_1326 = tpu.vector_load %arg7[%swap3A_1324, %swap3A_1325] {strides = array<i32>} : memref<512x128xf32, #tpu.memory_space<vmem>>, vector<1x16xf32>,
      %swap3A_1327 = vector.shape_cast %swap3A_1326 : vector<1x16xf32> to vector<16xf32>
      %swap3A_1328 = vector.shape_cast %get3A_1319 : vector<16xf32> to vector<1x16xf32>
      tpu.vector_store %arg7[%swap3A_1324, %swap3A_1325], %swap3A_1328 {strides = array<i32>} : memref<512x128xf32, #tpu.memory_space<vmem>>, vector<1x16xf32>,
      %get3A_1329 = arith.constant 9 : i32
      %get3A_1330 = arith.index_cast %select_n3A_398 : i32 to index
      %get3A_1331 = arith.index_cast %get3A_1329 : i32 to index
      %get3A_1332 = arith.index_cast %and3A_1312 : i32 to index
      %get3A_1333 = arith.constant 16 : index
      %get3A_1334 = tpu.vector_load %arg6[%get3A_1330, %get3A_1331, %get3A_1332, %get3A_1333] {strides = array<i32>} : memref<2x16x8x64xf32, #tpu.memory_space<vmem>>, vector<1x1x1x16xf32>,
      %get3A_1335 = vector.shape_cast %get3A_1334 : vector<1x1x1x16xf32> to vector<16xf32>
      %mul3A_1336 = arith.constant 16 : i32
      %mul3A_1337 = arith.muli %scan3A_389, %mul3A_1336 : i32
      %add3A_1338 = arith.constant 9 : i32
      %add3A_1339 = arith.addi %mul3A_1337, %add3A_1338 : i32
      %swap3A_1340 = arith.index_cast %add3A_1339 : i32 to index
      %swap3A_1341 = arith.constant 16 : index
      %swap3A_1342 = tpu.vector_load %arg7[%swap3A_1340, %swap3A_1341] {strides = array<i32>} : memref<512x128xf32, #tpu.memory_space<vmem>>, vector<1x16xf32>,
      %swap3A_1343 = vector.shape_cast %swap3A_1342 : vector<1x16xf32> to vector<16xf32>
      %swap3A_1344 = vector.shape_cast %get3A_1335 : vector<16xf32> to vector<1x16xf32>
      tpu.vector_store %arg7[%swap3A_1340, %swap3A_1341], %swap3A_1344 {strides = array<i32>} : memref<512x128xf32, #tpu.memory_space<vmem>>, vector<1x16xf32>,
      %get3A_1345 = arith.constant 9 : i32
      %get3A_1346 = arith.index_cast %select_n3A_398 : i32 to index
      %get3A_1347 = arith.index_cast %get3A_1345 : i32 to index
      %get3A_1348 = arith.index_cast %and3A_1312 : i32 to index
      %get3A_1349 = arith.constant 32 : index
      %get3A_1350 = tpu.vector_load %arg6[%get3A_1346, %get3A_1347, %get3A_1348, %get3A_1349] {strides = array<i32>} : memref<2x16x8x64xf32, #tpu.memory_space<vmem>>, vector<1x1x1x16xf32>,
      %get3A_1351 = vector.shape_cast %get3A_1350 : vector<1x1x1x16xf32> to vector<16xf32>
      %mul3A_1352 = arith.constant 16 : i32
      %mul3A_1353 = arith.muli %scan3A_389, %mul3A_1352 : i32
      %add3A_1354 = arith.constant 9 : i32
      %add3A_1355 = arith.addi %mul3A_1353, %add3A_1354 : i32
      %swap3A_1356 = arith.index_cast %add3A_1355 : i32 to index
      %swap3A_1357 = arith.constant 32 : index
      %swap3A_1358 = tpu.vector_load %arg7[%swap3A_1356, %swap3A_1357] {strides = array<i32>} : memref<512x128xf32, #tpu.memory_space<vmem>>, vector<1x16xf32>,
      %swap3A_1359 = vector.shape_cast %swap3A_1358 : vector<1x16xf32> to vector<16xf32>
      %swap3A_1360 = vector.shape_cast %get3A_1351 : vector<16xf32> to vector<1x16xf32>
      tpu.vector_store %arg7[%swap3A_1356, %swap3A_1357], %swap3A_1360 {strides = array<i32>} : memref<512x128xf32, #tpu.memory_space<vmem>>, vector<1x16xf32>,
      %get3A_1361 = arith.constant 9 : i32
      %get3A_1362 = arith.index_cast %select_n3A_398 : i32 to index
      %get3A_1363 = arith.index_cast %get3A_1361 : i32 to index
      %get3A_1364 = arith.index_cast %and3A_1312 : i32 to index
      %get3A_1365 = arith.constant 48 : index
      %get3A_1366 = tpu.vector_load %arg6[%get3A_1362, %get3A_1363, %get3A_1364, %get3A_1365] {strides = array<i32>} : memref<2x16x8x64xf32, #tpu.memory_space<vmem>>, vector<1x1x1x16xf32>,
      %get3A_1367 = vector.shape_cast %get3A_1366 : vector<1x1x1x16xf32> to vector<16xf32>
      %mul3A_1368 = arith.constant 16 : i32
      %mul3A_1369 = arith.muli %scan3A_389, %mul3A_1368 : i32
      %add3A_1370 = arith.constant 9 : i32
      %add3A_1371 = arith.addi %mul3A_1369, %add3A_1370 : i32
      %swap3A_1372 = arith.index_cast %add3A_1371 : i32 to index
      %swap3A_1373 = arith.constant 48 : index
      %swap3A_1374 = tpu.vector_load %arg7[%swap3A_1372, %swap3A_1373] {strides = array<i32>} : memref<512x128xf32, #tpu.memory_space<vmem>>, vector<1x16xf32>,
      %swap3A_1375 = vector.shape_cast %swap3A_1374 : vector<1x16xf32> to vector<16xf32>
      %swap3A_1376 = vector.shape_cast %get3A_1367 : vector<16xf32> to vector<1x16xf32>
      tpu.vector_store %arg7[%swap3A_1372, %swap3A_1373], %swap3A_1376 {strides = array<i32>} : memref<512x128xf32, #tpu.memory_space<vmem>>, vector<1x16xf32>,
      %slice3A_1377 = vector.extract_strided_slice %get3A_697 {offsets = [10], sizes = [1], strides = [1]} : vector<16xi32> to vector<1xi32>
      %squeeze3A_1378 = vector.extract %slice3A_1377[0] : i32 from vector<1xi32>
      %and3A_1379 = arith.constant 7 : i32
      %and3A_1380 = arith.andi %squeeze3A_1378, %and3A_1379 : i32
      %get3A_1381 = arith.constant 10 : i32
      %get3A_1382 = arith.index_cast %select_n3A_398 : i32 to index
      %get3A_1383 = arith.index_cast %get3A_1381 : i32 to index
      %get3A_1384 = arith.index_cast %and3A_1380 : i32 to index
      %get3A_1385 = arith.constant 0 : index
      %get3A_1386 = tpu.vector_load %arg6[%get3A_1382, %get3A_1383, %get3A_1384, %get3A_1385] {strides = array<i32>} : memref<2x16x8x64xf32, #tpu.memory_space<vmem>>, vector<1x1x1x16xf32>,
      %get3A_1387 = vector.shape_cast %get3A_1386 : vector<1x1x1x16xf32> to vector<16xf32>
      %mul3A_1388 = arith.constant 16 : i32
      %mul3A_1389 = arith.muli %scan3A_389, %mul3A_1388 : i32
      %add3A_1390 = arith.constant 10 : i32
      %add3A_1391 = arith.addi %mul3A_1389, %add3A_1390 : i32
      %swap3A_1392 = arith.index_cast %add3A_1391 : i32 to index
      %swap3A_1393 = arith.constant 0 : index
      %swap3A_1394 = tpu.vector_load %arg7[%swap3A_1392, %swap3A_1393] {strides = array<i32>} : memref<512x128xf32, #tpu.memory_space<vmem>>, vector<1x16xf32>,
      %swap3A_1395 = vector.shape_cast %swap3A_1394 : vector<1x16xf32> to vector<16xf32>
      %swap3A_1396 = vector.shape_cast %get3A_1387 : vector<16xf32> to vector<1x16xf32>
      tpu.vector_store %arg7[%swap3A_1392, %swap3A_1393], %swap3A_1396 {strides = array<i32>} : memref<512x128xf32, #tpu.memory_space<vmem>>, vector<1x16xf32>,
      %get3A_1397 = arith.constant 10 : i32
      %get3A_1398 = arith.index_cast %select_n3A_398 : i32 to index
      %get3A_1399 = arith.index_cast %get3A_1397 : i32 to index
      %get3A_1400 = arith.index_cast %and3A_1380 : i32 to index
      %get3A_1401 = arith.constant 16 : index
      %get3A_1402 = tpu.vector_load %arg6[%get3A_1398, %get3A_1399, %get3A_1400, %get3A_1401] {strides = array<i32>} : memref<2x16x8x64xf32, #tpu.memory_space<vmem>>, vector<1x1x1x16xf32>,
      %get3A_1403 = vector.shape_cast %get3A_1402 : vector<1x1x1x16xf32> to vector<16xf32>
      %mul3A_1404 = arith.constant 16 : i32
      %mul3A_1405 = arith.muli %scan3A_389, %mul3A_1404 : i32
      %add3A_1406 = arith.constant 10 : i32
      %add3A_1407 = arith.addi %mul3A_1405, %add3A_1406 : i32
      %swap3A_1408 = arith.index_cast %add3A_1407 : i32 to index
      %swap3A_1409 = arith.constant 16 : index
      %swap3A_1410 = tpu.vector_load %arg7[%swap3A_1408, %swap3A_1409] {strides = array<i32>} : memref<512x128xf32, #tpu.memory_space<vmem>>, vector<1x16xf32>,
      %swap3A_1411 = vector.shape_cast %swap3A_1410 : vector<1x16xf32> to vector<16xf32>
      %swap3A_1412 = vector.shape_cast %get3A_1403 : vector<16xf32> to vector<1x16xf32>
      tpu.vector_store %arg7[%swap3A_1408, %swap3A_1409], %swap3A_1412 {strides = array<i32>} : memref<512x128xf32, #tpu.memory_space<vmem>>, vector<1x16xf32>,
      %get3A_1413 = arith.constant 10 : i32
      %get3A_1414 = arith.index_cast %select_n3A_398 : i32 to index
      %get3A_1415 = arith.index_cast %get3A_1413 : i32 to index
      %get3A_1416 = arith.index_cast %and3A_1380 : i32 to index
      %get3A_1417 = arith.constant 32 : index
      %get3A_1418 = tpu.vector_load %arg6[%get3A_1414, %get3A_1415, %get3A_1416, %get3A_1417] {strides = array<i32>} : memref<2x16x8x64xf32, #tpu.memory_space<vmem>>, vector<1x1x1x16xf32>,
      %get3A_1419 = vector.shape_cast %get3A_1418 : vector<1x1x1x16xf32> to vector<16xf32>
      %mul3A_1420 = arith.constant 16 : i32
      %mul3A_1421 = arith.muli %scan3A_389, %mul3A_1420 : i32
      %add3A_1422 = arith.constant 10 : i32
      %add3A_1423 = arith.addi %mul3A_1421, %add3A_1422 : i32
      %swap3A_1424 = arith.index_cast %add3A_1423 : i32 to index
      %swap3A_1425 = arith.constant 32 : index
      %swap3A_1426 = tpu.vector_load %arg7[%swap3A_1424, %swap3A_1425] {strides = array<i32>} : memref<512x128xf32, #tpu.memory_space<vmem>>, vector<1x16xf32>,
      %swap3A_1427 = vector.shape_cast %swap3A_1426 : vector<1x16xf32> to vector<16xf32>
      %swap3A_1428 = vector.shape_cast %get3A_1419 : vector<16xf32> to vector<1x16xf32>
      tpu.vector_store %arg7[%swap3A_1424, %swap3A_1425], %swap3A_1428 {strides = array<i32>} : memref<512x128xf32, #tpu.memory_space<vmem>>, vector<1x16xf32>,
      %get3A_1429 = arith.constant 10 : i32
      %get3A_1430 = arith.index_cast %select_n3A_398 : i32 to index
      %get3A_1431 = arith.index_cast %get3A_1429 : i32 to index
      %get3A_1432 = arith.index_cast %and3A_1380 : i32 to index
      %get3A_1433 = arith.constant 48 : index
      %get3A_1434 = tpu.vector_load %arg6[%get3A_1430, %get3A_1431, %get3A_1432, %get3A_1433] {strides = array<i32>} : memref<2x16x8x64xf32, #tpu.memory_space<vmem>>, vector<1x1x1x16xf32>,
      %get3A_1435 = vector.shape_cast %get3A_1434 : vector<1x1x1x16xf32> to vector<16xf32>
      %mul3A_1436 = arith.constant 16 : i32
      %mul3A_1437 = arith.muli %scan3A_389, %mul3A_1436 : i32
      %add3A_1438 = arith.constant 10 : i32
      %add3A_1439 = arith.addi %mul3A_1437, %add3A_1438 : i32
      %swap3A_1440 = arith.index_cast %add3A_1439 : i32 to index
      %swap3A_1441 = arith.constant 48 : index
      %swap3A_1442 = tpu.vector_load %arg7[%swap3A_1440, %swap3A_1441] {strides = array<i32>} : memref<512x128xf32, #tpu.memory_space<vmem>>, vector<1x16xf32>,
      %swap3A_1443 = vector.shape_cast %swap3A_1442 : vector<1x16xf32> to vector<16xf32>
      %swap3A_1444 = vector.shape_cast %get3A_1435 : vector<16xf32> to vector<1x16xf32>
      tpu.vector_store %arg7[%swap3A_1440, %swap3A_1441], %swap3A_1444 {strides = array<i32>} : memref<512x128xf32, #tpu.memory_space<vmem>>, vector<1x16xf32>,
      %slice3A_1445 = vector.extract_strided_slice %get3A_697 {offsets = [11], sizes = [1], strides = [1]} : vector<16xi32> to vector<1xi32>
      %squeeze3A_1446 = vector.extract %slice3A_1445[0] : i32 from vector<1xi32>
      %and3A_1447 = arith.constant 7 : i32
      %and3A_1448 = arith.andi %squeeze3A_1446, %and3A_1447 : i32
      %get3A_1449 = arith.constant 11 : i32
      %get3A_1450 = arith.index_cast %select_n3A_398 : i32 to index
      %get3A_1451 = arith.index_cast %get3A_1449 : i32 to index
      %get3A_1452 = arith.index_cast %and3A_1448 : i32 to index
      %get3A_1453 = arith.constant 0 : index
      %get3A_1454 = tpu.vector_load %arg6[%get3A_1450, %get3A_1451, %get3A_1452, %get3A_1453] {strides = array<i32>} : memref<2x16x8x64xf32, #tpu.memory_space<vmem>>, vector<1x1x1x16xf32>,
      %get3A_1455 = vector.shape_cast %get3A_1454 : vector<1x1x1x16xf32> to vector<16xf32>
      %mul3A_1456 = arith.constant 16 : i32
      %mul3A_1457 = arith.muli %scan3A_389, %mul3A_1456 : i32
      %add3A_1458 = arith.constant 11 : i32
      %add3A_1459 = arith.addi %mul3A_1457, %add3A_1458 : i32
      %swap3A_1460 = arith.index_cast %add3A_1459 : i32 to index
      %swap3A_1461 = arith.constant 0 : index
      %swap3A_1462 = tpu.vector_load %arg7[%swap3A_1460, %swap3A_1461] {strides = array<i32>} : memref<512x128xf32, #tpu.memory_space<vmem>>, vector<1x16xf32>,
      %swap3A_1463 = vector.shape_cast %swap3A_1462 : vector<1x16xf32> to vector<16xf32>
      %swap3A_1464 = vector.shape_cast %get3A_1455 : vector<16xf32> to vector<1x16xf32>
      tpu.vector_store %arg7[%swap3A_1460, %swap3A_1461], %swap3A_1464 {strides = array<i32>} : memref<512x128xf32, #tpu.memory_space<vmem>>, vector<1x16xf32>,
      %get3A_1465 = arith.constant 11 : i32
      %get3A_1466 = arith.index_cast %select_n3A_398 : i32 to index
      %get3A_1467 = arith.index_cast %get3A_1465 : i32 to index
      %get3A_1468 = arith.index_cast %and3A_1448 : i32 to index
      %get3A_1469 = arith.constant 16 : index
      %get3A_1470 = tpu.vector_load %arg6[%get3A_1466, %get3A_1467, %get3A_1468, %get3A_1469] {strides = array<i32>} : memref<2x16x8x64xf32, #tpu.memory_space<vmem>>, vector<1x1x1x16xf32>,
      %get3A_1471 = vector.shape_cast %get3A_1470 : vector<1x1x1x16xf32> to vector<16xf32>
      %mul3A_1472 = arith.constant 16 : i32
      %mul3A_1473 = arith.muli %scan3A_389, %mul3A_1472 : i32
      %add3A_1474 = arith.constant 11 : i32
      %add3A_1475 = arith.addi %mul3A_1473, %add3A_1474 : i32
      %swap3A_1476 = arith.index_cast %add3A_1475 : i32 to index
      %swap3A_1477 = arith.constant 16 : index
      %swap3A_1478 = tpu.vector_load %arg7[%swap3A_1476, %swap3A_1477] {strides = array<i32>} : memref<512x128xf32, #tpu.memory_space<vmem>>, vector<1x16xf32>,
      %swap3A_1479 = vector.shape_cast %swap3A_1478 : vector<1x16xf32> to vector<16xf32>
      %swap3A_1480 = vector.shape_cast %get3A_1471 : vector<16xf32> to vector<1x16xf32>
      tpu.vector_store %arg7[%swap3A_1476, %swap3A_1477], %swap3A_1480 {strides = array<i32>} : memref<512x128xf32, #tpu.memory_space<vmem>>, vector<1x16xf32>,
      %get3A_1481 = arith.constant 11 : i32
      %get3A_1482 = arith.index_cast %select_n3A_398 : i32 to index
      %get3A_1483 = arith.index_cast %get3A_1481 : i32 to index
      %get3A_1484 = arith.index_cast %and3A_1448 : i32 to index
      %get3A_1485 = arith.constant 32 : index
      %get3A_1486 = tpu.vector_load %arg6[%get3A_1482, %get3A_1483, %get3A_1484, %get3A_1485] {strides = array<i32>} : memref<2x16x8x64xf32, #tpu.memory_space<vmem>>, vector<1x1x1x16xf32>,
      %get3A_1487 = vector.shape_cast %get3A_1486 : vector<1x1x1x16xf32> to vector<16xf32>
      %mul3A_1488 = arith.constant 16 : i32
      %mul3A_1489 = arith.muli %scan3A_389, %mul3A_1488 : i32
      %add3A_1490 = arith.constant 11 : i32
      %add3A_1491 = arith.addi %mul3A_1489, %add3A_1490 : i32
      %swap3A_1492 = arith.index_cast %add3A_1491 : i32 to index
      %swap3A_1493 = arith.constant 32 : index
      %swap3A_1494 = tpu.vector_load %arg7[%swap3A_1492, %swap3A_1493] {strides = array<i32>} : memref<512x128xf32, #tpu.memory_space<vmem>>, vector<1x16xf32>,
      %swap3A_1495 = vector.shape_cast %swap3A_1494 : vector<1x16xf32> to vector<16xf32>
      %swap3A_1496 = vector.shape_cast %get3A_1487 : vector<16xf32> to vector<1x16xf32>
      tpu.vector_store %arg7[%swap3A_1492, %swap3A_1493], %swap3A_1496 {strides = array<i32>} : memref<512x128xf32, #tpu.memory_space<vmem>>, vector<1x16xf32>,
      %get3A_1497 = arith.constant 11 : i32
      %get3A_1498 = arith.index_cast %select_n3A_398 : i32 to index
      %get3A_1499 = arith.index_cast %get3A_1497 : i32 to index
      %get3A_1500 = arith.index_cast %and3A_1448 : i32 to index
      %get3A_1501 = arith.constant 48 : index
      %get3A_1502 = tpu.vector_load %arg6[%get3A_1498, %get3A_1499, %get3A_1500, %get3A_1501] {strides = array<i32>} : memref<2x16x8x64xf32, #tpu.memory_space<vmem>>, vector<1x1x1x16xf32>,
      %get3A_1503 = vector.shape_cast %get3A_1502 : vector<1x1x1x16xf32> to vector<16xf32>
      %mul3A_1504 = arith.constant 16 : i32
      %mul3A_1505 = arith.muli %scan3A_389, %mul3A_1504 : i32
      %add3A_1506 = arith.constant 11 : i32
      %add3A_1507 = arith.addi %mul3A_1505, %add3A_1506 : i32
      %swap3A_1508 = arith.index_cast %add3A_1507 : i32 to index
      %swap3A_1509 = arith.constant 48 : index
      %swap3A_1510 = tpu.vector_load %arg7[%swap3A_1508, %swap3A_1509] {strides = array<i32>} : memref<512x128xf32, #tpu.memory_space<vmem>>, vector<1x16xf32>,
      %swap3A_1511 = vector.shape_cast %swap3A_1510 : vector<1x16xf32> to vector<16xf32>
      %swap3A_1512 = vector.shape_cast %get3A_1503 : vector<16xf32> to vector<1x16xf32>
      tpu.vector_store %arg7[%swap3A_1508, %swap3A_1509], %swap3A_1512 {strides = array<i32>} : memref<512x128xf32, #tpu.memory_space<vmem>>, vector<1x16xf32>,
      %slice3A_1513 = vector.extract_strided_slice %get3A_697 {offsets = [12], sizes = [1], strides = [1]} : vector<16xi32> to vector<1xi32>
      %squeeze3A_1514 = vector.extract %slice3A_1513[0] : i32 from vector<1xi32>
      %and3A_1515 = arith.constant 7 : i32
      %and3A_1516 = arith.andi %squeeze3A_1514, %and3A_1515 : i32
      %get3A_1517 = arith.constant 12 : i32
      %get3A_1518 = arith.index_cast %select_n3A_398 : i32 to index
      %get3A_1519 = arith.index_cast %get3A_1517 : i32 to index
      %get3A_1520 = arith.index_cast %and3A_1516 : i32 to index
      %get3A_1521 = arith.constant 0 : index
      %get3A_1522 = tpu.vector_load %arg6[%get3A_1518, %get3A_1519, %get3A_1520, %get3A_1521] {strides = array<i32>} : memref<2x16x8x64xf32, #tpu.memory_space<vmem>>, vector<1x1x1x16xf32>,
      %get3A_1523 = vector.shape_cast %get3A_1522 : vector<1x1x1x16xf32> to vector<16xf32>
      %mul3A_1524 = arith.constant 16 : i32
      %mul3A_1525 = arith.muli %scan3A_389, %mul3A_1524 : i32
      %add3A_1526 = arith.constant 12 : i32
      %add3A_1527 = arith.addi %mul3A_1525, %add3A_1526 : i32
      %swap3A_1528 = arith.index_cast %add3A_1527 : i32 to index
      %swap3A_1529 = arith.constant 0 : index
      %swap3A_1530 = tpu.vector_load %arg7[%swap3A_1528, %swap3A_1529] {strides = array<i32>} : memref<512x128xf32, #tpu.memory_space<vmem>>, vector<1x16xf32>,
      %swap3A_1531 = vector.shape_cast %swap3A_1530 : vector<1x16xf32> to vector<16xf32>
      %swap3A_1532 = vector.shape_cast %get3A_1523 : vector<16xf32> to vector<1x16xf32>
      tpu.vector_store %arg7[%swap3A_1528, %swap3A_1529], %swap3A_1532 {strides = array<i32>} : memref<512x128xf32, #tpu.memory_space<vmem>>, vector<1x16xf32>,
      %get3A_1533 = arith.constant 12 : i32
      %get3A_1534 = arith.index_cast %select_n3A_398 : i32 to index
      %get3A_1535 = arith.index_cast %get3A_1533 : i32 to index
      %get3A_1536 = arith.index_cast %and3A_1516 : i32 to index
      %get3A_1537 = arith.constant 16 : index
      %get3A_1538 = tpu.vector_load %arg6[%get3A_1534, %get3A_1535, %get3A_1536, %get3A_1537] {strides = array<i32>} : memref<2x16x8x64xf32, #tpu.memory_space<vmem>>, vector<1x1x1x16xf32>,
      %get3A_1539 = vector.shape_cast %get3A_1538 : vector<1x1x1x16xf32> to vector<16xf32>
      %mul3A_1540 = arith.constant 16 : i32
      %mul3A_1541 = arith.muli %scan3A_389, %mul3A_1540 : i32
      %add3A_1542 = arith.constant 12 : i32
      %add3A_1543 = arith.addi %mul3A_1541, %add3A_1542 : i32
      %swap3A_1544 = arith.index_cast %add3A_1543 : i32 to index
      %swap3A_1545 = arith.constant 16 : index
      %swap3A_1546 = tpu.vector_load %arg7[%swap3A_1544, %swap3A_1545] {strides = array<i32>} : memref<512x128xf32, #tpu.memory_space<vmem>>, vector<1x16xf32>,
      %swap3A_1547 = vector.shape_cast %swap3A_1546 : vector<1x16xf32> to vector<16xf32>
      %swap3A_1548 = vector.shape_cast %get3A_1539 : vector<16xf32> to vector<1x16xf32>
      tpu.vector_store %arg7[%swap3A_1544, %swap3A_1545], %swap3A_1548 {strides = array<i32>} : memref<512x128xf32, #tpu.memory_space<vmem>>, vector<1x16xf32>,
      %get3A_1549 = arith.constant 12 : i32
      %get3A_1550 = arith.index_cast %select_n3A_398 : i32 to index
      %get3A_1551 = arith.index_cast %get3A_1549 : i32 to index
      %get3A_1552 = arith.index_cast %and3A_1516 : i32 to index
      %get3A_1553 = arith.constant 32 : index
      %get3A_1554 = tpu.vector_load %arg6[%get3A_1550, %get3A_1551, %get3A_1552, %get3A_1553] {strides = array<i32>} : memref<2x16x8x64xf32, #tpu.memory_space<vmem>>, vector<1x1x1x16xf32>,
      %get3A_1555 = vector.shape_cast %get3A_1554 : vector<1x1x1x16xf32> to vector<16xf32>
      %mul3A_1556 = arith.constant 16 : i32
      %mul3A_1557 = arith.muli %scan3A_389, %mul3A_1556 : i32
      %add3A_1558 = arith.constant 12 : i32
      %add3A_1559 = arith.addi %mul3A_1557, %add3A_1558 : i32
      %swap3A_1560 = arith.index_cast %add3A_1559 : i32 to index
      %swap3A_1561 = arith.constant 32 : index
      %swap3A_1562 = tpu.vector_load %arg7[%swap3A_1560, %swap3A_1561] {strides = array<i32>} : memref<512x128xf32, #tpu.memory_space<vmem>>, vector<1x16xf32>,
      %swap3A_1563 = vector.shape_cast %swap3A_1562 : vector<1x16xf32> to vector<16xf32>
      %swap3A_1564 = vector.shape_cast %get3A_1555 : vector<16xf32> to vector<1x16xf32>
      tpu.vector_store %arg7[%swap3A_1560, %swap3A_1561], %swap3A_1564 {strides = array<i32>} : memref<512x128xf32, #tpu.memory_space<vmem>>, vector<1x16xf32>,
      %get3A_1565 = arith.constant 12 : i32
      %get3A_1566 = arith.index_cast %select_n3A_398 : i32 to index
      %get3A_1567 = arith.index_cast %get3A_1565 : i32 to index
      %get3A_1568 = arith.index_cast %and3A_1516 : i32 to index
      %get3A_1569 = arith.constant 48 : index
      %get3A_1570 = tpu.vector_load %arg6[%get3A_1566, %get3A_1567, %get3A_1568, %get3A_1569] {strides = array<i32>} : memref<2x16x8x64xf32, #tpu.memory_space<vmem>>, vector<1x1x1x16xf32>,
      %get3A_1571 = vector.shape_cast %get3A_1570 : vector<1x1x1x16xf32> to vector<16xf32>
      %mul3A_1572 = arith.constant 16 : i32
      %mul3A_1573 = arith.muli %scan3A_389, %mul3A_1572 : i32
      %add3A_1574 = arith.constant 12 : i32
      %add3A_1575 = arith.addi %mul3A_1573, %add3A_1574 : i32
      %swap3A_1576 = arith.index_cast %add3A_1575 : i32 to index
      %swap3A_1577 = arith.constant 48 : index
      %swap3A_1578 = tpu.vector_load %arg7[%swap3A_1576, %swap3A_1577] {strides = array<i32>} : memref<512x128xf32, #tpu.memory_space<vmem>>, vector<1x16xf32>,
      %swap3A_1579 = vector.shape_cast %swap3A_1578 : vector<1x16xf32> to vector<16xf32>
      %swap3A_1580 = vector.shape_cast %get3A_1571 : vector<16xf32> to vector<1x16xf32>
      tpu.vector_store %arg7[%swap3A_1576, %swap3A_1577], %swap3A_1580 {strides = array<i32>} : memref<512x128xf32, #tpu.memory_space<vmem>>, vector<1x16xf32>,
      %slice3A_1581 = vector.extract_strided_slice %get3A_697 {offsets = [13], sizes = [1], strides = [1]} : vector<16xi32> to vector<1xi32>
      %squeeze3A_1582 = vector.extract %slice3A_1581[0] : i32 from vector<1xi32>
      %and3A_1583 = arith.constant 7 : i32
      %and3A_1584 = arith.andi %squeeze3A_1582, %and3A_1583 : i32
      %get3A_1585 = arith.constant 13 : i32
      %get3A_1586 = arith.index_cast %select_n3A_398 : i32 to index
      %get3A_1587 = arith.index_cast %get3A_1585 : i32 to index
      %get3A_1588 = arith.index_cast %and3A_1584 : i32 to index
      %get3A_1589 = arith.constant 0 : index
      %get3A_1590 = tpu.vector_load %arg6[%get3A_1586, %get3A_1587, %get3A_1588, %get3A_1589] {strides = array<i32>} : memref<2x16x8x64xf32, #tpu.memory_space<vmem>>, vector<1x1x1x16xf32>,
      %get3A_1591 = vector.shape_cast %get3A_1590 : vector<1x1x1x16xf32> to vector<16xf32>
      %mul3A_1592 = arith.constant 16 : i32
      %mul3A_1593 = arith.muli %scan3A_389, %mul3A_1592 : i32
      %add3A_1594 = arith.constant 13 : i32
      %add3A_1595 = arith.addi %mul3A_1593, %add3A_1594 : i32
      %swap3A_1596 = arith.index_cast %add3A_1595 : i32 to index
      %swap3A_1597 = arith.constant 0 : index
      %swap3A_1598 = tpu.vector_load %arg7[%swap3A_1596, %swap3A_1597] {strides = array<i32>} : memref<512x128xf32, #tpu.memory_space<vmem>>, vector<1x16xf32>,
      %swap3A_1599 = vector.shape_cast %swap3A_1598 : vector<1x16xf32> to vector<16xf32>
      %swap3A_1600 = vector.shape_cast %get3A_1591 : vector<16xf32> to vector<1x16xf32>
      tpu.vector_store %arg7[%swap3A_1596, %swap3A_1597], %swap3A_1600 {strides = array<i32>} : memref<512x128xf32, #tpu.memory_space<vmem>>, vector<1x16xf32>,
      %get3A_1601 = arith.constant 13 : i32
      %get3A_1602 = arith.index_cast %select_n3A_398 : i32 to index
      %get3A_1603 = arith.index_cast %get3A_1601 : i32 to index
      %get3A_1604 = arith.index_cast %and3A_1584 : i32 to index
      %get3A_1605 = arith.constant 16 : index
      %get3A_1606 = tpu.vector_load %arg6[%get3A_1602, %get3A_1603, %get3A_1604, %get3A_1605] {strides = array<i32>} : memref<2x16x8x64xf32, #tpu.memory_space<vmem>>, vector<1x1x1x16xf32>,
      %get3A_1607 = vector.shape_cast %get3A_1606 : vector<1x1x1x16xf32> to vector<16xf32>
      %mul3A_1608 = arith.constant 16 : i32
      %mul3A_1609 = arith.muli %scan3A_389, %mul3A_1608 : i32
      %add3A_1610 = arith.constant 13 : i32
      %add3A_1611 = arith.addi %mul3A_1609, %add3A_1610 : i32
      %swap3A_1612 = arith.index_cast %add3A_1611 : i32 to index
      %swap3A_1613 = arith.constant 16 : index
      %swap3A_1614 = tpu.vector_load %arg7[%swap3A_1612, %swap3A_1613] {strides = array<i32>} : memref<512x128xf32, #tpu.memory_space<vmem>>, vector<1x16xf32>,
      %swap3A_1615 = vector.shape_cast %swap3A_1614 : vector<1x16xf32> to vector<16xf32>
      %swap3A_1616 = vector.shape_cast %get3A_1607 : vector<16xf32> to vector<1x16xf32>
      tpu.vector_store %arg7[%swap3A_1612, %swap3A_1613], %swap3A_1616 {strides = array<i32>} : memref<512x128xf32, #tpu.memory_space<vmem>>, vector<1x16xf32>,
      %get3A_1617 = arith.constant 13 : i32
      %get3A_1618 = arith.index_cast %select_n3A_398 : i32 to index
      %get3A_1619 = arith.index_cast %get3A_1617 : i32 to index
      %get3A_1620 = arith.index_cast %and3A_1584 : i32 to index
      %get3A_1621 = arith.constant 32 : index
      %get3A_1622 = tpu.vector_load %arg6[%get3A_1618, %get3A_1619, %get3A_1620, %get3A_1621] {strides = array<i32>} : memref<2x16x8x64xf32, #tpu.memory_space<vmem>>, vector<1x1x1x16xf32>,
      %get3A_1623 = vector.shape_cast %get3A_1622 : vector<1x1x1x16xf32> to vector<16xf32>
      %mul3A_1624 = arith.constant 16 : i32
      %mul3A_1625 = arith.muli %scan3A_389, %mul3A_1624 : i32
      %add3A_1626 = arith.constant 13 : i32
      %add3A_1627 = arith.addi %mul3A_1625, %add3A_1626 : i32
      %swap3A_1628 = arith.index_cast %add3A_1627 : i32 to index
      %swap3A_1629 = arith.constant 32 : index
      %swap3A_1630 = tpu.vector_load %arg7[%swap3A_1628, %swap3A_1629] {strides = array<i32>} : memref<512x128xf32, #tpu.memory_space<vmem>>, vector<1x16xf32>,
      %swap3A_1631 = vector.shape_cast %swap3A_1630 : vector<1x16xf32> to vector<16xf32>
      %swap3A_1632 = vector.shape_cast %get3A_1623 : vector<16xf32> to vector<1x16xf32>
      tpu.vector_store %arg7[%swap3A_1628, %swap3A_1629], %swap3A_1632 {strides = array<i32>} : memref<512x128xf32, #tpu.memory_space<vmem>>, vector<1x16xf32>,
      %get3A_1633 = arith.constant 13 : i32
      %get3A_1634 = arith.index_cast %select_n3A_398 : i32 to index
      %get3A_1635 = arith.index_cast %get3A_1633 : i32 to index
      %get3A_1636 = arith.index_cast %and3A_1584 : i32 to index
      %get3A_1637 = arith.constant 48 : index
      %get3A_1638 = tpu.vector_load %arg6[%get3A_1634, %get3A_1635, %get3A_1636, %get3A_1637] {strides = array<i32>} : memref<2x16x8x64xf32, #tpu.memory_space<vmem>>, vector<1x1x1x16xf32>,
      %get3A_1639 = vector.shape_cast %get3A_1638 : vector<1x1x1x16xf32> to vector<16xf32>
      %mul3A_1640 = arith.constant 16 : i32
      %mul3A_1641 = arith.muli %scan3A_389, %mul3A_1640 : i32
      %add3A_1642 = arith.constant 13 : i32
      %add3A_1643 = arith.addi %mul3A_1641, %add3A_1642 : i32
      %swap3A_1644 = arith.index_cast %add3A_1643 : i32 to index
      %swap3A_1645 = arith.constant 48 : index
      %swap3A_1646 = tpu.vector_load %arg7[%swap3A_1644, %swap3A_1645] {strides = array<i32>} : memref<512x128xf32, #tpu.memory_space<vmem>>, vector<1x16xf32>,
      %swap3A_1647 = vector.shape_cast %swap3A_1646 : vector<1x16xf32> to vector<16xf32>
      %swap3A_1648 = vector.shape_cast %get3A_1639 : vector<16xf32> to vector<1x16xf32>
      tpu.vector_store %arg7[%swap3A_1644, %swap3A_1645], %swap3A_1648 {strides = array<i32>} : memref<512x128xf32, #tpu.memory_space<vmem>>, vector<1x16xf32>,
      %slice3A_1649 = vector.extract_strided_slice %get3A_697 {offsets = [14], sizes = [1], strides = [1]} : vector<16xi32> to vector<1xi32>
      %squeeze3A_1650 = vector.extract %slice3A_1649[0] : i32 from vector<1xi32>
      %and3A_1651 = arith.constant 7 : i32
      %and3A_1652 = arith.andi %squeeze3A_1650, %and3A_1651 : i32
      %get3A_1653 = arith.constant 14 : i32
      %get3A_1654 = arith.index_cast %select_n3A_398 : i32 to index
      %get3A_1655 = arith.index_cast %get3A_1653 : i32 to index
      %get3A_1656 = arith.index_cast %and3A_1652 : i32 to index
      %get3A_1657 = arith.constant 0 : index
      %get3A_1658 = tpu.vector_load %arg6[%get3A_1654, %get3A_1655, %get3A_1656, %get3A_1657] {strides = array<i32>} : memref<2x16x8x64xf32, #tpu.memory_space<vmem>>, vector<1x1x1x16xf32>,
      %get3A_1659 = vector.shape_cast %get3A_1658 : vector<1x1x1x16xf32> to vector<16xf32>
      %mul3A_1660 = arith.constant 16 : i32
      %mul3A_1661 = arith.muli %scan3A_389, %mul3A_1660 : i32
      %add3A_1662 = arith.constant 14 : i32
      %add3A_1663 = arith.addi %mul3A_1661, %add3A_1662 : i32
      %swap3A_1664 = arith.index_cast %add3A_1663 : i32 to index
      %swap3A_1665 = arith.constant 0 : index
      %swap3A_1666 = tpu.vector_load %arg7[%swap3A_1664, %swap3A_1665] {strides = array<i32>} : memref<512x128xf32, #tpu.memory_space<vmem>>, vector<1x16xf32>,
      %swap3A_1667 = vector.shape_cast %swap3A_1666 : vector<1x16xf32> to vector<16xf32>
      %swap3A_1668 = vector.shape_cast %get3A_1659 : vector<16xf32> to vector<1x16xf32>
      tpu.vector_store %arg7[%swap3A_1664, %swap3A_1665], %swap3A_1668 {strides = array<i32>} : memref<512x128xf32, #tpu.memory_space<vmem>>, vector<1x16xf32>,
      %get3A_1669 = arith.constant 14 : i32
      %get3A_1670 = arith.index_cast %select_n3A_398 : i32 to index
      %get3A_1671 = arith.index_cast %get3A_1669 : i32 to index
      %get3A_1672 = arith.index_cast %and3A_1652 : i32 to index
      %get3A_1673 = arith.constant 16 : index
      %get3A_1674 = tpu.vector_load %arg6[%get3A_1670, %get3A_1671, %get3A_1672, %get3A_1673] {strides = array<i32>} : memref<2x16x8x64xf32, #tpu.memory_space<vmem>>, vector<1x1x1x16xf32>,
      %get3A_1675 = vector.shape_cast %get3A_1674 : vector<1x1x1x16xf32> to vector<16xf32>
      %mul3A_1676 = arith.constant 16 : i32
      %mul3A_1677 = arith.muli %scan3A_389, %mul3A_1676 : i32
      %add3A_1678 = arith.constant 14 : i32
      %add3A_1679 = arith.addi %mul3A_1677, %add3A_1678 : i32
      %swap3A_1680 = arith.index_cast %add3A_1679 : i32 to index
      %swap3A_1681 = arith.constant 16 : index
      %swap3A_1682 = tpu.vector_load %arg7[%swap3A_1680, %swap3A_1681] {strides = array<i32>} : memref<512x128xf32, #tpu.memory_space<vmem>>, vector<1x16xf32>,
      %swap3A_1683 = vector.shape_cast %swap3A_1682 : vector<1x16xf32> to vector<16xf32>
      %swap3A_1684 = vector.shape_cast %get3A_1675 : vector<16xf32> to vector<1x16xf32>
      tpu.vector_store %arg7[%swap3A_1680, %swap3A_1681], %swap3A_1684 {strides = array<i32>} : memref<512x128xf32, #tpu.memory_space<vmem>>, vector<1x16xf32>,
      %get3A_1685 = arith.constant 14 : i32
      %get3A_1686 = arith.index_cast %select_n3A_398 : i32 to index
      %get3A_1687 = arith.index_cast %get3A_1685 : i32 to index
      %get3A_1688 = arith.index_cast %and3A_1652 : i32 to index
      %get3A_1689 = arith.constant 32 : index
      %get3A_1690 = tpu.vector_load %arg6[%get3A_1686, %get3A_1687, %get3A_1688, %get3A_1689] {strides = array<i32>} : memref<2x16x8x64xf32, #tpu.memory_space<vmem>>, vector<1x1x1x16xf32>,
      %get3A_1691 = vector.shape_cast %get3A_1690 : vector<1x1x1x16xf32> to vector<16xf32>
      %mul3A_1692 = arith.constant 16 : i32
      %mul3A_1693 = arith.muli %scan3A_389, %mul3A_1692 : i32
      %add3A_1694 = arith.constant 14 : i32
      %add3A_1695 = arith.addi %mul3A_1693, %add3A_1694 : i32
      %swap3A_1696 = arith.index_cast %add3A_1695 : i32 to index
      %swap3A_1697 = arith.constant 32 : index
      %swap3A_1698 = tpu.vector_load %arg7[%swap3A_1696, %swap3A_1697] {strides = array<i32>} : memref<512x128xf32, #tpu.memory_space<vmem>>, vector<1x16xf32>,
      %swap3A_1699 = vector.shape_cast %swap3A_1698 : vector<1x16xf32> to vector<16xf32>
      %swap3A_1700 = vector.shape_cast %get3A_1691 : vector<16xf32> to vector<1x16xf32>
      tpu.vector_store %arg7[%swap3A_1696, %swap3A_1697], %swap3A_1700 {strides = array<i32>} : memref<512x128xf32, #tpu.memory_space<vmem>>, vector<1x16xf32>,
      %get3A_1701 = arith.constant 14 : i32
      %get3A_1702 = arith.index_cast %select_n3A_398 : i32 to index
      %get3A_1703 = arith.index_cast %get3A_1701 : i32 to index
      %get3A_1704 = arith.index_cast %and3A_1652 : i32 to index
      %get3A_1705 = arith.constant 48 : index
      %get3A_1706 = tpu.vector_load %arg6[%get3A_1702, %get3A_1703, %get3A_1704, %get3A_1705] {strides = array<i32>} : memref<2x16x8x64xf32, #tpu.memory_space<vmem>>, vector<1x1x1x16xf32>,
      %get3A_1707 = vector.shape_cast %get3A_1706 : vector<1x1x1x16xf32> to vector<16xf32>
      %mul3A_1708 = arith.constant 16 : i32
      %mul3A_1709 = arith.muli %scan3A_389, %mul3A_1708 : i32
      %add3A_1710 = arith.constant 14 : i32
      %add3A_1711 = arith.addi %mul3A_1709, %add3A_1710 : i32
      %swap3A_1712 = arith.index_cast %add3A_1711 : i32 to index
      %swap3A_1713 = arith.constant 48 : index
      %swap3A_1714 = tpu.vector_load %arg7[%swap3A_1712, %swap3A_1713] {strides = array<i32>} : memref<512x128xf32, #tpu.memory_space<vmem>>, vector<1x16xf32>,
      %swap3A_1715 = vector.shape_cast %swap3A_1714 : vector<1x16xf32> to vector<16xf32>
      %swap3A_1716 = vector.shape_cast %get3A_1707 : vector<16xf32> to vector<1x16xf32>
      tpu.vector_store %arg7[%swap3A_1712, %swap3A_1713], %swap3A_1716 {strides = array<i32>} : memref<512x128xf32, #tpu.memory_space<vmem>>, vector<1x16xf32>,
      %slice3A_1717 = vector.extract_strided_slice %get3A_697 {offsets = [15], sizes = [1], strides = [1]} : vector<16xi32> to vector<1xi32>
      %squeeze3A_1718 = vector.extract %slice3A_1717[0] : i32 from vector<1xi32>
      %and3A_1719 = arith.constant 7 : i32
      %and3A_1720 = arith.andi %squeeze3A_1718, %and3A_1719 : i32
      %get3A_1721 = arith.constant 15 : i32
      %get3A_1722 = arith.index_cast %select_n3A_398 : i32 to index
      %get3A_1723 = arith.index_cast %get3A_1721 : i32 to index
      %get3A_1724 = arith.index_cast %and3A_1720 : i32 to index
      %get3A_1725 = arith.constant 0 : index
      %get3A_1726 = tpu.vector_load %arg6[%get3A_1722, %get3A_1723, %get3A_1724, %get3A_1725] {strides = array<i32>} : memref<2x16x8x64xf32, #tpu.memory_space<vmem>>, vector<1x1x1x16xf32>,
      %get3A_1727 = vector.shape_cast %get3A_1726 : vector<1x1x1x16xf32> to vector<16xf32>
      %mul3A_1728 = arith.constant 16 : i32
      %mul3A_1729 = arith.muli %scan3A_389, %mul3A_1728 : i32
      %add3A_1730 = arith.constant 15 : i32
      %add3A_1731 = arith.addi %mul3A_1729, %add3A_1730 : i32
      %swap3A_1732 = arith.index_cast %add3A_1731 : i32 to index
      %swap3A_1733 = arith.constant 0 : index
      %swap3A_1734 = tpu.vector_load %arg7[%swap3A_1732, %swap3A_1733] {strides = array<i32>} : memref<512x128xf32, #tpu.memory_space<vmem>>, vector<1x16xf32>,
      %swap3A_1735 = vector.shape_cast %swap3A_1734 : vector<1x16xf32> to vector<16xf32>
      %swap3A_1736 = vector.shape_cast %get3A_1727 : vector<16xf32> to vector<1x16xf32>
      tpu.vector_store %arg7[%swap3A_1732, %swap3A_1733], %swap3A_1736 {strides = array<i32>} : memref<512x128xf32, #tpu.memory_space<vmem>>, vector<1x16xf32>,
      %get3A_1737 = arith.constant 15 : i32
      %get3A_1738 = arith.index_cast %select_n3A_398 : i32 to index
      %get3A_1739 = arith.index_cast %get3A_1737 : i32 to index
      %get3A_1740 = arith.index_cast %and3A_1720 : i32 to index
      %get3A_1741 = arith.constant 16 : index
      %get3A_1742 = tpu.vector_load %arg6[%get3A_1738, %get3A_1739, %get3A_1740, %get3A_1741] {strides = array<i32>} : memref<2x16x8x64xf32, #tpu.memory_space<vmem>>, vector<1x1x1x16xf32>,
      %get3A_1743 = vector.shape_cast %get3A_1742 : vector<1x1x1x16xf32> to vector<16xf32>
      %mul3A_1744 = arith.constant 16 : i32
      %mul3A_1745 = arith.muli %scan3A_389, %mul3A_1744 : i32
      %add3A_1746 = arith.constant 15 : i32
      %add3A_1747 = arith.addi %mul3A_1745, %add3A_1746 : i32
      %swap3A_1748 = arith.index_cast %add3A_1747 : i32 to index
      %swap3A_1749 = arith.constant 16 : index
      %swap3A_1750 = tpu.vector_load %arg7[%swap3A_1748, %swap3A_1749] {strides = array<i32>} : memref<512x128xf32, #tpu.memory_space<vmem>>, vector<1x16xf32>,
      %swap3A_1751 = vector.shape_cast %swap3A_1750 : vector<1x16xf32> to vector<16xf32>
      %swap3A_1752 = vector.shape_cast %get3A_1743 : vector<16xf32> to vector<1x16xf32>
      tpu.vector_store %arg7[%swap3A_1748, %swap3A_1749], %swap3A_1752 {strides = array<i32>} : memref<512x128xf32, #tpu.memory_space<vmem>>, vector<1x16xf32>,
      %get3A_1753 = arith.constant 15 : i32
      %get3A_1754 = arith.index_cast %select_n3A_398 : i32 to index
      %get3A_1755 = arith.index_cast %get3A_1753 : i32 to index
      %get3A_1756 = arith.index_cast %and3A_1720 : i32 to index
      %get3A_1757 = arith.constant 32 : index
      %get3A_1758 = tpu.vector_load %arg6[%get3A_1754, %get3A_1755, %get3A_1756, %get3A_1757] {strides = array<i32>} : memref<2x16x8x64xf32, #tpu.memory_space<vmem>>, vector<1x1x1x16xf32>,
      %get3A_1759 = vector.shape_cast %get3A_1758 : vector<1x1x1x16xf32> to vector<16xf32>
      %mul3A_1760 = arith.constant 16 : i32
      %mul3A_1761 = arith.muli %scan3A_389, %mul3A_1760 : i32
      %add3A_1762 = arith.constant 15 : i32
      %add3A_1763 = arith.addi %mul3A_1761, %add3A_1762 : i32
      %swap3A_1764 = arith.index_cast %add3A_1763 : i32 to index
      %swap3A_1765 = arith.constant 32 : index
      %swap3A_1766 = tpu.vector_load %arg7[%swap3A_1764, %swap3A_1765] {strides = array<i32>} : memref<512x128xf32, #tpu.memory_space<vmem>>, vector<1x16xf32>,
      %swap3A_1767 = vector.shape_cast %swap3A_1766 : vector<1x16xf32> to vector<16xf32>
      %swap3A_1768 = vector.shape_cast %get3A_1759 : vector<16xf32> to vector<1x16xf32>
      tpu.vector_store %arg7[%swap3A_1764, %swap3A_1765], %swap3A_1768 {strides = array<i32>} : memref<512x128xf32, #tpu.memory_space<vmem>>, vector<1x16xf32>,
      %get3A_1769 = arith.constant 15 : i32
      %get3A_1770 = arith.index_cast %select_n3A_398 : i32 to index
      %get3A_1771 = arith.index_cast %get3A_1769 : i32 to index
      %get3A_1772 = arith.index_cast %and3A_1720 : i32 to index
      %get3A_1773 = arith.constant 48 : index
      %get3A_1774 = tpu.vector_load %arg6[%get3A_1770, %get3A_1771, %get3A_1772, %get3A_1773] {strides = array<i32>} : memref<2x16x8x64xf32, #tpu.memory_space<vmem>>, vector<1x1x1x16xf32>,
      %get3A_1775 = vector.shape_cast %get3A_1774 : vector<1x1x1x16xf32> to vector<16xf32>
      %mul3A_1776 = arith.constant 16 : i32
      %mul3A_1777 = arith.muli %scan3A_389, %mul3A_1776 : i32
      %add3A_1778 = arith.constant 15 : i32
      %add3A_1779 = arith.addi %mul3A_1777, %add3A_1778 : i32
      %swap3A_1780 = arith.index_cast %add3A_1779 : i32 to index
      %swap3A_1781 = arith.constant 48 : index
      %swap3A_1782 = tpu.vector_load %arg7[%swap3A_1780, %swap3A_1781] {strides = array<i32>} : memref<512x128xf32, #tpu.memory_space<vmem>>, vector<1x16xf32>,
      %swap3A_1783 = vector.shape_cast %swap3A_1782 : vector<1x16xf32> to vector<16xf32>
      %swap3A_1784 = vector.shape_cast %get3A_1775 : vector<16xf32> to vector<1x16xf32>
      tpu.vector_store %arg7[%swap3A_1780, %swap3A_1781], %swap3A_1784 {strides = array<i32>} : memref<512x128xf32, #tpu.memory_space<vmem>>, vector<1x16xf32>,
    }
    %scan3A_388 = arith.constant 32 : i32
    "tpu.region"() ({
      %run_scoped3A = tpu.sem_alloc : memref<!tpu.dma_semaphore, #tpu.memory_space<semaphore_mem>>
      %dma_start3A_389 = arith.constant 0 : i32
      %dma_start3A_390 = tpu.memref_slice %arg4[%mul3A_2, %dma_start3A_389] : memref<16384x128xf32, #tpu.memory_space<hbm>> -> memref<512x128xf32, #tpu.memory_space<hbm>>
      %dma_start3A_391 = arith.constant 0 : i32
      %dma_start3A_392 = tpu.memref_slice %arg4[%mul3A_2, %dma_start3A_391] : memref<16384x128xf32, #tpu.memory_space<hbm>> -> memref<512x128xf32, #tpu.memory_space<hbm>>
      tpu.enqueue_dma source(%arg7 : memref<512x128xf32, #tpu.memory_space<vmem>>) target(%dma_start3A_392 : memref<512x128xf32, #tpu.memory_space<hbm>>) target_semaphore(%run_scoped3A : memref<!tpu.dma_semaphore, #tpu.memory_space<semaphore_mem>>)
      %dma_wait3A = arith.constant 0 : i32
      %dma_wait3A_393 = tpu.memref_slice %arg4[%mul3A_2, %dma_wait3A] : memref<16384x128xf32, #tpu.memory_space<hbm>> -> memref<512x128xf32, #tpu.memory_space<hbm>>
      %dma_wait3A_394 = arith.constant 0 : i32
      %dma_wait3A_395 = tpu.memref_slice %arg4[%mul3A_2, %dma_wait3A_394] : memref<16384x128xf32, #tpu.memory_space<hbm>> -> memref<512x128xf32, #tpu.memory_space<hbm>>
      tpu.wait_dma2 semaphore(%run_scoped3A : memref<!tpu.dma_semaphore, #tpu.memory_space<semaphore_mem>>) src(%arg7 : memref<512x128xf32, #tpu.memory_space<vmem>>) dst(%dma_wait3A_395 : memref<512x128xf32, #tpu.memory_space<hbm>>)
      tpu.yield
    }) : () -> ()
    return
  }
}

</mosaic_0001>

<sc_bundles>
// kernel: kernel.3.cloned.1.call-start
scs
__scs_entry_jumppad:
0x0: {  	(pc) =	sbr.rel $0x88, $3  }
0x1: {  	(tag) =	ssettag $0x0;
	lr =	simm.s32 $0x1  }
0x2: {  	[smem:$0x3F9F] =	sst lr;
	_ =	strace $0xD0000000  }
0x3: {  	_ = 	snop  }
0x4: {  	_ = 	snop  }
0x5: {  	_ = 	snop  }
0x6: {  	_ = 	snop  }
0x7: {  	_ = 	snop  }
__scs_overlays_trampoline_lowered:
0x8: {  	[smem:$0x3FAE] =	sst s0  }
0x9: {  	[smem:$0x3FAF] =	sst s1  }
0xa: {  	[smem:$0x3FB0] =	sst s2  }
0xb: {  	[smem:$0x3FB1] =	sst s3  }
0xc: {  	[smem:$0x3FB2] =	sst s4  }
0xd: {  	[smem:$0x3FB3] =	sst s5  }
0xe: {  	[smem:$0x3FB4] =	sst s6  }
0xf: {  	[smem:$0x3FB5] =	sst s7  }
0x10: {  	[smem:$0x3FB6] =	sst s8  }
0x11: {  	[smem:$0x3FB7] =	sst s9;
	s0 =	simm.s32 @!p0 $0x0  }
0x12: {  	s1 =	sld [smem:$0x3F9D];
	s0 =	simm.s32 @p0 $0x1  }
0x13: {  	[smem:$0x3FB8] =	sst s0;
	s0 =	simm.s32 @!p1 $0x0  }
0x14: {  	s2 =	sld [smem:$0x3F9C];
	s0 =	simm.s32 @p1 $0x1  }
0x15: {  	[smem:$0x3FB9] =	sst s0;
	s0 =	simm.s32 @!p2 $0x0  }
0x16: {  	s3 =	sld [smem:$0x3FDB];
	s0 =	simm.s32 @p2 $0x1  }
0x17: {  	s4 =	simm.s32 $0x1BF5;
	[smem:$0x3FBB] =	sst s0  }
0x18: {  	s0 =	sld [smem:$0x3F9E];
	_ =	swait.ge [sflag:s4], $0x0  }
0x19: {  	s7 =	sld [smem:$0x3F9F]  }
0x1a: {  	s8 =	sadd.s32 $0xFFFFE003, lr  }
0x1b: {  	s9 =	sadd.s32 $0xFFFFFEF7, lr;
	s5 =	simm.s32 $0xFFFFFFFF;
	p2 =	slt.u32 s8, $0xFFFFF086  }
0x1c: {  	p1 =	slt.u32 s9, $0xF7A;
	s5 =	simm.s32 @!p2 $0x0  }
0x1d: {  	s5 =	simm.s32 @p1 $0x1;
	p0 =	seq.s32 s7, s2  }
0x1e: {  	s7 =	smul.u32 @!p0 $0xF7A, s2;
	p2 =	seq.s32 @!p0 s5, $0x0  }
0x1f: {  	s9 =	smul.u32 $0xF7A, s1;
	s8 =	simm.s32 @!p0 $0x1BF5;
	p2 =	por !p2, p0  }
0x20: {  	[sflag:s8] =	ssyncset.s32 @!p0 $0xFFFFF086;
	s6 =	sadd.s32 @!p0 s3, s7;
	s7 =	simm.s32 @!p0 $0x108  }
0x21: {  	s3 =	sadd.s32 s3, s9;
	s6 =	sadd.s32 @!p0 $0x88, s6;
	s7 =	simm.s32 @p2 $0x1082  }
0x22: {  	[simem:s7], [sflag:s8] =	dma.local @!p0 [hbm:s6], $0xF7A  }
0x23: {  	s9 =	sor.u32 $0xD0000000, s2;
	s6 =	simm.s32 $0x108;
	_ =	swait.ge @!p0 [sflag:s8], $0x0  }
0x24: {  	s3 =	sadd.s32 $0x88, s3;
	s6 =	simm.s32 @!p1 $0x1082;
	[sflag:s4] =	ssyncset.s32 $0xFFFFF086  }
0x25: {  	[simem:s6], [sflag:s4] =	dma.local [hbm:s3], $0xF7A  }
0x26: {  	[smem:$0x3F9F] =	sst s1;
	(tag) =	ssettag s2;
	_ =	strace s9  }
0x27: {  	s1 =	sld [smem:$0x3FAF]  }
0x28: {  	s2 =	sld [smem:$0x3FB0]  }
0x29: {  	s4 =	sld [smem:$0x3FB2]  }
0x2a: {  	p0 =	seq.s32 s5, $0x0;
	s5 =	sld [smem:$0x3FB3]  }
0x2b: {  	s6 =	sld [smem:$0x3FB4]  }
0x2c: {  	s7 =	sld [smem:$0x3FB5]  }
0x2d: {  	s3 =	simm.s32 $0x108;
	s8 =	sld [smem:$0x3FB6]  }
0x2e: {  	s3 =	simm.s32 @!p0 $0x1082;
	s9 =	sld [smem:$0x3FB7]  }
0x2f: {  	lr =	sadd.s32 s0, s3;
	s0 =	sld [smem:$0x3FAE]  }
0x30: {  	s3 =	sld [smem:$0x3FB1]  }
0x31: {  	[smem:$0x3FBA] =	sst s10  }
0x32: {  	s10 =	sld [smem:$0x3FB8];
	_ =	sdelay $0x3  }
0x33: {  	p0 =	seq.s32 s10, $0x1;
	s10 =	sld [smem:$0x3FBA];
	_ =	sdelay $0x3  }
0x34: {  	[smem:$0x3FBA] =	sst s10  }
0x35: {  	s10 =	sld [smem:$0x3FB9];
	_ =	sdelay $0x3  }
0x36: {  	p1 =	seq.s32 s10, $0x1;
	s10 =	sld [smem:$0x3FBA];
	_ =	sdelay $0x3  }
0x37: {  	[smem:$0x3FBA] =	sst s10  }
0x38: {  	s10 =	sld [smem:$0x3FBB]  }
0x39: {  	_ = 	snop;
	(pc) =	sbr.ind lr, $3  }
0x3a: {  	_ = 	snop  }
0x3b: {  	_ = 	snop  }
0x3c: {  	p2 =	seq.s32 s10, $0x1;
	s10 =	sld [smem:$0x3FBA]  }
0x3d: {  	_ =	shalt  }
0x3e: {  	_ =	shalt  }
0x3f: {  	_ =	shalt  }
0x40: {  	_ =	shalt  }
0x41: {  	_ =	shalt  }
0x42: {  	_ =	shalt  }
0x43: {  	_ =	shalt  }
0x44: {  	_ =	shalt  }
0x45: {  	_ =	shalt  }
0x46: {  	_ =	shalt  }
0x47: {  	_ =	shalt  }
0x48: {  	_ =	shalt  }
0x49: {  	_ =	shalt  }
0x4a: {  	_ =	shalt  }
0x4b: {  	_ =	shalt  }
0x4c: {  	_ =	shalt  }
0x4d: {  	_ =	shalt  }
0x4e: {  	_ =	shalt  }
0x4f: {  	_ =	shalt  }
0x50: {  	_ =	shalt  }
0x51: {  	_ =	shalt  }
0x52: {  	_ =	shalt  }
0x53: {  	_ =	shalt  }
0x54: {  	_ =	shalt  }
0x55: {  	_ =	shalt  }
0x56: {  	_ =	shalt  }
0x57: {  	_ =	shalt  }
0x58: {  	_ =	shalt  }
0x59: {  	_ =	shalt  }
0x5a: {  	_ =	shalt  }
0x5b: {  	_ =	shalt  }
0x5c: {  	_ =	shalt  }
0x5d: {  	_ =	shalt  }
0x5e: {  	_ =	shalt  }
0x5f: {  	_ =	shalt  }
0x60: {  	_ =	shalt  }
0x61: {  	_ =	shalt  }
0x62: {  	_ =	shalt  }
0x63: {  	_ =	shalt  }
0x64: {  	_ =	shalt  }
0x65: {  	_ =	shalt  }
0x66: {  	_ =	shalt  }
0x67: {  	_ =	shalt  }
0x68: {  	_ =	shalt  }
0x69: {  	_ =	shalt  }
0x6a: {  	_ =	shalt  }
0x6b: {  	_ =	shalt  }
0x6c: {  	_ =	shalt  }
0x6d: {  	_ =	shalt  }
0x6e: {  	_ =	shalt  }
0x6f: {  	_ =	shalt  }
0x70: {  	_ =	shalt  }
0x71: {  	_ =	shalt  }
0x72: {  	_ =	shalt  }
0x73: {  	_ =	shalt  }
0x74: {  	_ =	shalt  }
0x75: {  	_ =	shalt  }
0x76: {  	_ =	shalt  }
0x77: {  	_ =	shalt  }
0x78: {  	_ =	shalt  }
0x79: {  	_ =	shalt  }
0x7a: {  	_ =	shalt  }
0x7b: {  	_ =	shalt  }
0x7c: {  	_ =	shalt  }
0x7d: {  	_ =	shalt  }
0x7e: {  	_ =	shalt  }
0x7f: {  	_ =	shalt  }
0x80: {  	_ =	shalt  }
0x81: {  	_ =	shalt  }
0x82: {  	_ =	shalt  }
0x83: {  	_ =	shalt  }
0x84: {  	_ =	shalt  }
0x85: {  	_ =	shalt  }
0x86: {  	_ =	shalt  }
0x87: {  	_ =	shalt  }
.Lfunc_end0:
.L_simem_size_0:
called_computation_lowered:
.L_overlay_start_0:
0x88: {  	s2 =	sld [smem:$0x3FD9]  }
0x89: {  	s3 =	sld [smem:$0x3FFE];
	_ =	sdelay $0x1  }
0x8a: {  	s1 =	srdreg.scid  }
0x8b: {  	s0 =	sand.u32 $0x1, s1  }
0x8c: {  	s17 =	sshll.u32 s0, $0xA;
	s2 =	sadd.s32 s3, s2  }
0x8d: {  	s2 =	sadd.s32 s2, s17  }
0x8e: {  	[smem:$0x3FC6] =	sst s2  }
0x8f: {  	_ = 	snop  }
0x90: {  	s2 =	sld [smem:$0x3FC9];
	(tm) =	ssettm $0x1  }
0x91: {  	s18 =	sld [smem:$0x3FFB];
	_ =	sdelay $0x3  }
0x92: {  	_ =	strace s18  }
0x93: {  	s3 =	sld [smem:$0x3FFC];
	_ =	sdelay $0x3  }
0x94: {  	_ =	strace s3  }
0x95: {  	s3 =	sld [smem:$0x3FFD];
	_ =	sdelay $0x3  }
0x96: {  	_ =	strace s3  }
0x97: {  	_ =	strace $0x8FFFFFFF  }
0x98: {  	s19 =	sld [smem:$0x3FDB];
	_ =	sdelay $0x1  }
0x99: {  	s4 =	simm.s32 $_scs_section_size  }
0x9a: {  	s5 =	simm.s32 $_size__tile_overlayer_lowered;
	s6 =	simm.s32 $_tile_overlayer_lowered  }
0x9b: {  	s22 =	simm.s32 $0x1BFF;
	s21 =	sshll.u32 s6, $0x1;
	s3 =	sadd.s32 s4, s19  }
0x9c: {  	s7 =	simm.s32 $0x0;
	s20 =	sshll.u32 s5, $0x1;
	s5 =	sadd.s32 s21, s3  }
0x9d: {  	[timem:s7], [sflag:s22] =	dma.local [hbm:s5], s20  }
0x9e: {  	_ =	swait.ge [sflag:s22], s20  }
0x9f: {  	s4 =	ssub.s32 $0x0, s20;
	[sflag:s22] =	ssyncset.done $0x0  }
0xa0: {  	[sflag:s22] =	ssyncadd.s32 s4;
	_ =	sdelay $0x1  }
0xa1: {  	s23 =	simm.s32 $0x1B8B  }
0xa2: {  	_ =	swait.ge [sflag:s23], $0x1  }
0xa3: {  	[sflag:s23] =	ssyncset.done $0x0  }
0xa4: {  	s25 =	simm.s32 $0x1B8E;
	s24 =	sld [smem:$0x3FFE];
	[sflag:s23] =	ssyncadd.s32 $0xFFFFFFFF  }
0xa5: {  	s26 =	simm.s32 $execute0_lowered;
	[smem:$0x3FD2] =	sst s25  }
0xa6: {  	s5 =	sshll.u32 s26, $0x1;
	_ =	strace $0x80000046;
	[dreg:$0x1] =	wrdreg $0xFFFFFFFF  }
0xa7: {  	s28 =	simm.s32 $_size_execute0_lowered;
	s3 =	sadd.s32 s3, s5;
	[dreg:$0x0] =	wrdreg $0x0  }
0xa8: {  	s5 =	sshll.u32 s28, $0x1;
	[dreg:$0x2] =	wrdreg s3  }
0xa9: {  	[dreg:$0x3] =	wrdreg s5  }
0xaa: {  	[dreg:$0x4] =	wrdreg $0xC0  }
0xab: {  	_ =	task [dreg:s7], $0x5FFFF  }
0xac: {  	[dreg:$0x1] =	wrdreg $0xFFFFFFFF  }
0xad: {  	[dreg:$0x0] =	wrdreg $0x60  }
0xae: {  	[dreg:$0x2] =	wrdreg s24  }
0xaf: {  	[dreg:$0x3] =	wrdreg s2  }
0xb0: {  	[dreg:$0x4] =	wrdreg $0x9  }
0xb1: {  	_ =	task.clear_ibuf [dreg:s7], $0x5FFFF;
	_ =	strace $0x90000046  }
0xb2: {  	s29 =	simm.s32 $0x9;
	_ =	strace $0x80000048  }
0xb3: {  	_ =	swait.ge [sflag:s29], $0x1  }
0xb4: {  	[sflag:s29] =	ssyncadd.s32 $0xFFFFFFFF  }
0xb5: {  	_ =	strace $0x90000048  }
0xb6: {  	_ =	sfence  }
0xb7: {  	s30 =	sld [smem:$0x0];
	_ =	sdelay $0x2  }
0xb8: {  	s31 =	sshll.u32 s1, $0xD;
	s1 =	sshrl.u32 s1, $0x2  }
0xb9: {  	s3 =	sand.u32 $0x4000, s31;
	s1 =	sadd.s32 s1, s30  }
0xba: {  	s0 =	sor.u32 s3, s0;
	s1 =	sshll.u32 s1, $0x11  }
0xbb: {  	s0 =	sor.u32 s1, s0  }
0xbc: {  	s0 =	sadd.s32 $0x8F2B, s0  }
0xbd: {  	[sflag:s0] =	ssyncadd.remote.s32 $0x1  }
0xbe: {  	_ =	sfence.sel $0xFFFF  }
0xbf: {  	[dreg:$0x0] =	wrdreg $0xFFFFFFFF;
	(pc) =	sbr.abs _section_cstart, $3  }
0xc0: {  	[dreg:$0x1] =	wrdreg $0xFFFFFFFF  }
0xc1: {  	_ =	task.clear_ibuf [dreg:s7], $0x2FFFF;
	_ =	strace $0x9FFFFFFF  }
0xc2: {  	(tm) =	ssettm $0x7FFFFFFF  }
0xc3: {  	_ =	shalt  }
tec
execute0_lowered:
.L_overlay_start_1:
0x0: {  	(tag) =	ssettag $0x1  }
0x1: {  	s0 =	rddreg [dreg:$0x0]  }
0x2: {  	s4 =	rddreg [dreg:$0x1];
	s2 =	simm.s32 $0x0;
	s3 =	srdreg.scid  }
0x3: {  	s1 =	stileid.u32;
	s9 =	simm.s32 $0x600;
	s10 =	simm.s32 $0xA00  }
0x4: {  	s11 =	simm.s32 $0xE00;
	s12 =	simm.s32 $0x1200;
	s13 =	simm.s32 $0x1600  }
0x5: {  	s14 =	simm.s32 $0x1A00;
	s15 =	simm.s32 $0x1E00;
	s16 =	simm.s32 $0x2200  }
0x6: {  	s17 =	simm.s32 $0x2600;
	s18 =	simm.s32 $0x2A00;
	s19 =	simm.s32 $0x2E00  }
0x7: {  	s20 =	simm.s32 $0x3200;
	s21 =	simm.s32 $0x3600;
	s22 =	simm.s32 $0x3A00  }
0x8: {  	s23 =	simm.s32 $0x3E00;
	s24 =	simm.s32 $0x8200;
	s25 =	simm.s32 $0x0  }
0x9: {  	[smem:$0x7FF] =	sst s2;
	s5 =	sand.u32 $0x1, s3;
	s6 =	sshll.u32 s1, $0xA  }
.Ltmp0:
0xa: {  	s3 =	sadd.s32 $0x400, s0;
	s7 =	sshll.u32 s5, $0x9;
	(pc) =	sbr.rel .LBB2_1-.Ltmp0, $4  }
0xb: {  	_ =	strace $0x80000047;
	s5 =	ssub.s32 $0x2, s5;
	s6 =	sor.u32 s7, s6  }
0xc: {  	s8 =	sshrl.u32 s5, $0x1;
	s7 =	sshll.u32 s6, $0x4;
	s6 =	sshrl.u32 s6, $0x3  }
0xd: {  	s31 =	ssub.s32 s5, s8;
	s0 =	sadd.s32 s7, s0;
	s4 =	sadd.s32 s4, s6  }
0xe: {  	s6 =	smax.u32 s31, $0x1;
	s7 =	simm.s32 $0x3;
	s5 =	sadd.s32 $0xF42800, s0  }
.LBB2_5:
0xf: {  	s25 =	sadd.s32 $0x1, s25  }
0x10: {  	p0 =	sne.s32 s25, s6  }
.Ltmp1:
0x11: {  	_ = 	snop;
	(pc) =	sbr.rel @!p0 .LBB2_6-.Ltmp1, $4  }
0x12: {  	[hbm4b:s5+s2] =	stream.linear.scatter [tilespmem:s24], [sflag:$0x3], $0x10000, $0x38;
	[tilespmem:$0x18200] =	vst v63  }
0x13: {  	_ =	swait.ge [sflag:s7], $0x10000  }
0x14: {  	[sflag:s7] =	ssyncset.done $0x0  }
0x15: {  	[sflag:s7] =	ssyncadd.s32 $0xFFFF0000  }
.LBB2_1:
0x16: {  	[tilespmem:s2], [sflag:$0x3] =	stream.linear.gather [hbm4b:s4+s2], $0x200, $0x38;
	[tilespmem:$0x18200] =	vst v63  }
0x17: {  	_ =	swait.ge [sflag:s7], $0x200  }
0x18: {  	[sflag:s7] =	ssyncset.done $0x0  }
0x19: {  	[sflag:s7] =	ssyncadd.s32 $0xFFFFFE00  }
0x1a: {  	v0 =	vld [tilespmem:$0x0];
	_ =	sdelay $0x4  }
0x1b: {  	v0 =	vshll.u32 v0, $0x4  }
0x1c: {  	(v2sf) =	vpush v0, $0x0;
	_ =	sdelay $0x3  }
0x1d: {  	(v2sf) =	vpush v0, $0x1;
	_ =	sdelay $0x5  }
0x1e: {  	(v2sf) =	vpush v0, $0x2  }
0x1f: {  	(v2sf) =	vpush v0, $0x3;
	_ =	sdelay $0x3  }
0x20: {  	s0 =	spop (v2sf)  }
0x21: {  	s0 =	sand.u32 $0xFFFFF80, s0  }
0x22: {  	s1 =	simm.s32 $0x200;
	(v2sf) =	vpush v0, $0x4;
	s0 =	sadd.s32 s3, s0  }
0x23: {  	[tilespmem:s1], [sflag:$0x1] =	stream.linear.gather [hbm4b:s0+s2], $0x400, $0x38;
	[tilespmem:$0x18200] =	vst v63  }
0x24: {  	s1 =	spop (v2sf);
	(v2sf) =	vpush v0, $0x5;
	_ =	sdelay $0x5  }
0x25: {  	s8 =	spop (v2sf);
	(v2sf) =	vpush v0, $0x6  }
0x26: {  	s26 =	spop (v2sf);
	(v2sf) =	vpush v0, $0x7;
	_ =	sdelay $0x1  }
0x27: {  	s0 =	sand.u32 $0xFFFFF80, s1  }
0x28: {  	s0 =	sadd.s32 s3, s0  }
0x29: {  	[tilespmem:s9], [sflag:$0x1] =	stream.linear.gather [hbm4b:s0+s2], $0x400, $0x38;
	[tilespmem:$0x18200] =	vst v63  }
0x2a: {  	s0 =	sand.u32 $0xFFFFF80, s8  }
0x2b: {  	s0 =	sadd.s32 s3, s0;
	s29 =	spop (v2sf);
	(v2sf) =	vpush v0, $0x8  }
0x2c: {  	[tilespmem:s10], [sflag:$0x1] =	stream.linear.gather [hbm4b:s0+s2], $0x400, $0x38;
	[tilespmem:$0x18200] =	vst v63  }
0x2d: {  	s0 =	sand.u32 $0xFFFFF80, s26;
	s31 =	spop (v2sf);
	(v2sf) =	vpush v0, $0x9  }
0x2e: {  	s0 =	sadd.s32 s3, s0  }
0x2f: {  	[tilespmem:s11], [sflag:$0x1] =	stream.linear.gather [hbm4b:s0+s2], $0x400, $0x38;
	[tilespmem:$0x18200] =	vst v63  }
0x30: {  	s0 =	sand.u32 $0xFFFFF80, s29;
	(v2sf) =	vpush v0, $0xA  }
0x31: {  	s0 =	sadd.s32 s3, s0  }
0x32: {  	[tilespmem:s12], [sflag:$0x1] =	stream.linear.gather [hbm4b:s0+s2], $0x400, $0x38;
	[tilespmem:$0x18200] =	vst v63  }
0x33: {  	s0 =	sand.u32 $0xFFFFF80, s31;
	s1 =	spop (v2sf);
	(v2sf) =	vpush v0, $0xB  }
0x34: {  	s0 =	sadd.s32 s3, s0;
	s8 =	spop (v2sf);
	(v2sf) =	vpush v0, $0xC  }
0x35: {  	[tilespmem:s13], [sflag:$0x1] =	stream.linear.gather [hbm4b:s0+s2], $0x400, $0x38;
	[tilespmem:$0x18200] =	vst v63  }
0x36: {  	s0 =	sand.u32 $0xFFFFF80, s1  }
0x37: {  	s0 =	sadd.s32 s3, s0  }
0x38: {  	[tilespmem:s14], [sflag:$0x1] =	stream.linear.gather [hbm4b:s0+s2], $0x400, $0x38;
	[tilespmem:$0x18200] =	vst v63  }
0x39: {  	s0 =	sand.u32 $0xFFFFF80, s8  }
0x3a: {  	s0 =	sadd.s32 s3, s0;
	s26 =	spop (v2sf);
	(v2sf) =	vpush v0, $0xD  }
0x3b: {  	[tilespmem:s15], [sflag:$0x1] =	stream.linear.gather [hbm4b:s0+s2], $0x400, $0x38;
	[tilespmem:$0x18200] =	vst v63  }
0x3c: {  	s0 =	sand.u32 $0xFFFFF80, s26;
	s29 =	spop (v2sf);
	(v2sf) =	vpush v0, $0xE  }
0x3d: {  	s0 =	sadd.s32 s3, s0  }
0x3e: {  	[tilespmem:s16], [sflag:$0x1] =	stream.linear.gather [hbm4b:s0+s2], $0x400, $0x38;
	[tilespmem:$0x18200] =	vst v63  }
0x3f: {  	s0 =	sand.u32 $0xFFFFF80, s29;
	s31 =	spop (v2sf);
	(v2sf) =	vpush v0, $0xF  }
0x40: {  	s0 =	sadd.s32 s3, s0  }
0x41: {  	[tilespmem:s17], [sflag:$0x1] =	stream.linear.gather [hbm4b:s0+s2], $0x400, $0x38;
	[tilespmem:$0x18200] =	vst v63  }
0x42: {  	s26 =	spop (v2sf);
	s0 =	sand.u32 $0xFFFFF80, s31  }
0x43: {  	s1 =	sand.u32 $0xFFFFF80, s26;
	s8 =	spop (v2sf);
	s0 =	sadd.s32 s3, s0  }
0x44: {  	[tilespmem:s18], [sflag:$0x1] =	stream.linear.gather [hbm4b:s0+s2], $0x400, $0x38;
	[tilespmem:$0x18200] =	vst v63  }
0x45: {  	s29 =	sand.u32 $0xFFFFF80, s8;
	s0 =	sadd.s32 s3, s1  }
0x46: {  	[tilespmem:s19], [sflag:$0x1] =	stream.linear.gather [hbm4b:s0+s2], $0x400, $0x38;
	[tilespmem:$0x18200] =	vst v63  }
0x47: {  	s0 =	sadd.s32 s3, s29  }
0x48: {  	[tilespmem:s20], [sflag:$0x1] =	stream.linear.gather [hbm4b:s0+s2], $0x400, $0x38;
	[tilespmem:$0x18200] =	vst v63  }
0x49: {  	s31 =	spop (v2sf)  }
0x4a: {  	s1 =	sand.u32 $0xFFFFF80, s31  }
0x4b: {  	s0 =	sadd.s32 s3, s1;
	s8 =	spop (v2sf)  }
0x4c: {  	[tilespmem:s21], [sflag:$0x1] =	stream.linear.gather [hbm4b:s0+s2], $0x400, $0x38;
	[tilespmem:$0x18200] =	vst v63  }
0x4d: {  	s29 =	sand.u32 $0xFFFFF80, s8  }
.Ltmp2:
0x4e: {  	s31 =	spop (v2sf);
	s0 =	sadd.s32 s3, s29;
	(pc) =	sbr.rel .LBB2_2-.Ltmp2, $4  }
0x4f: {  	[tilespmem:s22], [sflag:$0x1] =	stream.linear.gather [hbm4b:s0+s2], $0x400, $0x38;
	[tilespmem:$0x18200] =	vst v63  }
0x50: {  	s28 =	simm.s32 $0x10;
	s0 =	sand.u32 $0xFFFFF80, s31  }
0x51: {  	s30 =	simm.s32 $0x0;
	s26 =	simm.s32 $0x8600;
	s0 =	sadd.s32 s3, s0  }
0x52: {  	[tilespmem:s23], [sflag:$0x1] =	stream.linear.gather [hbm4b:s0+s2], $0x400, $0x38;
	[tilespmem:$0x18200] =	vst v63  }
.LBB2_4:
0x53: {  	s0 =	sand.u32 $0x1, s30  }
0x54: {  	s1 =	sadd.s32 $0x1, s0  }
0x55: {  	_ =	swait.ge [sflag:s1], $0x400  }
0x56: {  	[sflag:s1] =	ssyncset.done $0x0  }
0x57: {  	[sflag:s1] =	ssyncadd.s32 $0xFFFFFC00  }
0x58: {  	_ =	swait.ge [sflag:s1], $0x400  }
0x59: {  	[sflag:s1] =	ssyncset.done $0x0  }
0x5a: {  	[sflag:s1] =	ssyncadd.s32 $0xFFFFFC00  }
0x5b: {  	_ =	swait.ge [sflag:s1], $0x400  }
0x5c: {  	[sflag:s1] =	ssyncset.done $0x0  }
0x5d: {  	[sflag:s1] =	ssyncadd.s32 $0xFFFFFC00  }
0x5e: {  	_ =	swait.ge [sflag:s1], $0x400  }
0x5f: {  	[sflag:s1] =	ssyncset.done $0x0  }
0x60: {  	[sflag:s1] =	ssyncadd.s32 $0xFFFFFC00  }
0x61: {  	_ =	swait.ge [sflag:s1], $0x400  }
0x62: {  	[sflag:s1] =	ssyncset.done $0x0  }
0x63: {  	[sflag:s1] =	ssyncadd.s32 $0xFFFFFC00  }
0x64: {  	_ =	swait.ge [sflag:s1], $0x400  }
0x65: {  	[sflag:s1] =	ssyncset.done $0x0  }
0x66: {  	[sflag:s1] =	ssyncadd.s32 $0xFFFFFC00  }
0x67: {  	_ =	swait.ge [sflag:s1], $0x400  }
0x68: {  	[sflag:s1] =	ssyncset.done $0x0  }
0x69: {  	[sflag:s1] =	ssyncadd.s32 $0xFFFFFC00  }
0x6a: {  	_ =	swait.ge [sflag:s1], $0x400  }
0x6b: {  	[sflag:s1] =	ssyncset.done $0x0  }
0x6c: {  	[sflag:s1] =	ssyncadd.s32 $0xFFFFFC00  }
0x6d: {  	_ =	swait.ge [sflag:s1], $0x400  }
0x6e: {  	[sflag:s1] =	ssyncset.done $0x0  }
0x6f: {  	[sflag:s1] =	ssyncadd.s32 $0xFFFFFC00  }
0x70: {  	_ =	swait.ge [sflag:s1], $0x400  }
0x71: {  	[sflag:s1] =	ssyncset.done $0x0  }
0x72: {  	[sflag:s1] =	ssyncadd.s32 $0xFFFFFC00  }
0x73: {  	_ =	swait.ge [sflag:s1], $0x400  }
0x74: {  	[sflag:s1] =	ssyncset.done $0x0  }
0x75: {  	[sflag:s1] =	ssyncadd.s32 $0xFFFFFC00  }
0x76: {  	_ =	swait.ge [sflag:s1], $0x400  }
0x77: {  	[sflag:s1] =	ssyncset.done $0x0  }
0x78: {  	[sflag:s1] =	ssyncadd.s32 $0xFFFFFC00  }
0x79: {  	_ =	swait.ge [sflag:s1], $0x400  }
0x7a: {  	[sflag:s1] =	ssyncset.done $0x0  }
0x7b: {  	[sflag:s1] =	ssyncadd.s32 $0xFFFFFC00  }
0x7c: {  	_ =	swait.ge [sflag:s1], $0x400  }
0x7d: {  	[sflag:s1] =	ssyncset.done $0x0  }
0x7e: {  	[sflag:s1] =	ssyncadd.s32 $0xFFFFFC00  }
0x7f: {  	_ =	swait.ge [sflag:s1], $0x400  }
0x80: {  	[sflag:s1] =	ssyncset.done $0x0  }
0x81: {  	[sflag:s1] =	ssyncadd.s32 $0xFFFFFC00  }
0x82: {  	_ =	swait.ge [sflag:s1], $0x400  }
0x83: {  	[sflag:s1] =	ssyncset.done $0x0  }
0x84: {  	[sflag:s1] =	ssyncadd.s32 $0xFFFFFC00  }
0x85: {  	v0 =	vld [tilespmem:s28+$0xFFFFFFF0];
	_ =	sdelay $0x4  }
0x86: {  	v0 =	vshll.u32 v0, $0x7  }
0x87: {  	(v2sf) =	vpush v0, $0x0;
	_ =	sdelay $0xe  }
0x88: {  	s0 =	sshll.u32 s0, $0xE;
	s31 =	spop (v2sf)  }
0x89: {  	s30 =	sor.u32 $0x200, s0;
	s1 =	sand.u32 $0x380, s31  }
0x8a: {  	s0 =	sadd.s32 s1, s30  }
0x8b: {  	v1 =	vld [tilespmem:s0+$0x0];
	_ =	sdelay $0x4  }
0x8c: {  	[tilespmem:s26+$0xFFFFFC00] =	vst v1  }
0x8d: {  	(v2sf) =	vpush v0, $0x1;
	v1 =	vld [tilespmem:s0+$0x10];
	_ =	sdelay $0x4  }
0x8e: {  	[tilespmem:s26+$0xFFFFFC10] =	vst v1  }
0x8f: {  	v1 =	vld [tilespmem:s0+$0x20];
	_ =	sdelay $0x4  }
0x90: {  	[tilespmem:s26+$0xFFFFFC20] =	vst v1  }
0x91: {  	v1 =	vld [tilespmem:s0+$0x30];
	_ =	sdelay $0x2  }
0x92: {  	s1 =	spop (v2sf)  }
0x93: {  	s0 =	sand.u32 $0x380, s1  }
0x94: {  	s0 =	sadd.s32 s0, s30;
	[tilespmem:s26+$0xFFFFFC30] =	vst v1  }
0x95: {  	v1 =	vld [tilespmem:s0+$0x400];
	_ =	sdelay $0x4  }
0x96: {  	[tilespmem:s26+$0xFFFFFC80] =	vst v1  }
0x97: {  	(v2sf) =	vpush v0, $0x2;
	v1 =	vld [tilespmem:s0+$0x410];
	_ =	sdelay $0x4  }
0x98: {  	[tilespmem:s26+$0xFFFFFC90] =	vst v1  }
0x99: {  	v1 =	vld [tilespmem:s0+$0x420];
	_ =	sdelay $0x4  }
0x9a: {  	[tilespmem:s26+$0xFFFFFCA0] =	vst v1  }
0x9b: {  	v1 =	vld [tilespmem:s0+$0x430];
	_ =	sdelay $0x2  }
0x9c: {  	s8 =	spop (v2sf)  }
0x9d: {  	s0 =	sand.u32 $0x380, s8  }
0x9e: {  	s0 =	sadd.s32 s0, s30;
	[tilespmem:s26+$0xFFFFFCB0] =	vst v1  }
0x9f: {  	v1 =	vld [tilespmem:s0+$0x800];
	_ =	sdelay $0x4  }
0xa0: {  	[tilespmem:s26+$0xFFFFFD00] =	vst v1  }
0xa1: {  	(v2sf) =	vpush v0, $0x3;
	v1 =	vld [tilespmem:s0+$0x810];
	_ =	sdelay $0x4  }
0xa2: {  	[tilespmem:s26+$0xFFFFFD10] =	vst v1  }
0xa3: {  	v1 =	vld [tilespmem:s0+$0x820];
	_ =	sdelay $0x4  }
0xa4: {  	[tilespmem:s26+$0xFFFFFD20] =	vst v1  }
0xa5: {  	v1 =	vld [tilespmem:s0+$0x830];
	_ =	sdelay $0x2  }
0xa6: {  	s31 =	spop (v2sf)  }
0xa7: {  	s0 =	sand.u32 $0x380, s31  }
0xa8: {  	s0 =	sadd.s32 s0, s30;
	[tilespmem:s26+$0xFFFFFD30] =	vst v1  }
0xa9: {  	v1 =	vld [tilespmem:s0+$0xC00];
	_ =	sdelay $0x4  }
0xaa: {  	[tilespmem:s26+$0xFFFFFD80] =	vst v1  }
0xab: {  	(v2sf) =	vpush v0, $0x4;
	v1 =	vld [tilespmem:s0+$0xC10];
	_ =	sdelay $0x4  }
0xac: {  	[tilespmem:s26+$0xFFFFFD90] =	vst v1  }
0xad: {  	v1 =	vld [tilespmem:s0+$0xC20];
	_ =	sdelay $0x4  }
0xae: {  	[tilespmem:s26+$0xFFFFFDA0] =	vst v1  }
0xaf: {  	v1 =	vld [tilespmem:s0+$0xC30];
	_ =	sdelay $0x2  }
0xb0: {  	s1 =	spop (v2sf)  }
0xb1: {  	s0 =	sand.u32 $0x380, s1  }
0xb2: {  	s0 =	sadd.s32 s0, s30;
	[tilespmem:s26+$0xFFFFFDB0] =	vst v1  }
0xb3: {  	v1 =	vld [tilespmem:s0+$0x1000];
	_ =	sdelay $0x4  }
0xb4: {  	[tilespmem:s26+$0xFFFFFE00] =	vst v1  }
0xb5: {  	(v2sf) =	vpush v0, $0x5;
	v1 =	vld [tilespmem:s0+$0x1010];
	_ =	sdelay $0x4  }
0xb6: {  	[tilespmem:s26+$0xFFFFFE10] =	vst v1  }
0xb7: {  	v1 =	vld [tilespmem:s0+$0x1020];
	_ =	sdelay $0x4  }
0xb8: {  	[tilespmem:s26+$0xFFFFFE20] =	vst v1  }
0xb9: {  	v1 =	vld [tilespmem:s0+$0x1030];
	_ =	sdelay $0x2  }
0xba: {  	s8 =	spop (v2sf)  }
0xbb: {  	s0 =	sand.u32 $0x380, s8  }
0xbc: {  	s0 =	sadd.s32 s0, s30;
	[tilespmem:s26+$0xFFFFFE30] =	vst v1  }
0xbd: {  	v1 =	vld [tilespmem:s0+$0x1400];
	_ =	sdelay $0x4  }
0xbe: {  	[tilespmem:s26+$0xFFFFFE80] =	vst v1  }
0xbf: {  	(v2sf) =	vpush v0, $0x6;
	v1 =	vld [tilespmem:s0+$0x1410];
	_ =	sdelay $0x4  }
0xc0: {  	[tilespmem:s26+$0xFFFFFE90] =	vst v1  }
0xc1: {  	v1 =	vld [tilespmem:s0+$0x1420];
	_ =	sdelay $0x4  }
0xc2: {  	[tilespmem:s26+$0xFFFFFEA0] =	vst v1  }
0xc3: {  	v1 =	vld [tilespmem:s0+$0x1430];
	_ =	sdelay $0x2  }
0xc4: {  	s31 =	spop (v2sf)  }
0xc5: {  	s0 =	sand.u32 $0x380, s31  }
0xc6: {  	s0 =	sadd.s32 s0, s30;
	[tilespmem:s26+$0xFFFFFEB0] =	vst v1  }
0xc7: {  	v1 =	vld [tilespmem:s0+$0x1800];
	_ =	sdelay $0x4  }
0xc8: {  	[tilespmem:s26+$0xFFFFFF00] =	vst v1  }
0xc9: {  	(v2sf) =	vpush v0, $0x7;
	v1 =	vld [tilespmem:s0+$0x1810];
	_ =	sdelay $0x4  }
0xca: {  	[tilespmem:s26+$0xFFFFFF10] =	vst v1  }
0xcb: {  	v1 =	vld [tilespmem:s0+$0x1820];
	_ =	sdelay $0x4  }
0xcc: {  	[tilespmem:s26+$0xFFFFFF20] =	vst v1  }
0xcd: {  	v1 =	vld [tilespmem:s0+$0x1830];
	_ =	sdelay $0x2  }
0xce: {  	s1 =	spop (v2sf)  }
0xcf: {  	s0 =	sand.u32 $0x380, s1  }
0xd0: {  	s0 =	sadd.s32 s0, s30;
	[tilespmem:s26+$0xFFFFFF30] =	vst v1  }
0xd1: {  	v1 =	vld [tilespmem:s0+$0x1C00];
	_ =	sdelay $0x4  }
0xd2: {  	[tilespmem:s26+$0xFFFFFF80] =	vst v1  }
0xd3: {  	(v2sf) =	vpush v0, $0x8;
	v1 =	vld [tilespmem:s0+$0x1C10];
	_ =	sdelay $0x4  }
0xd4: {  	[tilespmem:s26+$0xFFFFFF90] =	vst v1  }
0xd5: {  	v1 =	vld [tilespmem:s0+$0x1C20];
	_ =	sdelay $0x4  }
0xd6: {  	[tilespmem:s26+$0xFFFFFFA0] =	vst v1  }
0xd7: {  	v1 =	vld [tilespmem:s0+$0x1C30];
	_ =	sdelay $0x2  }
0xd8: {  	s8 =	spop (v2sf)  }
0xd9: {  	s0 =	sand.u32 $0x380, s8  }
0xda: {  	s0 =	sadd.s32 s0, s30;
	[tilespmem:s26+$0xFFFFFFB0] =	vst v1  }
0xdb: {  	v1 =	vld [tilespmem:s0+$0x2000];
	_ =	sdelay $0x4  }
0xdc: {  	[tilespmem:s26+$0x0] =	vst v1  }
0xdd: {  	(v2sf) =	vpush v0, $0x9;
	v1 =	vld [tilespmem:s0+$0x2010];
	_ =	sdelay $0x4  }
0xde: {  	[tilespmem:s26+$0x10] =	vst v1  }
0xdf: {  	v1 =	vld [tilespmem:s0+$0x2020];
	_ =	sdelay $0x4  }
0xe0: {  	[tilespmem:s26+$0x20] =	vst v1  }
0xe1: {  	v1 =	vld [tilespmem:s0+$0x2030];
	_ =	sdelay $0x2  }
0xe2: {  	s31 =	spop (v2sf)  }
0xe3: {  	s0 =	sand.u32 $0x380, s31  }
0xe4: {  	s0 =	sadd.s32 s0, s30;
	[tilespmem:s26+$0x30] =	vst v1  }
0xe5: {  	v1 =	vld [tilespmem:s0+$0x2400];
	_ =	sdelay $0x4  }
0xe6: {  	[tilespmem:s26+$0x80] =	vst v1  }
0xe7: {  	(v2sf) =	vpush v0, $0xA;
	v1 =	vld [tilespmem:s0+$0x2410];
	_ =	sdelay $0x4  }
0xe8: {  	[tilespmem:s26+$0x90] =	vst v1  }
0xe9: {  	v1 =	vld [tilespmem:s0+$0x2420];
	_ =	sdelay $0x4  }
0xea: {  	[tilespmem:s26+$0xA0] =	vst v1  }
0xeb: {  	v1 =	vld [tilespmem:s0+$0x2430];
	_ =	sdelay $0x2  }
0xec: {  	s1 =	spop (v2sf)  }
0xed: {  	s0 =	sand.u32 $0x380, s1  }
0xee: {  	s0 =	sadd.s32 s0, s30;
	[tilespmem:s26+$0xB0] =	vst v1  }
0xef: {  	v1 =	vld [tilespmem:s0+$0x2800];
	_ =	sdelay $0x4  }
0xf0: {  	[tilespmem:s26+$0x100] =	vst v1  }
0xf1: {  	(v2sf) =	vpush v0, $0xB;
	v1 =	vld [tilespmem:s0+$0x2810];
	_ =	sdelay $0x4  }
0xf2: {  	[tilespmem:s26+$0x110] =	vst v1  }
0xf3: {  	v1 =	vld [tilespmem:s0+$0x2820];
	_ =	sdelay $0x4  }
0xf4: {  	[tilespmem:s26+$0x120] =	vst v1  }
0xf5: {  	v1 =	vld [tilespmem:s0+$0x2830];
	_ =	sdelay $0x2  }
0xf6: {  	s8 =	spop (v2sf)  }
0xf7: {  	s0 =	sand.u32 $0x380, s8  }
0xf8: {  	s0 =	sadd.s32 s0, s30;
	[tilespmem:s26+$0x130] =	vst v1  }
0xf9: {  	v1 =	vld [tilespmem:s0+$0x2C00];
	_ =	sdelay $0x4  }
0xfa: {  	[tilespmem:s26+$0x180] =	vst v1  }
0xfb: {  	(v2sf) =	vpush v0, $0xC;
	v1 =	vld [tilespmem:s0+$0x2C10];
	_ =	sdelay $0x4  }
0xfc: {  	[tilespmem:s26+$0x190] =	vst v1  }
0xfd: {  	v1 =	vld [tilespmem:s0+$0x2C20];
	_ =	sdelay $0x4  }
0xfe: {  	[tilespmem:s26+$0x1A0] =	vst v1  }
0xff: {  	v1 =	vld [tilespmem:s0+$0x2C30];
	_ =	sdelay $0x2  }
0x100: {  	s31 =	spop (v2sf)  }
0x101: {  	s0 =	sand.u32 $0x380, s31  }
0x102: {  	s0 =	sadd.s32 s0, s30;
	[tilespmem:s26+$0x1B0] =	vst v1  }
0x103: {  	v1 =	vld [tilespmem:s0+$0x3000];
	_ =	sdelay $0x4  }
0x104: {  	[tilespmem:s26+$0x200] =	vst v1  }
0x105: {  	(v2sf) =	vpush v0, $0xD;
	v1 =	vld [tilespmem:s0+$0x3010];
	_ =	sdelay $0x4  }
0x106: {  	[tilespmem:s26+$0x210] =	vst v1  }
0x107: {  	v1 =	vld [tilespmem:s0+$0x3020];
	_ =	sdelay $0x4  }
0x108: {  	[tilespmem:s26+$0x220] =	vst v1  }
0x109: {  	v1 =	vld [tilespmem:s0+$0x3030];
	_ =	sdelay $0x2  }
0x10a: {  	s1 =	spop (v2sf)  }
0x10b: {  	s0 =	sand.u32 $0x380, s1  }
0x10c: {  	s0 =	sadd.s32 s0, s30;
	[tilespmem:s26+$0x230] =	vst v1  }
0x10d: {  	v1 =	vld [tilespmem:s0+$0x3400];
	_ =	sdelay $0x4  }
0x10e: {  	[tilespmem:s26+$0x280] =	vst v1  }
0x10f: {  	(v2sf) =	vpush v0, $0xE;
	v1 =	vld [tilespmem:s0+$0x3410];
	_ =	sdelay $0x4  }
0x110: {  	[tilespmem:s26+$0x290] =	vst v1  }
0x111: {  	v1 =	vld [tilespmem:s0+$0x3420];
	_ =	sdelay $0x4  }
0x112: {  	[tilespmem:s26+$0x2A0] =	vst v1  }
0x113: {  	v1 =	vld [tilespmem:s0+$0x3430];
	_ =	sdelay $0x2  }
0x114: {  	s8 =	spop (v2sf)  }
0x115: {  	s0 =	sand.u32 $0x380, s8  }
0x116: {  	s0 =	sadd.s32 s0, s30;
	[tilespmem:s26+$0x2B0] =	vst v1  }
0x117: {  	v1 =	vld [tilespmem:s0+$0x3800];
	_ =	sdelay $0x4  }
0x118: {  	[tilespmem:s26+$0x300] =	vst v1  }
0x119: {  	(v2sf) =	vpush v0, $0xF;
	v1 =	vld [tilespmem:s0+$0x3810];
	_ =	sdelay $0x4  }
0x11a: {  	[tilespmem:s26+$0x310] =	vst v1  }
0x11b: {  	v63 =	vld [tilespmem:s0+$0x3820];
	_ =	sdelay $0x4  }
0x11c: {  	[tilespmem:s26+$0x320] =	vst v63  }
0x11d: {  	v0 =	vld [tilespmem:s0+$0x3830];
	_ =	sdelay $0x2  }
0x11e: {  	s31 =	spop (v2sf)  }
0x11f: {  	s0 =	sand.u32 $0x380, s31  }
0x120: {  	s0 =	sadd.s32 s0, s30;
	[tilespmem:s26+$0x330] =	vst v0  }
0x121: {  	v0 =	vld [tilespmem:s0+$0x3C00];
	_ =	sdelay $0x4  }
0x122: {  	[tilespmem:s26+$0x380] =	vst v0  }
0x123: {  	v0 =	vld [tilespmem:s0+$0x3C10];
	_ =	sdelay $0x4  }
0x124: {  	[tilespmem:s26+$0x390] =	vst v0  }
0x125: {  	v0 =	vld [tilespmem:s0+$0x3C20];
	_ =	sdelay $0x4  }
0x126: {  	[tilespmem:s26+$0x3A0] =	vst v0  }
0x127: {  	p0 =	sne.s32 s29, $0x20;
	v0 =	vld [tilespmem:s0+$0x3C30]  }
.Ltmp3:
0x128: {  	_ = 	snop;
	(pc) =	sbr.rel @!p0 .LBB2_5-.Ltmp3, $2  }
0x129: {  	_ =	sdelay $0x2  }
0x12a: {  	s28 =	sadd.s32 $0x10, s28;
	s30 =	smov.u32 s29;
	[tilespmem:s26+$0x3B0] =	vst v0;
	s26 =	sadd.s32 $0x800, s26  }
.LBB2_2:
0x12b: {  	p0 =	seq.s32 s30, $0x1F  }
.Ltmp4:
0x12c: {  	_ = 	snop;
	(pc) =	sbr.rel @p0 .LBB2_4-.Ltmp4, $2  }
0x12d: {  	_ =	sdelay $0x2  }
0x12e: {  	s29 =	sadd.s32 $0x1, s30  }
0x12f: {  	v0 =	vld [tilespmem:s28+$0x0];
	_ =	sdelay $0x4  }
0x130: {  	v0 =	vshll.u32 v0, $0x4  }
0x131: {  	(v2sf) =	vpush v0, $0x0;
	_ =	sdelay $0x3  }
0x132: {  	(v2sf) =	vpush v0, $0x1;
	_ =	sdelay $0x3  }
0x133: {  	(v2sf) =	vpush v0, $0x2;
	_ =	sdelay $0x3  }
0x134: {  	(v2sf) =	vpush v0, $0x3;
	_ =	sdelay $0x2  }
0x135: {  	s0 =	sand.u32 $0x1, s29;
	s1 =	spop (v2sf)  }
0x136: {  	s31 =	sshll.u32 s0, $0xE;
	(v2sf) =	vpush v0, $0x4;
	s1 =	sand.u32 $0xFFFFF80, s1  }
0x137: {  	s0 =	sadd.s32 $0x1, s0;
	s8 =	sor.u32 $0x200, s31;
	s1 =	sadd.s32 s3, s1  }
0x138: {  	[tilespmem:s8], [sflag:s0] =	stream.linear.gather [hbm4b:s1+s2], $0x400, $0x38;
	[tilespmem:$0x18200] =	vst v63  }
0x139: {  	s8 =	spop (v2sf)  }
0x13a: {  	(v2sf) =	vpush v0, $0x5;
	s1 =	sand.u32 $0xFFFFF80, s8  }
0x13b: {  	s8 =	sor.u32 $0x600, s31;
	s1 =	sadd.s32 s3, s1  }
0x13c: {  	[tilespmem:s8], [sflag:s0] =	stream.linear.gather [hbm4b:s1+s2], $0x400, $0x38;
	[tilespmem:$0x18200] =	vst v63  }
0x13d: {  	s8 =	spop (v2sf)  }
0x13e: {  	(v2sf) =	vpush v0, $0x6;
	s1 =	sand.u32 $0xFFFFF80, s8  }
0x13f: {  	s8 =	sor.u32 $0xA00, s31;
	s1 =	sadd.s32 s3, s1  }
0x140: {  	[tilespmem:s8], [sflag:s0] =	stream.linear.gather [hbm4b:s1+s2], $0x400, $0x38;
	[tilespmem:$0x18200] =	vst v63  }
0x141: {  	s8 =	spop (v2sf)  }
0x142: {  	(v2sf) =	vpush v0, $0x7;
	s1 =	sand.u32 $0xFFFFF80, s8  }
0x143: {  	s8 =	sor.u32 $0xE00, s31;
	s1 =	sadd.s32 s3, s1  }
0x144: {  	[tilespmem:s8], [sflag:s0] =	stream.linear.gather [hbm4b:s1+s2], $0x400, $0x38;
	[tilespmem:$0x18200] =	vst v63  }
0x145: {  	s8 =	spop (v2sf)  }
0x146: {  	(v2sf) =	vpush v0, $0x8;
	s1 =	sand.u32 $0xFFFFF80, s8  }
0x147: {  	s8 =	sor.u32 $0x1200, s31;
	s1 =	sadd.s32 s3, s1  }
0x148: {  	[tilespmem:s8], [sflag:s0] =	stream.linear.gather [hbm4b:s1+s2], $0x400, $0x38;
	[tilespmem:$0x18200] =	vst v63  }
0x149: {  	s8 =	spop (v2sf)  }
0x14a: {  	(v2sf) =	vpush v0, $0x9;
	s1 =	sand.u32 $0xFFFFF80, s8  }
0x14b: {  	s8 =	sor.u32 $0x1600, s31;
	s1 =	sadd.s32 s3, s1  }
0x14c: {  	[tilespmem:s8], [sflag:s0] =	stream.linear.gather [hbm4b:s1+s2], $0x400, $0x38;
	[tilespmem:$0x18200] =	vst v63  }
0x14d: {  	s8 =	spop (v2sf)  }
0x14e: {  	(v2sf) =	vpush v0, $0xA;
	s1 =	sand.u32 $0xFFFFF80, s8  }
0x14f: {  	s8 =	sor.u32 $0x1A00, s31;
	s1 =	sadd.s32 s3, s1  }
0x150: {  	[tilespmem:s8], [sflag:s0] =	stream.linear.gather [hbm4b:s1+s2], $0x400, $0x38;
	[tilespmem:$0x18200] =	vst v63  }
0x151: {  	s8 =	spop (v2sf)  }
0x152: {  	(v2sf) =	vpush v0, $0xB;
	s1 =	sand.u32 $0xFFFFF80, s8  }
0x153: {  	s8 =	sor.u32 $0x1E00, s31;
	s1 =	sadd.s32 s3, s1  }
0x154: {  	[tilespmem:s8], [sflag:s0] =	stream.linear.gather [hbm4b:s1+s2], $0x400, $0x38;
	[tilespmem:$0x18200] =	vst v63  }
0x155: {  	s8 =	spop (v2sf)  }
0x156: {  	(v2sf) =	vpush v0, $0xC;
	s1 =	sand.u32 $0xFFFFF80, s8  }
0x157: {  	s8 =	sor.u32 $0x2200, s31;
	s1 =	sadd.s32 s3, s1  }
0x158: {  	[tilespmem:s8], [sflag:s0] =	stream.linear.gather [hbm4b:s1+s2], $0x400, $0x38;
	[tilespmem:$0x18200] =	vst v63  }
0x159: {  	s8 =	spop (v2sf)  }
0x15a: {  	(v2sf) =	vpush v0, $0xD;
	s1 =	sand.u32 $0xFFFFF80, s8  }
0x15b: {  	s8 =	sor.u32 $0x2600, s31;
	s1 =	sadd.s32 s3, s1  }
0x15c: {  	[tilespmem:s8], [sflag:s0] =	stream.linear.gather [hbm4b:s1+s2], $0x400, $0x38;
	[tilespmem:$0x18200] =	vst v63  }
0x15d: {  	s8 =	spop (v2sf)  }
0x15e: {  	(v2sf) =	vpush v0, $0xE;
	s1 =	sand.u32 $0xFFFFF80, s8  }
0x15f: {  	s8 =	sor.u32 $0x2A00, s31;
	s1 =	sadd.s32 s3, s1  }
0x160: {  	[tilespmem:s8], [sflag:s0] =	stream.linear.gather [hbm4b:s1+s2], $0x400, $0x38;
	[tilespmem:$0x18200] =	vst v63  }
0x161: {  	s8 =	spop (v2sf)  }
0x162: {  	s1 =	sand.u32 $0xFFFFF80, s8  }
0x163: {  	(v2sf) =	vpush v0, $0xF;
	s8 =	sor.u32 $0x2E00, s31;
	s1 =	sadd.s32 s3, s1  }
0x164: {  	[tilespmem:s8], [sflag:s0] =	stream.linear.gather [hbm4b:s1+s2], $0x400, $0x38;
	[tilespmem:$0x18200] =	vst v63  }
0x165: {  	s8 =	spop (v2sf)  }
0x166: {  	s1 =	sand.u32 $0xFFFFF80, s8  }
0x167: {  	s8 =	sor.u32 $0x3200, s31;
	s1 =	sadd.s32 s3, s1  }
0x168: {  	[tilespmem:s8], [sflag:s0] =	stream.linear.gather [hbm4b:s1+s2], $0x400, $0x38;
	[tilespmem:$0x18200] =	vst v63  }
0x169: {  	s8 =	spop (v2sf)  }
0x16a: {  	s1 =	sand.u32 $0xFFFFF80, s8  }
0x16b: {  	s8 =	sor.u32 $0x3600, s31;
	s1 =	sadd.s32 s3, s1  }
0x16c: {  	[tilespmem:s8], [sflag:s0] =	stream.linear.gather [hbm4b:s1+s2], $0x400, $0x38;
	[tilespmem:$0x18200] =	vst v63  }
0x16d: {  	s8 =	spop (v2sf)  }
0x16e: {  	s1 =	sand.u32 $0xFFFFF80, s8  }
0x16f: {  	s8 =	sor.u32 $0x3A00, s31;
	s1 =	sadd.s32 s3, s1  }
0x170: {  	[tilespmem:s8], [sflag:s0] =	stream.linear.gather [hbm4b:s1+s2], $0x400, $0x38;
	[tilespmem:$0x18200] =	vst v63  }
.Ltmp5:
0x171: {  	_ = 	snop;
	(pc) =	sbr.rel .LBB2_4-.Ltmp5, $4  }
0x172: {  	s8 =	spop (v2sf)  }
0x173: {  	s1 =	sand.u32 $0xFFFFF80, s8  }
0x174: {  	s31 =	sor.u32 $0x3E00, s31;
	s1 =	sadd.s32 s3, s1  }
0x175: {  	[tilespmem:s31], [sflag:s0] =	stream.linear.gather [hbm4b:s1+s2], $0x400, $0x38;
	[tilespmem:$0x18200] =	vst v63  }
.LBB2_6:
0x176: {  	_ =	sfence.sel $0x180000  }
0x177: {  	[bflag:$0x0] =	sbarrier.arrive $0xFFFF  }
0x178: {  	_ =	strace $0x90000047  }
0x179: {  	s0 =	stileid.u32;
	[bflag:$0x2] =	sbarrier.arrive $0xFFFF  }
0x17a: {  	p0 =	sne.s32 s0, $0x0;
	s0 =	rddreg [dreg:$0x2]  }
0x17b: {  	s0 =	sadd.s32 @!p0 $0x100000, s0  }
0x17c: {  	[sflag:s0] =	ssyncadd.tile.s32 @!p0 $0x1;
	_ =	shalt  }
.Lfunc_end2:
_tile_overlayer_lowered:
.L_overlay_start_2:
0x17d: {  	(tag) =	ssettag $0x2  }
0x17e: {  	s0 =	rddreg [dreg:$0x0];
	s2 =	stileid.u32  }
0x17f: {  	s1 =	rddreg [dreg:$0x1];
	p0 =	sne.s32 s2, $0x0  }
0x180: {  	s3 =	rddreg [dreg:$0x2];
	[bflag:$0x3] =	sbarrier.arrive $0xFFFF;
	s2 =	simm.s32 @!p0 $0x1C03  }
0x181: {  	[timem:s3], [sflag:s2] =	dma.local @!p0 [hbm:s0], s1  }
0x182: {  	s0 =	simm.s32 @!p0 $0x3  }
0x183: {  	_ =	swait.ge @!p0 [sflag:s0], s1  }
0x184: {  	s1 =	ssub.s32 @!p0 $0x0, s1;
	[sflag:s0] =	ssyncset.done @!p0 $0x0  }
0x185: {  	[sflag:s0] =	ssyncadd.s32 @!p0 s1  }
0x186: {  	[bflag:$0x3] =	sbarrier.arrive $0xFFFF  }
0x187: {  	_ =	shalt  }

</sc_bundles>
